<compile_context>
chip_gen: v7x
topology: tpu7x:2x2x1
jax: 0.10.2.dev20260603
libtpu: 0.0.44.dev20260713+nightly
codegen_flags: <defaults>
</compile_context>

<pallas_src>
import functools

import jax
import jax.numpy as jnp
from jax import lax
from jax.experimental import pallas as pl
from jax.experimental.pallas import tpu as pltpu
from jax.experimental.pallas import tpu_sc as plsc

N = 10000
D = 128
E = 320000
NC = 2
NS = 16
NW = NC * NS
CHUNK = 128
CPW0 = 96
CPW1 = 64
R0 = NS * CPW0
R1 = NS * CPW1
E0 = NS * (CPW0 - 1) * CHUNK
T_ROWS = R0 + R1 + 8
CPW = 80
N_ACC = 10240
RPT = N_ACC // NS
EPS = 1e-5

_MESH = plsc.VectorSubcoreMesh(core_axis_name="c", subcore_axis_name="s")


def _zero_fill(buf):

    @pl.loop(0, CHUNK)
    def _(r):
        @pl.loop(0, D // 16)
        def _(cc):
            buf[r, pl.ds(cc * 16, 16)] = jnp.zeros((16,), jnp.float32)


def _sc_aggregate(h, src3, dst3):

    @functools.partial(
        pl.kernel,
        out_type=jax.ShapeDtypeStruct((NC, N_ACC, D), jnp.float32),
        mesh=_MESH,
        scratch_types=[
            pltpu.VMEM((CPW0, CHUNK), jnp.int32),
            pltpu.VMEM((CPW0, CHUNK), jnp.int32),
            pltpu.VMEM((CHUNK, D), jnp.float32),
            pltpu.VMEM_SHARED((N_ACC, D), jnp.float32),
            pltpu.SemaphoreType.DMA,
        ],
    )
    def k(h_hbm, src_hbm, dst_hbm, agg_hbm, src_v, dst_v, gbuf, acc, sem):
        c = lax.axis_index("c")
        s = lax.axis_index("s")

        _zero_fill(gbuf)
        for kk in range(RPT // CHUNK):
            pltpu.sync_copy(gbuf, acc.at[pl.ds(s * RPT + kk * CHUNK, CHUNK)])
        plsc.subcore_barrier()

        @pl.when(c == 0)
        def _():
            base = s * CPW0
            pltpu.sync_copy(src_hbm.at[pl.ds(base, CPW0)], src_v)
            pltpu.sync_copy(dst_hbm.at[pl.ds(base, CPW0)], dst_v)

            @pl.loop(0, CPW0)
            def _(j):
                pltpu.async_copy(h_hbm.at[src_v.at[j]], gbuf, sem).wait()
                pltpu.sync_copy(gbuf, acc.at[dst_v.at[j]], add=True)

        @pl.when(c == 1)
        def _():
            base = R0 + s * CPW1
            pltpu.sync_copy(src_hbm.at[pl.ds(base, CPW1)],
                            src_v.at[pl.ds(0, CPW1)])
            pltpu.sync_copy(dst_hbm.at[pl.ds(base, CPW1)],
                            dst_v.at[pl.ds(0, CPW1)])

            @pl.loop(0, CPW1)
            def _(j):
                pltpu.async_copy(h_hbm.at[src_v.at[j]], gbuf, sem).wait()
                pltpu.sync_copy(gbuf, acc.at[dst_v.at[j]], add=True)

        plsc.subcore_barrier()
        pltpu.sync_copy(acc.at[pl.ds(s * RPT, RPT)],
                        agg_hbm.at[c, pl.ds(s * RPT, RPT)])

    return k(h, src3, dst3)


def _sc_degree(dst3):

    @functools.partial(
        pl.kernel,
        out_type=jax.ShapeDtypeStruct((NC, N_ACC, D), jnp.float32),
        mesh=_MESH,
        scratch_types=[
            pltpu.VMEM((CPW, CHUNK), jnp.int32),
            pltpu.VMEM((CHUNK, D), jnp.float32),
            pltpu.VMEM_SHARED((N_ACC, D), jnp.float32),
            pltpu.SemaphoreType.DMA,
        ],
    )
    def k(dst_hbm, deg_hbm, dst_v, obuf, dacc, sem):
        c = lax.axis_index("c")
        s = lax.axis_index("s")
        wid = c * NS + s

        pltpu.sync_copy(dst_hbm.at[pl.ds(wid * CPW, CPW)], dst_v)

        _zero_fill(obuf)
        for kk in range(RPT // CHUNK):
            pltpu.sync_copy(obuf, dacc.at[pl.ds(s * RPT + kk * CHUNK, CHUNK)])

        @pl.loop(0, CHUNK)
        def _(r):
            obuf[r, pl.ds(0, 16)] = jnp.ones((16,), jnp.float32)

        plsc.subcore_barrier()

        @pl.loop(0, CPW)
        def _(j):
            pltpu.sync_copy(obuf, dacc.at[dst_v.at[j]], add=True)

        plsc.subcore_barrier()
        pltpu.sync_copy(dacc.at[pl.ds(s * RPT, RPT)],
                        deg_hbm.at[c, pl.ds(s * RPT, RPT)])

    return k(dst3)


BM = 1000
NB = N // BM


def _tc_matmul_stats(agg2, deg2, h, Wl, bl, Wr, with_stats):

    def body(agg_ref, deg_ref, h_ref, Wl_ref, bl_ref, Wr_ref, t_ref, *rest):
        i = pl.program_id(0)
        agg = agg_ref[0] + agg_ref[1]
        deg = deg_ref[0, :, 0:1] + deg_ref[1, :, 0:1]
        inv = 1.0 / jnp.maximum(deg, 1.0)
        t = (
            jnp.dot(agg * inv, Wl_ref[...], preferred_element_type=jnp.float32,
                    precision=lax.Precision.HIGHEST)
            + jnp.dot(h_ref[...], Wr_ref[...], preferred_element_type=jnp.float32,
                      precision=lax.Precision.HIGHEST)
            + bl_ref[...]
        )
        t_ref[...] = t
        if with_stats:
            (stats_ref,) = rest
            s1 = jnp.sum(t, axis=0, keepdims=True)
            s2 = jnp.sum(t * t, axis=0, keepdims=True)
            sval = jnp.concatenate(
                [s1, s2, jnp.zeros((6, D), jnp.float32)], axis=0)

            @pl.when(i == 0)
            def _():
                stats_ref[...] = sval

            @pl.when(i > 0)
            def _():
                stats_ref[...] += sval

    out_shape = [jax.ShapeDtypeStruct((N, D), jnp.float32)]
    out_specs = [pl.BlockSpec((BM, D), lambda i: (i, 0))]
    if with_stats:
        out_shape.append(jax.ShapeDtypeStruct((8, D), jnp.float32))
        out_specs.append(pl.BlockSpec((8, D), lambda i: (0, 0)))
    return pl.pallas_call(
        body,
        grid=(NB,),
        in_specs=[
            pl.BlockSpec((2, BM, D), lambda i: (0, i, 0)),
            pl.BlockSpec((2, BM, 8), lambda i: (0, i, 0)),
            pl.BlockSpec((BM, D), lambda i: (i, 0)),
            pl.BlockSpec((D, D), lambda i: (0, 0)),
            pl.BlockSpec((1, D), lambda i: (0, 0)),
            pl.BlockSpec((D, D), lambda i: (0, 0)),
        ],
        out_specs=out_specs if with_stats else out_specs[0],
        out_shape=out_shape if with_stats else out_shape[0],
    )(agg2, deg2, h, Wl, bl.reshape(1, D), Wr)


def _tc_bn_relu(t, stats, g, b):

    def body(t_ref, stats_ref, g_ref, b_ref, o_ref):
        mu = stats_ref[0:1, :] * (1.0 / N)
        ex2 = stats_ref[1:2, :] * (1.0 / N)
        var = ex2 - mu * mu
        o_ref[...] = jnp.maximum(
            g_ref[...] * (t_ref[...] - mu) * lax.rsqrt(var + EPS) + b_ref[...],
            0.0)

    return pl.pallas_call(
        body,
        grid=(NB,),
        in_specs=[
            pl.BlockSpec((BM, D), lambda i: (i, 0)),
            pl.BlockSpec((8, D), lambda i: (0, 0)),
            pl.BlockSpec((1, D), lambda i: (0, 0)),
            pl.BlockSpec((1, D), lambda i: (0, 0)),
        ],
        out_specs=pl.BlockSpec((BM, D), lambda i: (i, 0)),
        out_shape=jax.ShapeDtypeStruct((N, D), jnp.float32),
    )(t, stats, g.reshape(1, D), b.reshape(1, D))


def _tc_layer(agg2, deg2, h, Wl, bl, Wr, g, b, bn_relu):
    if bn_relu:
        t, stats = _tc_matmul_stats(agg2, deg2, h, Wl, bl, Wr, True)
        return _tc_bn_relu(t, stats, g, b)
    return _tc_matmul_stats(agg2, deg2, h, Wl, bl, Wr, False)


def kernel(x, edge_index, Wl0, bl0, Wr0, g0, b0, Wl1, bl1, Wr1, g1, b1,
           Wl2, bl2, Wr2):
    src = edge_index[0]
    dst = edge_index[1]
    pad = T_ROWS * CHUNK - E
    pad_dst = (N + jnp.arange(pad, dtype=jnp.int32) % (N_ACC - N))
    src3 = jnp.concatenate(
        [src, jnp.zeros((pad,), jnp.int32)]).reshape(T_ROWS, CHUNK)
    dst3 = jnp.concatenate([dst, pad_dst]).reshape(T_ROWS, CHUNK)

    deg_full = _sc_degree(dst3)
    deg2 = deg_full[:, :, :8]

    agg2 = _sc_aggregate(x, src3, dst3)
    h1 = _tc_layer(agg2, deg2, x, Wl0, bl0, Wr0, g0, b0, True)
    agg2 = _sc_aggregate(h1, src3, dst3)
    h2 = _tc_layer(agg2, deg2, h1, Wl1, bl1, Wr1, g1, b1, True)
    agg2 = _sc_aggregate(h2, src3, dst3)
    return _tc_layer(agg2, deg2, h2, Wl2, bl2, Wr2, None, None, False)

# --- scband reference (transcript-rebuilt; emitter-appended) ---
"""Pipeline reference for scband-sage-29686813950021 (READ-ONLY COPY).

The authoritative reference and input builder live on the scoring server;
editing this copy changes nothing except your own understanding.
"""

import jax, jax.numpy as jnp
import numpy as np

N = 10000
E = 320000
D_IN = 128
D_HID = 128
D_OUT = 128


def _lin_init(key, fan_in, fan_out):
    s = 1.0 / np.sqrt(fan_in)
    return jax.random.uniform(key, (fan_in, fan_out), minval=-s, maxval=s, dtype=jnp.float32)


def setup_inputs(seed: int = 0) -> dict:
    key = jax.random.key(seed)
    ks = jax.random.split(key, 16)
    inp = {}
    inp["x"] = jax.random.normal(ks[0], (N, D_IN), dtype=jnp.float32)
    inp["edge_index"] = jax.random.randint(ks[1], (2, E), 0, N, dtype=jnp.int32)
    # SAGEConv 0: lin_l (with bias) applied to aggregated neighbors, lin_r (no bias) to root
    inp["Wl0"] = _lin_init(ks[2], D_IN, D_HID)
    inp["bl0"] = jnp.zeros((D_HID,), dtype=jnp.float32)
    inp["Wr0"] = _lin_init(ks[3], D_IN, D_HID)
    inp["g0"] = jnp.ones((D_HID,), dtype=jnp.float32)
    inp["b0"] = jnp.zeros((D_HID,), dtype=jnp.float32)
    # SAGEConv 1
    inp["Wl1"] = _lin_init(ks[4], D_HID, D_HID)
    inp["bl1"] = jnp.zeros((D_HID,), dtype=jnp.float32)
    inp["Wr1"] = _lin_init(ks[5], D_HID, D_HID)
    inp["g1"] = jnp.ones((D_HID,), dtype=jnp.float32)
    inp["b1"] = jnp.zeros((D_HID,), dtype=jnp.float32)
    # SAGEConv 2 (output layer, no BN/relu after)
    inp["Wl2"] = _lin_init(ks[6], D_HID, D_OUT)
    inp["bl2"] = jnp.zeros((D_OUT,), dtype=jnp.float32)
    inp["Wr2"] = _lin_init(ks[7], D_HID, D_OUT)
    return inp


def _sage_conv(h, edge_index, Wl, bl, Wr):
    # PyG SAGEConv with mean aggregation:
    # out = lin_l(mean_{j in N(i)} x_j) + lin_r(x_i)
    src = edge_index[0]
    dst = edge_index[1]
    n = h.shape[0]
    msg = jnp.take(h, src, axis=0)                      # gather (SparseCore)
    agg = jax.ops.segment_sum(msg, dst, num_segments=n)  # scatter-add
    deg = jax.ops.segment_sum(jnp.ones((edge_index.shape[1],), dtype=h.dtype), dst, num_segments=n)
    agg = agg / jnp.maximum(deg, 1.0)[:, None]
    return agg @ Wl + bl + h @ Wr


def _batchnorm(h, g, b, eps=1e-5):
    mu = jnp.mean(h, axis=0)
    var = jnp.var(h, axis=0)
    return g * (h - mu) / jnp.sqrt(var + eps) + b


def reference(x, edge_index, Wl0, bl0, Wr0, g0, b0, Wl1, bl1, Wr1, g1, b1, Wl2, bl2, Wr2):
    # dropout p=0.0 -> identity, omitted
    h = _sage_conv(x, edge_index, Wl0, bl0, Wr0)
    h = _batchnorm(h, g0, b0)
    h = jax.nn.relu(h)
    h = _sage_conv(h, edge_index, Wl1, bl1, Wr1)
    h = _batchnorm(h, g1, b1)
    h = jax.nn.relu(h)
    h = _sage_conv(h, edge_index, Wl2, bl2, Wr2)
    return h

if __name__ == "__main__":
    import jax
    _d = setup_inputs()
    print(jax.jit(kernel)(*tuple(_d.values())))

</pallas_src>

<mosaic_0001>
#map = affine_map<(d0, d1) -> (0, 0)>
#map1 = affine_map<(d0, d1) -> (0, 0, 0)>
module attributes {stable_mosaic.version = 14 : i64} {
  func.func @k(%arg0: i32, %arg1: i32, %arg2: memref<2568x128xi32, #tpu.memory_space<hbm>>, %arg3: memref<2x10240x128xf32, #tpu.memory_space<hbm>>, %arg4: memref<80x128xi32, #tpu.memory_space<vmem>>, %arg5: memref<128x128xf32, #tpu.memory_space<vmem>>, %arg6: memref<10240x128xf32, #tpu.memory_space<vmem_shared>>, %arg7: memref<!tpu.dma_semaphore, #tpu.memory_space<semaphore_mem>>) attributes {dimension_semantics = [#tpu.dimension_semantics<core_parallel>, #tpu.dimension_semantics<subcore_parallel>], iteration_bounds = array<i64: 2, 16>, scalar_prefetch = 0 : i64, scratch_operands = 4 : i64, tpu.core_type = #tpu.core_type<sc_vector_subcore>, window_params = [{transform_indices = #map}, {transform_indices = #map1}]} {
    %mul3A = arith.constant 16 : i32
    %mul3A_0 = arith.muli %arg0, %mul3A : i32
    %add3A = arith.addi %mul3A_0, %arg1 : i32
    %mul3A_1 = arith.constant 80 : i32
    %mul3A_2 = arith.muli %add3A, %mul3A_1 : i32
    "tpu.region"() ({
      %run_scoped3A = tpu.sem_alloc : memref<!tpu.dma_semaphore, #tpu.memory_space<semaphore_mem>>
      %dma_start3A = arith.constant 0 : i32
      %dma_start3A_42 = tpu.memref_slice %arg2[%mul3A_2, %dma_start3A] : memref<2568x128xi32, #tpu.memory_space<hbm>> -> memref<80x128xi32, #tpu.memory_space<hbm>>
      %dma_start3A_43 = arith.constant 0 : i32
      %dma_start3A_44 = tpu.memref_slice %arg2[%mul3A_2, %dma_start3A_43] : memref<2568x128xi32, #tpu.memory_space<hbm>> -> memref<80x128xi32, #tpu.memory_space<hbm>>
      tpu.enqueue_dma source(%dma_start3A_44 : memref<80x128xi32, #tpu.memory_space<hbm>>) target(%arg4 : memref<80x128xi32, #tpu.memory_space<vmem>>) target_semaphore(%run_scoped3A : memref<!tpu.dma_semaphore, #tpu.memory_space<semaphore_mem>>)
      %dma_wait3A = arith.constant 0 : i32
      %dma_wait3A_45 = tpu.memref_slice %arg2[%mul3A_2, %dma_wait3A] : memref<2568x128xi32, #tpu.memory_space<hbm>> -> memref<80x128xi32, #tpu.memory_space<hbm>>
      %dma_wait3A_46 = arith.constant 0 : i32
      %dma_wait3A_47 = tpu.memref_slice %arg2[%mul3A_2, %dma_wait3A_46] : memref<2568x128xi32, #tpu.memory_space<hbm>> -> memref<80x128xi32, #tpu.memory_space<hbm>>
      tpu.wait_dma2 semaphore(%run_scoped3A : memref<!tpu.dma_semaphore, #tpu.memory_space<semaphore_mem>>) src(%dma_wait3A_47 : memref<80x128xi32, #tpu.memory_space<hbm>>) dst(%arg4 : memref<80x128xi32, #tpu.memory_space<vmem>>)
      tpu.yield
    }) : () -> ()
    %scan3A = arith.constant 0 : i32
    %scan3A_3 = arith.constant 128 : i32
    %scan3A_4 = arith.addi %scan3A, %scan3A_3 : i32
    %scan3A_5 = arith.constant 1 : i32
    scf.for %scan3A_42 = %scan3A to %scan3A_4 step %scan3A_5  : i32 {
      %mul3A_43 = arith.constant 1 : i32
      %mul3A_44 = arith.muli %scan3A_42, %mul3A_43 : i32
      %add3A_45 = arith.constant 0 : i32
      %add3A_46 = arith.addi %add3A_45, %mul3A_44 : i32
      %scan3A_47 = arith.constant 0 : i32
      %scan3A_48 = arith.constant 8 : i32
      %scan3A_49 = arith.addi %scan3A_47, %scan3A_48 : i32
      %scan3A_50 = arith.constant 1 : i32
      scf.for %scan3A_52 = %scan3A_47 to %scan3A_49 step %scan3A_50  : i32 {
        %mul3A_53 = arith.constant 1 : i32
        %mul3A_54 = arith.muli %scan3A_52, %mul3A_53 : i32
        %add3A_55 = arith.constant 0 : i32
        %add3A_56 = arith.addi %add3A_55, %mul3A_54 : i32
        %broadcast_in_dim3A = arith.constant 0.000000e+00 : f32
        %broadcast_in_dim3A_57 = vector.broadcast %broadcast_in_dim3A : f32 to vector<16xf32>
        %mul3A_58 = arith.constant 16 : i32
        %mul3A_59 = arith.muli %add3A_56, %mul3A_58 : i32
        %swap3A = arith.index_cast %add3A_46 : i32 to index
        %swap3A_60 = arith.index_cast %mul3A_59 : i32 to index
        %swap3A_61 = tpu.vector_load %arg5[%swap3A, %swap3A_60] {strides = array<i32>} : memref<128x128xf32, #tpu.memory_space<vmem>>, vector<1x16xf32>,
        %swap3A_62 = vector.shape_cast %swap3A_61 : vector<1x16xf32> to vector<16xf32>
        %swap3A_63 = vector.shape_cast %broadcast_in_dim3A_57 : vector<16xf32> to vector<1x16xf32>
        tpu.vector_store %arg5[%swap3A, %swap3A_60], %swap3A_63 {strides = array<i32>} : memref<128x128xf32, #tpu.memory_space<vmem>>, vector<1x16xf32>,
      }
      %scan3A_51 = arith.constant 8 : i32
    }
    %scan3A_6 = arith.constant 128 : i32
    %mul3A_7 = arith.constant 640 : i32
    %mul3A_8 = arith.muli %arg1, %mul3A_7 : i32
    %add3A_9 = arith.constant 0 : i32
    %add3A_10 = arith.addi %mul3A_8, %add3A_9 : i32
    "tpu.region"() ({
      %run_scoped3A = tpu.sem_alloc : memref<!tpu.dma_semaphore, #tpu.memory_space<semaphore_mem>>
      %dma_start3A = arith.constant 0 : i32
      %dma_start3A_42 = tpu.memref_slice %arg6[%add3A_10, %dma_start3A] : memref<10240x128xf32, #tpu.memory_space<vmem_shared>> -> memref<128x128xf32, #tpu.memory_space<vmem_shared>>
      %dma_start3A_43 = arith.constant 0 : i32
      %dma_start3A_44 = tpu.memref_slice %arg6[%add3A_10, %dma_start3A_43] : memref<10240x128xf32, #tpu.memory_space<vmem_shared>> -> memref<128x128xf32, #tpu.memory_space<vmem_shared>>
      tpu.enqueue_dma source(%arg5 : memref<128x128xf32, #tpu.memory_space<vmem>>) target(%dma_start3A_44 : memref<128x128xf32, #tpu.memory_space<vmem_shared>>) target_semaphore(%run_scoped3A : memref<!tpu.dma_semaphore, #tpu.memory_space<semaphore_mem>>)
      %dma_wait3A = arith.constant 0 : i32
      %dma_wait3A_45 = tpu.memref_slice %arg6[%add3A_10, %dma_wait3A] : memref<10240x128xf32, #tpu.memory_space<vmem_shared>> -> memref<128x128xf32, #tpu.memory_space<vmem_shared>>
      %dma_wait3A_46 = arith.constant 0 : i32
      %dma_wait3A_47 = tpu.memref_slice %arg6[%add3A_10, %dma_wait3A_46] : memref<10240x128xf32, #tpu.memory_space<vmem_shared>> -> memref<128x128xf32, #tpu.memory_space<vmem_shared>>
      tpu.wait_dma2 semaphore(%run_scoped3A : memref<!tpu.dma_semaphore, #tpu.memory_space<semaphore_mem>>) src(%arg5 : memref<128x128xf32, #tpu.memory_space<vmem>>) dst(%dma_wait3A_47 : memref<128x128xf32, #tpu.memory_space<vmem_shared>>)
      tpu.yield
    }) : () -> ()
    %mul3A_11 = arith.constant 640 : i32
    %mul3A_12 = arith.muli %arg1, %mul3A_11 : i32
    %add3A_13 = arith.constant 128 : i32
    %add3A_14 = arith.addi %mul3A_12, %add3A_13 : i32
    "tpu.region"() ({
      %run_scoped3A = tpu.sem_alloc : memref<!tpu.dma_semaphore, #tpu.memory_space<semaphore_mem>>
      %dma_start3A = arith.constant 0 : i32
      %dma_start3A_42 = tpu.memref_slice %arg6[%add3A_14, %dma_start3A] : memref<10240x128xf32, #tpu.memory_space<vmem_shared>> -> memref<128x128xf32, #tpu.memory_space<vmem_shared>>
      %dma_start3A_43 = arith.constant 0 : i32
      %dma_start3A_44 = tpu.memref_slice %arg6[%add3A_14, %dma_start3A_43] : memref<10240x128xf32, #tpu.memory_space<vmem_shared>> -> memref<128x128xf32, #tpu.memory_space<vmem_shared>>
      tpu.enqueue_dma source(%arg5 : memref<128x128xf32, #tpu.memory_space<vmem>>) target(%dma_start3A_44 : memref<128x128xf32, #tpu.memory_space<vmem_shared>>) target_semaphore(%run_scoped3A : memref<!tpu.dma_semaphore, #tpu.memory_space<semaphore_mem>>)
      %dma_wait3A = arith.constant 0 : i32
      %dma_wait3A_45 = tpu.memref_slice %arg6[%add3A_14, %dma_wait3A] : memref<10240x128xf32, #tpu.memory_space<vmem_shared>> -> memref<128x128xf32, #tpu.memory_space<vmem_shared>>
      %dma_wait3A_46 = arith.constant 0 : i32
      %dma_wait3A_47 = tpu.memref_slice %arg6[%add3A_14, %dma_wait3A_46] : memref<10240x128xf32, #tpu.memory_space<vmem_shared>> -> memref<128x128xf32, #tpu.memory_space<vmem_shared>>
      tpu.wait_dma2 semaphore(%run_scoped3A : memref<!tpu.dma_semaphore, #tpu.memory_space<semaphore_mem>>) src(%arg5 : memref<128x128xf32, #tpu.memory_space<vmem>>) dst(%dma_wait3A_47 : memref<128x128xf32, #tpu.memory_space<vmem_shared>>)
      tpu.yield
    }) : () -> ()
    %mul3A_15 = arith.constant 640 : i32
    %mul3A_16 = arith.muli %arg1, %mul3A_15 : i32
    %add3A_17 = arith.constant 256 : i32
    %add3A_18 = arith.addi %mul3A_16, %add3A_17 : i32
    "tpu.region"() ({
      %run_scoped3A = tpu.sem_alloc : memref<!tpu.dma_semaphore, #tpu.memory_space<semaphore_mem>>
      %dma_start3A = arith.constant 0 : i32
      %dma_start3A_42 = tpu.memref_slice %arg6[%add3A_18, %dma_start3A] : memref<10240x128xf32, #tpu.memory_space<vmem_shared>> -> memref<128x128xf32, #tpu.memory_space<vmem_shared>>
      %dma_start3A_43 = arith.constant 0 : i32
      %dma_start3A_44 = tpu.memref_slice %arg6[%add3A_18, %dma_start3A_43] : memref<10240x128xf32, #tpu.memory_space<vmem_shared>> -> memref<128x128xf32, #tpu.memory_space<vmem_shared>>
      tpu.enqueue_dma source(%arg5 : memref<128x128xf32, #tpu.memory_space<vmem>>) target(%dma_start3A_44 : memref<128x128xf32, #tpu.memory_space<vmem_shared>>) target_semaphore(%run_scoped3A : memref<!tpu.dma_semaphore, #tpu.memory_space<semaphore_mem>>)
      %dma_wait3A = arith.constant 0 : i32
      %dma_wait3A_45 = tpu.memref_slice %arg6[%add3A_18, %dma_wait3A] : memref<10240x128xf32, #tpu.memory_space<vmem_shared>> -> memref<128x128xf32, #tpu.memory_space<vmem_shared>>
      %dma_wait3A_46 = arith.constant 0 : i32
      %dma_wait3A_47 = tpu.memref_slice %arg6[%add3A_18, %dma_wait3A_46] : memref<10240x128xf32, #tpu.memory_space<vmem_shared>> -> memref<128x128xf32, #tpu.memory_space<vmem_shared>>
      tpu.wait_dma2 semaphore(%run_scoped3A : memref<!tpu.dma_semaphore, #tpu.memory_space<semaphore_mem>>) src(%arg5 : memref<128x128xf32, #tpu.memory_space<vmem>>) dst(%dma_wait3A_47 : memref<128x128xf32, #tpu.memory_space<vmem_shared>>)
      tpu.yield
    }) : () -> ()
    %mul3A_19 = arith.constant 640 : i32
    %mul3A_20 = arith.muli %arg1, %mul3A_19 : i32
    %add3A_21 = arith.constant 384 : i32
    %add3A_22 = arith.addi %mul3A_20, %add3A_21 : i32
    "tpu.region"() ({
      %run_scoped3A = tpu.sem_alloc : memref<!tpu.dma_semaphore, #tpu.memory_space<semaphore_mem>>
      %dma_start3A = arith.constant 0 : i32
      %dma_start3A_42 = tpu.memref_slice %arg6[%add3A_22, %dma_start3A] : memref<10240x128xf32, #tpu.memory_space<vmem_shared>> -> memref<128x128xf32, #tpu.memory_space<vmem_shared>>
      %dma_start3A_43 = arith.constant 0 : i32
      %dma_start3A_44 = tpu.memref_slice %arg6[%add3A_22, %dma_start3A_43] : memref<10240x128xf32, #tpu.memory_space<vmem_shared>> -> memref<128x128xf32, #tpu.memory_space<vmem_shared>>
      tpu.enqueue_dma source(%arg5 : memref<128x128xf32, #tpu.memory_space<vmem>>) target(%dma_start3A_44 : memref<128x128xf32, #tpu.memory_space<vmem_shared>>) target_semaphore(%run_scoped3A : memref<!tpu.dma_semaphore, #tpu.memory_space<semaphore_mem>>)
      %dma_wait3A = arith.constant 0 : i32
      %dma_wait3A_45 = tpu.memref_slice %arg6[%add3A_22, %dma_wait3A] : memref<10240x128xf32, #tpu.memory_space<vmem_shared>> -> memref<128x128xf32, #tpu.memory_space<vmem_shared>>
      %dma_wait3A_46 = arith.constant 0 : i32
      %dma_wait3A_47 = tpu.memref_slice %arg6[%add3A_22, %dma_wait3A_46] : memref<10240x128xf32, #tpu.memory_space<vmem_shared>> -> memref<128x128xf32, #tpu.memory_space<vmem_shared>>
      tpu.wait_dma2 semaphore(%run_scoped3A : memref<!tpu.dma_semaphore, #tpu.memory_space<semaphore_mem>>) src(%arg5 : memref<128x128xf32, #tpu.memory_space<vmem>>) dst(%dma_wait3A_47 : memref<128x128xf32, #tpu.memory_space<vmem_shared>>)
      tpu.yield
    }) : () -> ()
    %mul3A_23 = arith.constant 640 : i32
    %mul3A_24 = arith.muli %arg1, %mul3A_23 : i32
    %add3A_25 = arith.constant 512 : i32
    %add3A_26 = arith.addi %mul3A_24, %add3A_25 : i32
    "tpu.region"() ({
      %run_scoped3A = tpu.sem_alloc : memref<!tpu.dma_semaphore, #tpu.memory_space<semaphore_mem>>
      %dma_start3A = arith.constant 0 : i32
      %dma_start3A_42 = tpu.memref_slice %arg6[%add3A_26, %dma_start3A] : memref<10240x128xf32, #tpu.memory_space<vmem_shared>> -> memref<128x128xf32, #tpu.memory_space<vmem_shared>>
      %dma_start3A_43 = arith.constant 0 : i32
      %dma_start3A_44 = tpu.memref_slice %arg6[%add3A_26, %dma_start3A_43] : memref<10240x128xf32, #tpu.memory_space<vmem_shared>> -> memref<128x128xf32, #tpu.memory_space<vmem_shared>>
      tpu.enqueue_dma source(%arg5 : memref<128x128xf32, #tpu.memory_space<vmem>>) target(%dma_start3A_44 : memref<128x128xf32, #tpu.memory_space<vmem_shared>>) target_semaphore(%run_scoped3A : memref<!tpu.dma_semaphore, #tpu.memory_space<semaphore_mem>>)
      %dma_wait3A = arith.constant 0 : i32
      %dma_wait3A_45 = tpu.memref_slice %arg6[%add3A_26, %dma_wait3A] : memref<10240x128xf32, #tpu.memory_space<vmem_shared>> -> memref<128x128xf32, #tpu.memory_space<vmem_shared>>
      %dma_wait3A_46 = arith.constant 0 : i32
      %dma_wait3A_47 = tpu.memref_slice %arg6[%add3A_26, %dma_wait3A_46] : memref<10240x128xf32, #tpu.memory_space<vmem_shared>> -> memref<128x128xf32, #tpu.memory_space<vmem_shared>>
      tpu.wait_dma2 semaphore(%run_scoped3A : memref<!tpu.dma_semaphore, #tpu.memory_space<semaphore_mem>>) src(%arg5 : memref<128x128xf32, #tpu.memory_space<vmem>>) dst(%dma_wait3A_47 : memref<128x128xf32, #tpu.memory_space<vmem_shared>>)
      tpu.yield
    }) : () -> ()
    %scan3A_27 = arith.constant 0 : i32
    %scan3A_28 = arith.constant 128 : i32
    %scan3A_29 = arith.addi %scan3A_27, %scan3A_28 : i32
    %scan3A_30 = arith.constant 1 : i32
    scf.for %scan3A_42 = %scan3A_27 to %scan3A_29 step %scan3A_30  : i32 {
      %mul3A_43 = arith.constant 1 : i32
      %mul3A_44 = arith.muli %scan3A_42, %mul3A_43 : i32
      %add3A_45 = arith.constant 0 : i32
      %add3A_46 = arith.addi %add3A_45, %mul3A_44 : i32
      %broadcast_in_dim3A = arith.constant 1.000000e+00 : f32
      %broadcast_in_dim3A_47 = vector.broadcast %broadcast_in_dim3A : f32 to vector<16xf32>
      %swap3A = arith.index_cast %add3A_46 : i32 to index
      %swap3A_48 = arith.constant 0 : index
      %swap3A_49 = tpu.vector_load %arg5[%swap3A, %swap3A_48] {strides = array<i32>} : memref<128x128xf32, #tpu.memory_space<vmem>>, vector<1x16xf32>,
      %swap3A_50 = vector.shape_cast %swap3A_49 : vector<1x16xf32> to vector<16xf32>
      %swap3A_51 = vector.shape_cast %broadcast_in_dim3A_47 : vector<16xf32> to vector<1x16xf32>
      tpu.vector_store %arg5[%swap3A, %swap3A_48], %swap3A_51 {strides = array<i32>} : memref<128x128xf32, #tpu.memory_space<vmem>>, vector<1x16xf32>,
    }
    %scan3A_31 = arith.constant 128 : i32
    %barrier3A = arith.constant 0 : index
    tpu.barrier barrier_id(%barrier3A)
    %scan3A_32 = arith.constant 0 : i32
    %scan3A_33 = arith.constant 80 : i32
    %scan3A_34 = arith.addi %scan3A_32, %scan3A_33 : i32
    %scan3A_35 = arith.constant 1 : i32
    scf.for %scan3A_42 = %scan3A_32 to %scan3A_34 step %scan3A_35  : i32 {
      %mul3A_43 = arith.constant 1 : i32
      %mul3A_44 = arith.muli %scan3A_42, %mul3A_43 : i32
      %add3A_45 = arith.constant 0 : i32
      %add3A_46 = arith.addi %add3A_45, %mul3A_44 : i32
      "tpu.region"() ({
        %run_scoped3A = tpu.sem_alloc : memref<!tpu.dma_semaphore, #tpu.memory_space<semaphore_mem>>
        %dma_start3A = arith.constant 0 : i32
        %dma_start3A_47 = tpu.memref_slice %arg4[%add3A_46, %dma_start3A] : memref<80x128xi32, #tpu.memory_space<vmem>> -> memref<1x128xi32, #tpu.memory_space<vmem>>
        %dma_start3A_48 = tpu.memref_squeeze %dma_start3A_47 : memref<1x128xi32, #tpu.memory_space<vmem>> -> memref<128xi32, #tpu.memory_space<vmem>>
        %dma_start3A_49 = arith.constant 0 : i32
        %dma_start3A_50 = arith.constant 0 : i32
        %dma_start3A_51 = tpu.memref_slice %arg6[%dma_start3A_49, %dma_start3A_50] : memref<10240x128xf32, #tpu.memory_space<vmem_shared>> -> memref<10240x128xf32, #tpu.memory_space<vmem_shared>>
        tpu.enqueue_indirect_dma source(%arg5 : memref<128x128xf32, #tpu.memory_space<vmem>>) target(%dma_start3A_51 : memref<10240x128xf32, #tpu.memory_space<vmem_shared>>) offsets(%dma_start3A_48 : memref<128xi32, #tpu.memory_space<vmem>>) semaphore(%run_scoped3A : memref<!tpu.dma_semaphore, #tpu.memory_space<semaphore_mem>>) {add = true}
        %dma_wait3A = arith.constant 0 : i32
        %dma_wait3A_52 = tpu.memref_slice %arg4[%add3A_46, %dma_wait3A] : memref<80x128xi32, #tpu.memory_space<vmem>> -> memref<1x128xi32, #tpu.memory_space<vmem>>
        %dma_wait3A_53 = tpu.memref_squeeze %dma_wait3A_52 : memref<1x128xi32, #tpu.memory_space<vmem>> -> memref<128xi32, #tpu.memory_space<vmem>>
        %dma_wait3A_54 = arith.constant 0 : i32
        %dma_wait3A_55 = arith.constant 0 : i32
        %dma_wait3A_56 = tpu.memref_slice %arg6[%dma_wait3A_54, %dma_wait3A_55] : memref<10240x128xf32, #tpu.memory_space<vmem_shared>> -> memref<10240x128xf32, #tpu.memory_space<vmem_shared>>
        tpu.wait_indirect_dma semaphore(%run_scoped3A : memref<!tpu.dma_semaphore, #tpu.memory_space<semaphore_mem>>) src(%arg5 : memref<128x128xf32, #tpu.memory_space<vmem>>) dst(%dma_wait3A_56 : memref<10240x128xf32, #tpu.memory_space<vmem_shared>>)
        tpu.yield
      }) : () -> ()
    }
    %scan3A_36 = arith.constant 80 : i32
    %barrier3A_37 = arith.constant 0 : index
    tpu.barrier barrier_id(%barrier3A_37)
    %mul3A_38 = arith.constant 640 : i32
    %mul3A_39 = arith.muli %arg1, %mul3A_38 : i32
    %mul3A_40 = arith.constant 640 : i32
    %mul3A_41 = arith.muli %arg1, %mul3A_40 : i32
    "tpu.region"() ({
      %run_scoped3A = tpu.sem_alloc : memref<!tpu.dma_semaphore, #tpu.memory_space<semaphore_mem>>
      %dma_start3A = arith.constant 0 : i32
      %dma_start3A_42 = tpu.memref_slice %arg3[%arg0, %mul3A_41, %dma_start3A] : memref<2x10240x128xf32, #tpu.memory_space<hbm>> -> memref<1x640x128xf32, #tpu.memory_space<hbm>>
      %dma_start3A_43 = tpu.memref_squeeze %dma_start3A_42 : memref<1x640x128xf32, #tpu.memory_space<hbm>> -> memref<640x128xf32, #tpu.memory_space<hbm>>
      %dma_start3A_44 = arith.constant 0 : i32
      %dma_start3A_45 = tpu.memref_slice %arg6[%mul3A_39, %dma_start3A_44] : memref<10240x128xf32, #tpu.memory_space<vmem_shared>> -> memref<640x128xf32, #tpu.memory_space<vmem_shared>>
      tpu.enqueue_dma source(%dma_start3A_45 : memref<640x128xf32, #tpu.memory_space<vmem_shared>>) target(%dma_start3A_43 : memref<640x128xf32, #tpu.memory_space<hbm>>) target_semaphore(%run_scoped3A : memref<!tpu.dma_semaphore, #tpu.memory_space<semaphore_mem>>)
      %dma_wait3A = arith.constant 0 : i32
      %dma_wait3A_46 = tpu.memref_slice %arg3[%arg0, %mul3A_41, %dma_wait3A] : memref<2x10240x128xf32, #tpu.memory_space<hbm>> -> memref<1x640x128xf32, #tpu.memory_space<hbm>>
      %dma_wait3A_47 = tpu.memref_squeeze %dma_wait3A_46 : memref<1x640x128xf32, #tpu.memory_space<hbm>> -> memref<640x128xf32, #tpu.memory_space<hbm>>
      %dma_wait3A_48 = arith.constant 0 : i32
      %dma_wait3A_49 = tpu.memref_slice %arg6[%mul3A_39, %dma_wait3A_48] : memref<10240x128xf32, #tpu.memory_space<vmem_shared>> -> memref<640x128xf32, #tpu.memory_space<vmem_shared>>
      tpu.wait_dma2 semaphore(%run_scoped3A : memref<!tpu.dma_semaphore, #tpu.memory_space<semaphore_mem>>) src(%dma_wait3A_49 : memref<640x128xf32, #tpu.memory_space<vmem_shared>>) dst(%dma_wait3A_47 : memref<640x128xf32, #tpu.memory_space<hbm>>)
      tpu.yield
    }) : () -> ()
    return
  }
}

#map = affine_map<(d0, d1) -> (0, 0)>
#map1 = affine_map<(d0, d1) -> (0, 0, 0)>
module attributes {stable_mosaic.version = 14 : i64} {
  func.func @k(%arg0: i32, %arg1: i32, %arg2: memref<10000x128xf32, #tpu.memory_space<hbm>>, %arg3: memref<2568x128xi32, #tpu.memory_space<hbm>>, %arg4: memref<2568x128xi32, #tpu.memory_space<hbm>>, %arg5: memref<2x10240x128xf32, #tpu.memory_space<hbm>>, %arg6: memref<96x128xi32, #tpu.memory_space<vmem>>, %arg7: memref<96x128xi32, #tpu.memory_space<vmem>>, %arg8: memref<128x128xf32, #tpu.memory_space<vmem>>, %arg9: memref<10240x128xf32, #tpu.memory_space<vmem_shared>>, %arg10: memref<!tpu.dma_semaphore, #tpu.memory_space<semaphore_mem>>) attributes {dimension_semantics = [#tpu.dimension_semantics<core_parallel>, #tpu.dimension_semantics<subcore_parallel>], iteration_bounds = array<i64: 2, 16>, scalar_prefetch = 0 : i64, scratch_operands = 5 : i64, tpu.core_type = #tpu.core_type<sc_vector_subcore>, window_params = [{transform_indices = #map}, {transform_indices = #map}, {transform_indices = #map}, {transform_indices = #map1}]} {
    %scan3A = arith.constant 0 : i32
    %scan3A_0 = arith.constant 128 : i32
    %scan3A_1 = arith.addi %scan3A, %scan3A_0 : i32
    %scan3A_2 = arith.constant 1 : i32
    scf.for %scan3A_34 = %scan3A to %scan3A_1 step %scan3A_2  : i32 {
      %mul3A_35 = arith.constant 1 : i32
      %mul3A_36 = arith.muli %scan3A_34, %mul3A_35 : i32
      %add3A_37 = arith.constant 0 : i32
      %add3A_38 = arith.addi %add3A_37, %mul3A_36 : i32
      %scan3A_39 = arith.constant 0 : i32
      %scan3A_40 = arith.constant 8 : i32
      %scan3A_41 = arith.addi %scan3A_39, %scan3A_40 : i32
      %scan3A_42 = arith.constant 1 : i32
      scf.for %scan3A_44 = %scan3A_39 to %scan3A_41 step %scan3A_42  : i32 {
        %mul3A_45 = arith.constant 1 : i32
        %mul3A_46 = arith.muli %scan3A_44, %mul3A_45 : i32
        %add3A_47 = arith.constant 0 : i32
        %add3A_48 = arith.addi %add3A_47, %mul3A_46 : i32
        %broadcast_in_dim3A = arith.constant 0.000000e+00 : f32
        %broadcast_in_dim3A_49 = vector.broadcast %broadcast_in_dim3A : f32 to vector<16xf32>
        %mul3A_50 = arith.constant 16 : i32
        %mul3A_51 = arith.muli %add3A_48, %mul3A_50 : i32
        %swap3A = arith.index_cast %add3A_38 : i32 to index
        %swap3A_52 = arith.index_cast %mul3A_51 : i32 to index
        %swap3A_53 = tpu.vector_load %arg8[%swap3A, %swap3A_52] {strides = array<i32>} : memref<128x128xf32, #tpu.memory_space<vmem>>, vector<1x16xf32>,
        %swap3A_54 = vector.shape_cast %swap3A_53 : vector<1x16xf32> to vector<16xf32>
        %swap3A_55 = vector.shape_cast %broadcast_in_dim3A_49 : vector<16xf32> to vector<1x16xf32>
        tpu.vector_store %arg8[%swap3A, %swap3A_52], %swap3A_55 {strides = array<i32>} : memref<128x128xf32, #tpu.memory_space<vmem>>, vector<1x16xf32>,
      }
      %scan3A_43 = arith.constant 8 : i32
    }
    %scan3A_3 = arith.constant 128 : i32
    %mul3A = arith.constant 640 : i32
    %mul3A_4 = arith.muli %arg1, %mul3A : i32
    %add3A = arith.constant 0 : i32
    %add3A_5 = arith.addi %mul3A_4, %add3A : i32
    "tpu.region"() ({
      %run_scoped3A = tpu.sem_alloc : memref<!tpu.dma_semaphore, #tpu.memory_space<semaphore_mem>>
      %dma_start3A = arith.constant 0 : i32
      %dma_start3A_34 = tpu.memref_slice %arg9[%add3A_5, %dma_start3A] : memref<10240x128xf32, #tpu.memory_space<vmem_shared>> -> memref<128x128xf32, #tpu.memory_space<vmem_shared>>
      %dma_start3A_35 = arith.constant 0 : i32
      %dma_start3A_36 = tpu.memref_slice %arg9[%add3A_5, %dma_start3A_35] : memref<10240x128xf32, #tpu.memory_space<vmem_shared>> -> memref<128x128xf32, #tpu.memory_space<vmem_shared>>
      tpu.enqueue_dma source(%arg8 : memref<128x128xf32, #tpu.memory_space<vmem>>) target(%dma_start3A_36 : memref<128x128xf32, #tpu.memory_space<vmem_shared>>) target_semaphore(%run_scoped3A : memref<!tpu.dma_semaphore, #tpu.memory_space<semaphore_mem>>)
      %dma_wait3A = arith.constant 0 : i32
      %dma_wait3A_37 = tpu.memref_slice %arg9[%add3A_5, %dma_wait3A] : memref<10240x128xf32, #tpu.memory_space<vmem_shared>> -> memref<128x128xf32, #tpu.memory_space<vmem_shared>>
      %dma_wait3A_38 = arith.constant 0 : i32
      %dma_wait3A_39 = tpu.memref_slice %arg9[%add3A_5, %dma_wait3A_38] : memref<10240x128xf32, #tpu.memory_space<vmem_shared>> -> memref<128x128xf32, #tpu.memory_space<vmem_shared>>
      tpu.wait_dma2 semaphore(%run_scoped3A : memref<!tpu.dma_semaphore, #tpu.memory_space<semaphore_mem>>) src(%arg8 : memref<128x128xf32, #tpu.memory_space<vmem>>) dst(%dma_wait3A_39 : memref<128x128xf32, #tpu.memory_space<vmem_shared>>)
      tpu.yield
    }) : () -> ()
    %mul3A_6 = arith.constant 640 : i32
    %mul3A_7 = arith.muli %arg1, %mul3A_6 : i32
    %add3A_8 = arith.constant 128 : i32
    %add3A_9 = arith.addi %mul3A_7, %add3A_8 : i32
    "tpu.region"() ({
      %run_scoped3A = tpu.sem_alloc : memref<!tpu.dma_semaphore, #tpu.memory_space<semaphore_mem>>
      %dma_start3A = arith.constant 0 : i32
      %dma_start3A_34 = tpu.memref_slice %arg9[%add3A_9, %dma_start3A] : memref<10240x128xf32, #tpu.memory_space<vmem_shared>> -> memref<128x128xf32, #tpu.memory_space<vmem_shared>>
      %dma_start3A_35 = arith.constant 0 : i32
      %dma_start3A_36 = tpu.memref_slice %arg9[%add3A_9, %dma_start3A_35] : memref<10240x128xf32, #tpu.memory_space<vmem_shared>> -> memref<128x128xf32, #tpu.memory_space<vmem_shared>>
      tpu.enqueue_dma source(%arg8 : memref<128x128xf32, #tpu.memory_space<vmem>>) target(%dma_start3A_36 : memref<128x128xf32, #tpu.memory_space<vmem_shared>>) target_semaphore(%run_scoped3A : memref<!tpu.dma_semaphore, #tpu.memory_space<semaphore_mem>>)
      %dma_wait3A = arith.constant 0 : i32
      %dma_wait3A_37 = tpu.memref_slice %arg9[%add3A_9, %dma_wait3A] : memref<10240x128xf32, #tpu.memory_space<vmem_shared>> -> memref<128x128xf32, #tpu.memory_space<vmem_shared>>
      %dma_wait3A_38 = arith.constant 0 : i32
      %dma_wait3A_39 = tpu.memref_slice %arg9[%add3A_9, %dma_wait3A_38] : memref<10240x128xf32, #tpu.memory_space<vmem_shared>> -> memref<128x128xf32, #tpu.memory_space<vmem_shared>>
      tpu.wait_dma2 semaphore(%run_scoped3A : memref<!tpu.dma_semaphore, #tpu.memory_space<semaphore_mem>>) src(%arg8 : memref<128x128xf32, #tpu.memory_space<vmem>>) dst(%dma_wait3A_39 : memref<128x128xf32, #tpu.memory_space<vmem_shared>>)
      tpu.yield
    }) : () -> ()
    %mul3A_10 = arith.constant 640 : i32
    %mul3A_11 = arith.muli %arg1, %mul3A_10 : i32
    %add3A_12 = arith.constant 256 : i32
    %add3A_13 = arith.addi %mul3A_11, %add3A_12 : i32
    "tpu.region"() ({
      %run_scoped3A = tpu.sem_alloc : memref<!tpu.dma_semaphore, #tpu.memory_space<semaphore_mem>>
      %dma_start3A = arith.constant 0 : i32
      %dma_start3A_34 = tpu.memref_slice %arg9[%add3A_13, %dma_start3A] : memref<10240x128xf32, #tpu.memory_space<vmem_shared>> -> memref<128x128xf32, #tpu.memory_space<vmem_shared>>
      %dma_start3A_35 = arith.constant 0 : i32
      %dma_start3A_36 = tpu.memref_slice %arg9[%add3A_13, %dma_start3A_35] : memref<10240x128xf32, #tpu.memory_space<vmem_shared>> -> memref<128x128xf32, #tpu.memory_space<vmem_shared>>
      tpu.enqueue_dma source(%arg8 : memref<128x128xf32, #tpu.memory_space<vmem>>) target(%dma_start3A_36 : memref<128x128xf32, #tpu.memory_space<vmem_shared>>) target_semaphore(%run_scoped3A : memref<!tpu.dma_semaphore, #tpu.memory_space<semaphore_mem>>)
      %dma_wait3A = arith.constant 0 : i32
      %dma_wait3A_37 = tpu.memref_slice %arg9[%add3A_13, %dma_wait3A] : memref<10240x128xf32, #tpu.memory_space<vmem_shared>> -> memref<128x128xf32, #tpu.memory_space<vmem_shared>>
      %dma_wait3A_38 = arith.constant 0 : i32
      %dma_wait3A_39 = tpu.memref_slice %arg9[%add3A_13, %dma_wait3A_38] : memref<10240x128xf32, #tpu.memory_space<vmem_shared>> -> memref<128x128xf32, #tpu.memory_space<vmem_shared>>
      tpu.wait_dma2 semaphore(%run_scoped3A : memref<!tpu.dma_semaphore, #tpu.memory_space<semaphore_mem>>) src(%arg8 : memref<128x128xf32, #tpu.memory_space<vmem>>) dst(%dma_wait3A_39 : memref<128x128xf32, #tpu.memory_space<vmem_shared>>)
      tpu.yield
    }) : () -> ()
    %mul3A_14 = arith.constant 640 : i32
    %mul3A_15 = arith.muli %arg1, %mul3A_14 : i32
    %add3A_16 = arith.constant 384 : i32
    %add3A_17 = arith.addi %mul3A_15, %add3A_16 : i32
    "tpu.region"() ({
      %run_scoped3A = tpu.sem_alloc : memref<!tpu.dma_semaphore, #tpu.memory_space<semaphore_mem>>
      %dma_start3A = arith.constant 0 : i32
      %dma_start3A_34 = tpu.memref_slice %arg9[%add3A_17, %dma_start3A] : memref<10240x128xf32, #tpu.memory_space<vmem_shared>> -> memref<128x128xf32, #tpu.memory_space<vmem_shared>>
      %dma_start3A_35 = arith.constant 0 : i32
      %dma_start3A_36 = tpu.memref_slice %arg9[%add3A_17, %dma_start3A_35] : memref<10240x128xf32, #tpu.memory_space<vmem_shared>> -> memref<128x128xf32, #tpu.memory_space<vmem_shared>>
      tpu.enqueue_dma source(%arg8 : memref<128x128xf32, #tpu.memory_space<vmem>>) target(%dma_start3A_36 : memref<128x128xf32, #tpu.memory_space<vmem_shared>>) target_semaphore(%run_scoped3A : memref<!tpu.dma_semaphore, #tpu.memory_space<semaphore_mem>>)
      %dma_wait3A = arith.constant 0 : i32
      %dma_wait3A_37 = tpu.memref_slice %arg9[%add3A_17, %dma_wait3A] : memref<10240x128xf32, #tpu.memory_space<vmem_shared>> -> memref<128x128xf32, #tpu.memory_space<vmem_shared>>
      %dma_wait3A_38 = arith.constant 0 : i32
      %dma_wait3A_39 = tpu.memref_slice %arg9[%add3A_17, %dma_wait3A_38] : memref<10240x128xf32, #tpu.memory_space<vmem_shared>> -> memref<128x128xf32, #tpu.memory_space<vmem_shared>>
      tpu.wait_dma2 semaphore(%run_scoped3A : memref<!tpu.dma_semaphore, #tpu.memory_space<semaphore_mem>>) src(%arg8 : memref<128x128xf32, #tpu.memory_space<vmem>>) dst(%dma_wait3A_39 : memref<128x128xf32, #tpu.memory_space<vmem_shared>>)
      tpu.yield
    }) : () -> ()
    %mul3A_18 = arith.constant 640 : i32
    %mul3A_19 = arith.muli %arg1, %mul3A_18 : i32
    %add3A_20 = arith.constant 512 : i32
    %add3A_21 = arith.addi %mul3A_19, %add3A_20 : i32
    "tpu.region"() ({
      %run_scoped3A = tpu.sem_alloc : memref<!tpu.dma_semaphore, #tpu.memory_space<semaphore_mem>>
      %dma_start3A = arith.constant 0 : i32
      %dma_start3A_34 = tpu.memref_slice %arg9[%add3A_21, %dma_start3A] : memref<10240x128xf32, #tpu.memory_space<vmem_shared>> -> memref<128x128xf32, #tpu.memory_space<vmem_shared>>
      %dma_start3A_35 = arith.constant 0 : i32
      %dma_start3A_36 = tpu.memref_slice %arg9[%add3A_21, %dma_start3A_35] : memref<10240x128xf32, #tpu.memory_space<vmem_shared>> -> memref<128x128xf32, #tpu.memory_space<vmem_shared>>
      tpu.enqueue_dma source(%arg8 : memref<128x128xf32, #tpu.memory_space<vmem>>) target(%dma_start3A_36 : memref<128x128xf32, #tpu.memory_space<vmem_shared>>) target_semaphore(%run_scoped3A : memref<!tpu.dma_semaphore, #tpu.memory_space<semaphore_mem>>)
      %dma_wait3A = arith.constant 0 : i32
      %dma_wait3A_37 = tpu.memref_slice %arg9[%add3A_21, %dma_wait3A] : memref<10240x128xf32, #tpu.memory_space<vmem_shared>> -> memref<128x128xf32, #tpu.memory_space<vmem_shared>>
      %dma_wait3A_38 = arith.constant 0 : i32
      %dma_wait3A_39 = tpu.memref_slice %arg9[%add3A_21, %dma_wait3A_38] : memref<10240x128xf32, #tpu.memory_space<vmem_shared>> -> memref<128x128xf32, #tpu.memory_space<vmem_shared>>
      tpu.wait_dma2 semaphore(%run_scoped3A : memref<!tpu.dma_semaphore, #tpu.memory_space<semaphore_mem>>) src(%arg8 : memref<128x128xf32, #tpu.memory_space<vmem>>) dst(%dma_wait3A_39 : memref<128x128xf32, #tpu.memory_space<vmem_shared>>)
      tpu.yield
    }) : () -> ()
    %barrier3A = arith.constant 0 : index
    tpu.barrier barrier_id(%barrier3A)
    %eq3A = arith.constant 0 : i32
    %eq3A_22 = arith.cmpi eq, %arg0, %eq3A : i32
    %convert_element_type3A = arith.extui %eq3A_22 : i1 to i32
    %cond3A = arith.constant 0 : i32
    %cond3A_23 = arith.cmpi ne, %convert_element_type3A, %cond3A : i32
    scf.if %cond3A_23 {
      %mul3A_34 = arith.constant 96 : i32
      %mul3A_35 = arith.muli %arg1, %mul3A_34 : i32
      "tpu.region"() ({
        %run_scoped3A = tpu.sem_alloc : memref<!tpu.dma_semaphore, #tpu.memory_space<semaphore_mem>>
        %dma_start3A = arith.constant 0 : i32
        %dma_start3A_41 = tpu.memref_slice %arg3[%mul3A_35, %dma_start3A] : memref<2568x128xi32, #tpu.memory_space<hbm>> -> memref<96x128xi32, #tpu.memory_space<hbm>>
        %dma_start3A_42 = arith.constant 0 : i32
        %dma_start3A_43 = tpu.memref_slice %arg3[%mul3A_35, %dma_start3A_42] : memref<2568x128xi32, #tpu.memory_space<hbm>> -> memref<96x128xi32, #tpu.memory_space<hbm>>
        tpu.enqueue_dma source(%dma_start3A_43 : memref<96x128xi32, #tpu.memory_space<hbm>>) target(%arg6 : memref<96x128xi32, #tpu.memory_space<vmem>>) target_semaphore(%run_scoped3A : memref<!tpu.dma_semaphore, #tpu.memory_space<semaphore_mem>>)
        %dma_wait3A = arith.constant 0 : i32
        %dma_wait3A_44 = tpu.memref_slice %arg3[%mul3A_35, %dma_wait3A] : memref<2568x128xi32, #tpu.memory_space<hbm>> -> memref<96x128xi32, #tpu.memory_space<hbm>>
        %dma_wait3A_45 = arith.constant 0 : i32
        %dma_wait3A_46 = tpu.memref_slice %arg3[%mul3A_35, %dma_wait3A_45] : memref<2568x128xi32, #tpu.memory_space<hbm>> -> memref<96x128xi32, #tpu.memory_space<hbm>>
        tpu.wait_dma2 semaphore(%run_scoped3A : memref<!tpu.dma_semaphore, #tpu.memory_space<semaphore_mem>>) src(%dma_wait3A_46 : memref<96x128xi32, #tpu.memory_space<hbm>>) dst(%arg6 : memref<96x128xi32, #tpu.memory_space<vmem>>)
        tpu.yield
      }) : () -> ()
      "tpu.region"() ({
        %run_scoped3A = tpu.sem_alloc : memref<!tpu.dma_semaphore, #tpu.memory_space<semaphore_mem>>
        %dma_start3A = arith.constant 0 : i32
        %dma_start3A_41 = tpu.memref_slice %arg4[%mul3A_35, %dma_start3A] : memref<2568x128xi32, #tpu.memory_space<hbm>> -> memref<96x128xi32, #tpu.memory_space<hbm>>
        %dma_start3A_42 = arith.constant 0 : i32
        %dma_start3A_43 = tpu.memref_slice %arg4[%mul3A_35, %dma_start3A_42] : memref<2568x128xi32, #tpu.memory_space<hbm>> -> memref<96x128xi32, #tpu.memory_space<hbm>>
        tpu.enqueue_dma source(%dma_start3A_43 : memref<96x128xi32, #tpu.memory_space<hbm>>) target(%arg7 : memref<96x128xi32, #tpu.memory_space<vmem>>) target_semaphore(%run_scoped3A : memref<!tpu.dma_semaphore, #tpu.memory_space<semaphore_mem>>)
        %dma_wait3A = arith.constant 0 : i32
        %dma_wait3A_44 = tpu.memref_slice %arg4[%mul3A_35, %dma_wait3A] : memref<2568x128xi32, #tpu.memory_space<hbm>> -> memref<96x128xi32, #tpu.memory_space<hbm>>
        %dma_wait3A_45 = arith.constant 0 : i32
        %dma_wait3A_46 = tpu.memref_slice %arg4[%mul3A_35, %dma_wait3A_45] : memref<2568x128xi32, #tpu.memory_space<hbm>> -> memref<96x128xi32, #tpu.memory_space<hbm>>
        tpu.wait_dma2 semaphore(%run_scoped3A : memref<!tpu.dma_semaphore, #tpu.memory_space<semaphore_mem>>) src(%dma_wait3A_46 : memref<96x128xi32, #tpu.memory_space<hbm>>) dst(%arg7 : memref<96x128xi32, #tpu.memory_space<vmem>>)
        tpu.yield
      }) : () -> ()
      %scan3A_36 = arith.constant 0 : i32
      %scan3A_37 = arith.constant 96 : i32
      %scan3A_38 = arith.addi %scan3A_36, %scan3A_37 : i32
      %scan3A_39 = arith.constant 1 : i32
      scf.for %scan3A_41 = %scan3A_36 to %scan3A_38 step %scan3A_39  : i32 {
        %mul3A_42 = arith.constant 1 : i32
        %mul3A_43 = arith.muli %scan3A_41, %mul3A_42 : i32
        %add3A_44 = arith.constant 0 : i32
        %add3A_45 = arith.addi %add3A_44, %mul3A_43 : i32
        %dma_start3A = arith.constant 0 : i32
        %dma_start3A_46 = tpu.memref_slice %arg6[%add3A_45, %dma_start3A] : memref<96x128xi32, #tpu.memory_space<vmem>> -> memref<1x128xi32, #tpu.memory_space<vmem>>
        %dma_start3A_47 = tpu.memref_squeeze %dma_start3A_46 : memref<1x128xi32, #tpu.memory_space<vmem>> -> memref<128xi32, #tpu.memory_space<vmem>>
        %dma_start3A_48 = arith.constant 0 : i32
        %dma_start3A_49 = arith.constant 0 : i32
        %dma_start3A_50 = tpu.memref_slice %arg2[%dma_start3A_48, %dma_start3A_49] : memref<10000x128xf32, #tpu.memory_space<hbm>> -> memref<10000x128xf32, #tpu.memory_space<hbm>>
        tpu.enqueue_indirect_dma source(%dma_start3A_50 : memref<10000x128xf32, #tpu.memory_space<hbm>>) target(%arg8 : memref<128x128xf32, #tpu.memory_space<vmem>>) offsets(%dma_start3A_47 : memref<128xi32, #tpu.memory_space<vmem>>) semaphore(%arg10 : memref<!tpu.dma_semaphore, #tpu.memory_space<semaphore_mem>>)
        %dma_wait3A = arith.constant 0 : i32
        %dma_wait3A_51 = tpu.memref_slice %arg6[%add3A_45, %dma_wait3A] : memref<96x128xi32, #tpu.memory_space<vmem>> -> memref<1x128xi32, #tpu.memory_space<vmem>>
        %dma_wait3A_52 = tpu.memref_squeeze %dma_wait3A_51 : memref<1x128xi32, #tpu.memory_space<vmem>> -> memref<128xi32, #tpu.memory_space<vmem>>
        %dma_wait3A_53 = arith.constant 0 : i32
        %dma_wait3A_54 = arith.constant 0 : i32
        %dma_wait3A_55 = tpu.memref_slice %arg2[%dma_wait3A_53, %dma_wait3A_54] : memref<10000x128xf32, #tpu.memory_space<hbm>> -> memref<10000x128xf32, #tpu.memory_space<hbm>>
        tpu.wait_indirect_dma semaphore(%arg10 : memref<!tpu.dma_semaphore, #tpu.memory_space<semaphore_mem>>) src(%dma_wait3A_55 : memref<10000x128xf32, #tpu.memory_space<hbm>>) dst(%arg8 : memref<128x128xf32, #tpu.memory_space<vmem>>)
        "tpu.region"() ({
          %run_scoped3A = tpu.sem_alloc : memref<!tpu.dma_semaphore, #tpu.memory_space<semaphore_mem>>
          %dma_start3A_56 = arith.constant 0 : i32
          %dma_start3A_57 = tpu.memref_slice %arg7[%add3A_45, %dma_start3A_56] : memref<96x128xi32, #tpu.memory_space<vmem>> -> memref<1x128xi32, #tpu.memory_space<vmem>>
          %dma_start3A_58 = tpu.memref_squeeze %dma_start3A_57 : memref<1x128xi32, #tpu.memory_space<vmem>> -> memref<128xi32, #tpu.memory_space<vmem>>
          %dma_start3A_59 = arith.constant 0 : i32
          %dma_start3A_60 = arith.constant 0 : i32
          %dma_start3A_61 = tpu.memref_slice %arg9[%dma_start3A_59, %dma_start3A_60] : memref<10240x128xf32, #tpu.memory_space<vmem_shared>> -> memref<10240x128xf32, #tpu.memory_space<vmem_shared>>
          tpu.enqueue_indirect_dma source(%arg8 : memref<128x128xf32, #tpu.memory_space<vmem>>) target(%dma_start3A_61 : memref<10240x128xf32, #tpu.memory_space<vmem_shared>>) offsets(%dma_start3A_58 : memref<128xi32, #tpu.memory_space<vmem>>) semaphore(%run_scoped3A : memref<!tpu.dma_semaphore, #tpu.memory_space<semaphore_mem>>) {add = true}
          %dma_wait3A_62 = arith.constant 0 : i32
          %dma_wait3A_63 = tpu.memref_slice %arg7[%add3A_45, %dma_wait3A_62] : memref<96x128xi32, #tpu.memory_space<vmem>> -> memref<1x128xi32, #tpu.memory_space<vmem>>
          %dma_wait3A_64 = tpu.memref_squeeze %dma_wait3A_63 : memref<1x128xi32, #tpu.memory_space<vmem>> -> memref<128xi32, #tpu.memory_space<vmem>>
          %dma_wait3A_65 = arith.constant 0 : i32
          %dma_wait3A_66 = arith.constant 0 : i32
          %dma_wait3A_67 = tpu.memref_slice %arg9[%dma_wait3A_65, %dma_wait3A_66] : memref<10240x128xf32, #tpu.memory_space<vmem_shared>> -> memref<10240x128xf32, #tpu.memory_space<vmem_shared>>
          tpu.wait_indirect_dma semaphore(%run_scoped3A : memref<!tpu.dma_semaphore, #tpu.memory_space<semaphore_mem>>) src(%arg8 : memref<128x128xf32, #tpu.memory_space<vmem>>) dst(%dma_wait3A_67 : memref<10240x128xf32, #tpu.memory_space<vmem_shared>>)
          tpu.yield
        }) : () -> ()
      }
      %scan3A_40 = arith.constant 96 : i32
    } else {
    }
    %eq3A_24 = arith.constant 1 : i32
    %eq3A_25 = arith.cmpi eq, %arg0, %eq3A_24 : i32
    %convert_element_type3A_26 = arith.extui %eq3A_25 : i1 to i32
    %cond3A_27 = arith.constant 0 : i32
    %cond3A_28 = arith.cmpi ne, %convert_element_type3A_26, %cond3A_27 : i32
    scf.if %cond3A_28 {
      %mul3A_34 = arith.constant 64 : i32
      %mul3A_35 = arith.muli %arg1, %mul3A_34 : i32
      %add3A_36 = arith.constant 1536 : i32
      %add3A_37 = arith.addi %add3A_36, %mul3A_35 : i32
      "tpu.region"() ({
        %run_scoped3A = tpu.sem_alloc : memref<!tpu.dma_semaphore, #tpu.memory_space<semaphore_mem>>
        %dma_start3A = arith.constant 0 : i32
        %dma_start3A_43 = arith.constant 0 : i32
        %dma_start3A_44 = tpu.memref_slice %arg6[%dma_start3A, %dma_start3A_43] : memref<96x128xi32, #tpu.memory_space<vmem>> -> memref<64x128xi32, #tpu.memory_space<vmem>>
        %dma_start3A_45 = arith.constant 0 : i32
        %dma_start3A_46 = tpu.memref_slice %arg3[%add3A_37, %dma_start3A_45] : memref<2568x128xi32, #tpu.memory_space<hbm>> -> memref<64x128xi32, #tpu.memory_space<hbm>>
        %dma_start3A_47 = arith.constant 0 : i32
        %dma_start3A_48 = arith.constant 0 : i32
        %dma_start3A_49 = tpu.memref_slice %arg6[%dma_start3A_47, %dma_start3A_48] : memref<96x128xi32, #tpu.memory_space<vmem>> -> memref<64x128xi32, #tpu.memory_space<vmem>>
        %dma_start3A_50 = arith.constant 0 : i32
        %dma_start3A_51 = tpu.memref_slice %arg3[%add3A_37, %dma_start3A_50] : memref<2568x128xi32, #tpu.memory_space<hbm>> -> memref<64x128xi32, #tpu.memory_space<hbm>>
        tpu.enqueue_dma source(%dma_start3A_51 : memref<64x128xi32, #tpu.memory_space<hbm>>) target(%dma_start3A_49 : memref<64x128xi32, #tpu.memory_space<vmem>>) target_semaphore(%run_scoped3A : memref<!tpu.dma_semaphore, #tpu.memory_space<semaphore_mem>>)
        %dma_wait3A = arith.constant 0 : i32
        %dma_wait3A_52 = arith.constant 0 : i32
        %dma_wait3A_53 = tpu.memref_slice %arg6[%dma_wait3A, %dma_wait3A_52] : memref<96x128xi32, #tpu.memory_space<vmem>> -> memref<64x128xi32, #tpu.memory_space<vmem>>
        %dma_wait3A_54 = arith.constant 0 : i32
        %dma_wait3A_55 = tpu.memref_slice %arg3[%add3A_37, %dma_wait3A_54] : memref<2568x128xi32, #tpu.memory_space<hbm>> -> memref<64x128xi32, #tpu.memory_space<hbm>>
        %dma_wait3A_56 = arith.constant 0 : i32
        %dma_wait3A_57 = arith.constant 0 : i32
        %dma_wait3A_58 = tpu.memref_slice %arg6[%dma_wait3A_56, %dma_wait3A_57] : memref<96x128xi32, #tpu.memory_space<vmem>> -> memref<64x128xi32, #tpu.memory_space<vmem>>
        %dma_wait3A_59 = arith.constant 0 : i32
        %dma_wait3A_60 = tpu.memref_slice %arg3[%add3A_37, %dma_wait3A_59] : memref<2568x128xi32, #tpu.memory_space<hbm>> -> memref<64x128xi32, #tpu.memory_space<hbm>>
        tpu.wait_dma2 semaphore(%run_scoped3A : memref<!tpu.dma_semaphore, #tpu.memory_space<semaphore_mem>>) src(%dma_wait3A_60 : memref<64x128xi32, #tpu.memory_space<hbm>>) dst(%dma_wait3A_58 : memref<64x128xi32, #tpu.memory_space<vmem>>)
        tpu.yield
      }) : () -> ()
      "tpu.region"() ({
        %run_scoped3A = tpu.sem_alloc : memref<!tpu.dma_semaphore, #tpu.memory_space<semaphore_mem>>
        %dma_start3A = arith.constant 0 : i32
        %dma_start3A_43 = arith.constant 0 : i32
        %dma_start3A_44 = tpu.memref_slice %arg7[%dma_start3A, %dma_start3A_43] : memref<96x128xi32, #tpu.memory_space<vmem>> -> memref<64x128xi32, #tpu.memory_space<vmem>>
        %dma_start3A_45 = arith.constant 0 : i32
        %dma_start3A_46 = tpu.memref_slice %arg4[%add3A_37, %dma_start3A_45] : memref<2568x128xi32, #tpu.memory_space<hbm>> -> memref<64x128xi32, #tpu.memory_space<hbm>>
        %dma_start3A_47 = arith.constant 0 : i32
        %dma_start3A_48 = arith.constant 0 : i32
        %dma_start3A_49 = tpu.memref_slice %arg7[%dma_start3A_47, %dma_start3A_48] : memref<96x128xi32, #tpu.memory_space<vmem>> -> memref<64x128xi32, #tpu.memory_space<vmem>>
        %dma_start3A_50 = arith.constant 0 : i32
        %dma_start3A_51 = tpu.memref_slice %arg4[%add3A_37, %dma_start3A_50] : memref<2568x128xi32, #tpu.memory_space<hbm>> -> memref<64x128xi32, #tpu.memory_space<hbm>>
        tpu.enqueue_dma source(%dma_start3A_51 : memref<64x128xi32, #tpu.memory_space<hbm>>) target(%dma_start3A_49 : memref<64x128xi32, #tpu.memory_space<vmem>>) target_semaphore(%run_scoped3A : memref<!tpu.dma_semaphore, #tpu.memory_space<semaphore_mem>>)
        %dma_wait3A = arith.constant 0 : i32
        %dma_wait3A_52 = arith.constant 0 : i32
        %dma_wait3A_53 = tpu.memref_slice %arg7[%dma_wait3A, %dma_wait3A_52] : memref<96x128xi32, #tpu.memory_space<vmem>> -> memref<64x128xi32, #tpu.memory_space<vmem>>
        %dma_wait3A_54 = arith.constant 0 : i32
        %dma_wait3A_55 = tpu.memref_slice %arg4[%add3A_37, %dma_wait3A_54] : memref<2568x128xi32, #tpu.memory_space<hbm>> -> memref<64x128xi32, #tpu.memory_space<hbm>>
        %dma_wait3A_56 = arith.constant 0 : i32
        %dma_wait3A_57 = arith.constant 0 : i32
        %dma_wait3A_58 = tpu.memref_slice %arg7[%dma_wait3A_56, %dma_wait3A_57] : memref<96x128xi32, #tpu.memory_space<vmem>> -> memref<64x128xi32, #tpu.memory_space<vmem>>
        %dma_wait3A_59 = arith.constant 0 : i32
        %dma_wait3A_60 = tpu.memref_slice %arg4[%add3A_37, %dma_wait3A_59] : memref<2568x128xi32, #tpu.memory_space<hbm>> -> memref<64x128xi32, #tpu.memory_space<hbm>>
        tpu.wait_dma2 semaphore(%run_scoped3A : memref<!tpu.dma_semaphore, #tpu.memory_space<semaphore_mem>>) src(%dma_wait3A_60 : memref<64x128xi32, #tpu.memory_space<hbm>>) dst(%dma_wait3A_58 : memref<64x128xi32, #tpu.memory_space<vmem>>)
        tpu.yield
      }) : () -> ()
      %scan3A_38 = arith.constant 0 : i32
      %scan3A_39 = arith.constant 64 : i32
      %scan3A_40 = arith.addi %scan3A_38, %scan3A_39 : i32
      %scan3A_41 = arith.constant 1 : i32
      scf.for %scan3A_43 = %scan3A_38 to %scan3A_40 step %scan3A_41  : i32 {
        %mul3A_44 = arith.constant 1 : i32
        %mul3A_45 = arith.muli %scan3A_43, %mul3A_44 : i32
        %add3A_46 = arith.constant 0 : i32
        %add3A_47 = arith.addi %add3A_46, %mul3A_45 : i32
        %dma_start3A = arith.constant 0 : i32
        %dma_start3A_48 = tpu.memref_slice %arg6[%add3A_47, %dma_start3A] : memref<96x128xi32, #tpu.memory_space<vmem>> -> memref<1x128xi32, #tpu.memory_space<vmem>>
        %dma_start3A_49 = tpu.memref_squeeze %dma_start3A_48 : memref<1x128xi32, #tpu.memory_space<vmem>> -> memref<128xi32, #tpu.memory_space<vmem>>
        %dma_start3A_50 = arith.constant 0 : i32
        %dma_start3A_51 = arith.constant 0 : i32
        %dma_start3A_52 = tpu.memref_slice %arg2[%dma_start3A_50, %dma_start3A_51] : memref<10000x128xf32, #tpu.memory_space<hbm>> -> memref<10000x128xf32, #tpu.memory_space<hbm>>
        tpu.enqueue_indirect_dma source(%dma_start3A_52 : memref<10000x128xf32, #tpu.memory_space<hbm>>) target(%arg8 : memref<128x128xf32, #tpu.memory_space<vmem>>) offsets(%dma_start3A_49 : memref<128xi32, #tpu.memory_space<vmem>>) semaphore(%arg10 : memref<!tpu.dma_semaphore, #tpu.memory_space<semaphore_mem>>)
        %dma_wait3A = arith.constant 0 : i32
        %dma_wait3A_53 = tpu.memref_slice %arg6[%add3A_47, %dma_wait3A] : memref<96x128xi32, #tpu.memory_space<vmem>> -> memref<1x128xi32, #tpu.memory_space<vmem>>
        %dma_wait3A_54 = tpu.memref_squeeze %dma_wait3A_53 : memref<1x128xi32, #tpu.memory_space<vmem>> -> memref<128xi32, #tpu.memory_space<vmem>>
        %dma_wait3A_55 = arith.constant 0 : i32
        %dma_wait3A_56 = arith.constant 0 : i32
        %dma_wait3A_57 = tpu.memref_slice %arg2[%dma_wait3A_55, %dma_wait3A_56] : memref<10000x128xf32, #tpu.memory_space<hbm>> -> memref<10000x128xf32, #tpu.memory_space<hbm>>
        tpu.wait_indirect_dma semaphore(%arg10 : memref<!tpu.dma_semaphore, #tpu.memory_space<semaphore_mem>>) src(%dma_wait3A_57 : memref<10000x128xf32, #tpu.memory_space<hbm>>) dst(%arg8 : memref<128x128xf32, #tpu.memory_space<vmem>>)
        "tpu.region"() ({
          %run_scoped3A = tpu.sem_alloc : memref<!tpu.dma_semaphore, #tpu.memory_space<semaphore_mem>>
          %dma_start3A_58 = arith.constant 0 : i32
          %dma_start3A_59 = tpu.memref_slice %arg7[%add3A_47, %dma_start3A_58] : memref<96x128xi32, #tpu.memory_space<vmem>> -> memref<1x128xi32, #tpu.memory_space<vmem>>
          %dma_start3A_60 = tpu.memref_squeeze %dma_start3A_59 : memref<1x128xi32, #tpu.memory_space<vmem>> -> memref<128xi32, #tpu.memory_space<vmem>>
          %dma_start3A_61 = arith.constant 0 : i32
          %dma_start3A_62 = arith.constant 0 : i32
          %dma_start3A_63 = tpu.memref_slice %arg9[%dma_start3A_61, %dma_start3A_62] : memref<10240x128xf32, #tpu.memory_space<vmem_shared>> -> memref<10240x128xf32, #tpu.memory_space<vmem_shared>>
          tpu.enqueue_indirect_dma source(%arg8 : memref<128x128xf32, #tpu.memory_space<vmem>>) target(%dma_start3A_63 : memref<10240x128xf32, #tpu.memory_space<vmem_shared>>) offsets(%dma_start3A_60 : memref<128xi32, #tpu.memory_space<vmem>>) semaphore(%run_scoped3A : memref<!tpu.dma_semaphore, #tpu.memory_space<semaphore_mem>>) {add = true}
          %dma_wait3A_64 = arith.constant 0 : i32
          %dma_wait3A_65 = tpu.memref_slice %arg7[%add3A_47, %dma_wait3A_64] : memref<96x128xi32, #tpu.memory_space<vmem>> -> memref<1x128xi32, #tpu.memory_space<vmem>>
          %dma_wait3A_66 = tpu.memref_squeeze %dma_wait3A_65 : memref<1x128xi32, #tpu.memory_space<vmem>> -> memref<128xi32, #tpu.memory_space<vmem>>
          %dma_wait3A_67 = arith.constant 0 : i32
          %dma_wait3A_68 = arith.constant 0 : i32
          %dma_wait3A_69 = tpu.memref_slice %arg9[%dma_wait3A_67, %dma_wait3A_68] : memref<10240x128xf32, #tpu.memory_space<vmem_shared>> -> memref<10240x128xf32, #tpu.memory_space<vmem_shared>>
          tpu.wait_indirect_dma semaphore(%run_scoped3A : memref<!tpu.dma_semaphore, #tpu.memory_space<semaphore_mem>>) src(%arg8 : memref<128x128xf32, #tpu.memory_space<vmem>>) dst(%dma_wait3A_69 : memref<10240x128xf32, #tpu.memory_space<vmem_shared>>)
          tpu.yield
        }) : () -> ()
      }
      %scan3A_42 = arith.constant 64 : i32
    } else {
    }
    %barrier3A_29 = arith.constant 0 : index
    tpu.barrier barrier_id(%barrier3A_29)
    %mul3A_30 = arith.constant 640 : i32
    %mul3A_31 = arith.muli %arg1, %mul3A_30 : i32
    %mul3A_32 = arith.constant 640 : i32
    %mul3A_33 = arith.muli %arg1, %mul3A_32 : i32
    "tpu.region"() ({
      %run_scoped3A = tpu.sem_alloc : memref<!tpu.dma_semaphore, #tpu.memory_space<semaphore_mem>>
      %dma_start3A = arith.constant 0 : i32
      %dma_start3A_34 = tpu.memref_slice %arg5[%arg0, %mul3A_33, %dma_start3A] : memref<2x10240x128xf32, #tpu.memory_space<hbm>> -> memref<1x640x128xf32, #tpu.memory_space<hbm>>
      %dma_start3A_35 = tpu.memref_squeeze %dma_start3A_34 : memref<1x640x128xf32, #tpu.memory_space<hbm>> -> memref<640x128xf32, #tpu.memory_space<hbm>>
      %dma_start3A_36 = arith.constant 0 : i32
      %dma_start3A_37 = tpu.memref_slice %arg9[%mul3A_31, %dma_start3A_36] : memref<10240x128xf32, #tpu.memory_space<vmem_shared>> -> memref<640x128xf32, #tpu.memory_space<vmem_shared>>
      tpu.enqueue_dma source(%dma_start3A_37 : memref<640x128xf32, #tpu.memory_space<vmem_shared>>) target(%dma_start3A_35 : memref<640x128xf32, #tpu.memory_space<hbm>>) target_semaphore(%run_scoped3A : memref<!tpu.dma_semaphore, #tpu.memory_space<semaphore_mem>>)
      %dma_wait3A = arith.constant 0 : i32
      %dma_wait3A_38 = tpu.memref_slice %arg5[%arg0, %mul3A_33, %dma_wait3A] : memref<2x10240x128xf32, #tpu.memory_space<hbm>> -> memref<1x640x128xf32, #tpu.memory_space<hbm>>
      %dma_wait3A_39 = tpu.memref_squeeze %dma_wait3A_38 : memref<1x640x128xf32, #tpu.memory_space<hbm>> -> memref<640x128xf32, #tpu.memory_space<hbm>>
      %dma_wait3A_40 = arith.constant 0 : i32
      %dma_wait3A_41 = tpu.memref_slice %arg9[%mul3A_31, %dma_wait3A_40] : memref<10240x128xf32, #tpu.memory_space<vmem_shared>> -> memref<640x128xf32, #tpu.memory_space<vmem_shared>>
      tpu.wait_dma2 semaphore(%run_scoped3A : memref<!tpu.dma_semaphore, #tpu.memory_space<semaphore_mem>>) src(%dma_wait3A_41 : memref<640x128xf32, #tpu.memory_space<vmem_shared>>) dst(%dma_wait3A_39 : memref<640x128xf32, #tpu.memory_space<hbm>>)
      tpu.yield
    }) : () -> ()
    return
  }
}

#map = affine_map<(d0, d1) -> (0, 0)>
#map1 = affine_map<(d0, d1) -> (0, 0, 0)>
module attributes {stable_mosaic.version = 14 : i64} {
  func.func @k(%arg0: i32, %arg1: i32, %arg2: memref<10000x128xf32, #tpu.memory_space<hbm>>, %arg3: memref<2568x128xi32, #tpu.memory_space<hbm>>, %arg4: memref<2568x128xi32, #tpu.memory_space<hbm>>, %arg5: memref<2x10240x128xf32, #tpu.memory_space<hbm>>, %arg6: memref<96x128xi32, #tpu.memory_space<vmem>>, %arg7: memref<96x128xi32, #tpu.memory_space<vmem>>, %arg8: memref<128x128xf32, #tpu.memory_space<vmem>>, %arg9: memref<10240x128xf32, #tpu.memory_space<vmem_shared>>, %arg10: memref<!tpu.dma_semaphore, #tpu.memory_space<semaphore_mem>>) attributes {dimension_semantics = [#tpu.dimension_semantics<core_parallel>, #tpu.dimension_semantics<subcore_parallel>], iteration_bounds = array<i64: 2, 16>, scalar_prefetch = 0 : i64, scratch_operands = 5 : i64, tpu.core_type = #tpu.core_type<sc_vector_subcore>, window_params = [{transform_indices = #map}, {transform_indices = #map}, {transform_indices = #map}, {transform_indices = #map1}]} {
    %scan3A = arith.constant 0 : i32
    %scan3A_0 = arith.constant 128 : i32
    %scan3A_1 = arith.addi %scan3A, %scan3A_0 : i32
    %scan3A_2 = arith.constant 1 : i32
    scf.for %scan3A_34 = %scan3A to %scan3A_1 step %scan3A_2  : i32 {
      %mul3A_35 = arith.constant 1 : i32
      %mul3A_36 = arith.muli %scan3A_34, %mul3A_35 : i32
      %add3A_37 = arith.constant 0 : i32
      %add3A_38 = arith.addi %add3A_37, %mul3A_36 : i32
      %scan3A_39 = arith.constant 0 : i32
      %scan3A_40 = arith.constant 8 : i32
      %scan3A_41 = arith.addi %scan3A_39, %scan3A_40 : i32
      %scan3A_42 = arith.constant 1 : i32
      scf.for %scan3A_44 = %scan3A_39 to %scan3A_41 step %scan3A_42  : i32 {
        %mul3A_45 = arith.constant 1 : i32
        %mul3A_46 = arith.muli %scan3A_44, %mul3A_45 : i32
        %add3A_47 = arith.constant 0 : i32
        %add3A_48 = arith.addi %add3A_47, %mul3A_46 : i32
        %broadcast_in_dim3A = arith.constant 0.000000e+00 : f32
        %broadcast_in_dim3A_49 = vector.broadcast %broadcast_in_dim3A : f32 to vector<16xf32>
        %mul3A_50 = arith.constant 16 : i32
        %mul3A_51 = arith.muli %add3A_48, %mul3A_50 : i32
        %swap3A = arith.index_cast %add3A_38 : i32 to index
        %swap3A_52 = arith.index_cast %mul3A_51 : i32 to index
        %swap3A_53 = tpu.vector_load %arg8[%swap3A, %swap3A_52] {strides = array<i32>} : memref<128x128xf32, #tpu.memory_space<vmem>>, vector<1x16xf32>,
        %swap3A_54 = vector.shape_cast %swap3A_53 : vector<1x16xf32> to vector<16xf32>
        %swap3A_55 = vector.shape_cast %broadcast_in_dim3A_49 : vector<16xf32> to vector<1x16xf32>
        tpu.vector_store %arg8[%swap3A, %swap3A_52], %swap3A_55 {strides = array<i32>} : memref<128x128xf32, #tpu.memory_space<vmem>>, vector<1x16xf32>,
      }
      %scan3A_43 = arith.constant 8 : i32
    }
    %scan3A_3 = arith.constant 128 : i32
    %mul3A = arith.constant 640 : i32
    %mul3A_4 = arith.muli %arg1, %mul3A : i32
    %add3A = arith.constant 0 : i32
    %add3A_5 = arith.addi %mul3A_4, %add3A : i32
    "tpu.region"() ({
      %run_scoped3A = tpu.sem_alloc : memref<!tpu.dma_semaphore, #tpu.memory_space<semaphore_mem>>
      %dma_start3A = arith.constant 0 : i32
      %dma_start3A_34 = tpu.memref_slice %arg9[%add3A_5, %dma_start3A] : memref<10240x128xf32, #tpu.memory_space<vmem_shared>> -> memref<128x128xf32, #tpu.memory_space<vmem_shared>>
      %dma_start3A_35 = arith.constant 0 : i32
      %dma_start3A_36 = tpu.memref_slice %arg9[%add3A_5, %dma_start3A_35] : memref<10240x128xf32, #tpu.memory_space<vmem_shared>> -> memref<128x128xf32, #tpu.memory_space<vmem_shared>>
      tpu.enqueue_dma source(%arg8 : memref<128x128xf32, #tpu.memory_space<vmem>>) target(%dma_start3A_36 : memref<128x128xf32, #tpu.memory_space<vmem_shared>>) target_semaphore(%run_scoped3A : memref<!tpu.dma_semaphore, #tpu.memory_space<semaphore_mem>>)
      %dma_wait3A = arith.constant 0 : i32
      %dma_wait3A_37 = tpu.memref_slice %arg9[%add3A_5, %dma_wait3A] : memref<10240x128xf32, #tpu.memory_space<vmem_shared>> -> memref<128x128xf32, #tpu.memory_space<vmem_shared>>
      %dma_wait3A_38 = arith.constant 0 : i32
      %dma_wait3A_39 = tpu.memref_slice %arg9[%add3A_5, %dma_wait3A_38] : memref<10240x128xf32, #tpu.memory_space<vmem_shared>> -> memref<128x128xf32, #tpu.memory_space<vmem_shared>>
      tpu.wait_dma2 semaphore(%run_scoped3A : memref<!tpu.dma_semaphore, #tpu.memory_space<semaphore_mem>>) src(%arg8 : memref<128x128xf32, #tpu.memory_space<vmem>>) dst(%dma_wait3A_39 : memref<128x128xf32, #tpu.memory_space<vmem_shared>>)
      tpu.yield
    }) : () -> ()
    %mul3A_6 = arith.constant 640 : i32
    %mul3A_7 = arith.muli %arg1, %mul3A_6 : i32
    %add3A_8 = arith.constant 128 : i32
    %add3A_9 = arith.addi %mul3A_7, %add3A_8 : i32
    "tpu.region"() ({
      %run_scoped3A = tpu.sem_alloc : memref<!tpu.dma_semaphore, #tpu.memory_space<semaphore_mem>>
      %dma_start3A = arith.constant 0 : i32
      %dma_start3A_34 = tpu.memref_slice %arg9[%add3A_9, %dma_start3A] : memref<10240x128xf32, #tpu.memory_space<vmem_shared>> -> memref<128x128xf32, #tpu.memory_space<vmem_shared>>
      %dma_start3A_35 = arith.constant 0 : i32
      %dma_start3A_36 = tpu.memref_slice %arg9[%add3A_9, %dma_start3A_35] : memref<10240x128xf32, #tpu.memory_space<vmem_shared>> -> memref<128x128xf32, #tpu.memory_space<vmem_shared>>
      tpu.enqueue_dma source(%arg8 : memref<128x128xf32, #tpu.memory_space<vmem>>) target(%dma_start3A_36 : memref<128x128xf32, #tpu.memory_space<vmem_shared>>) target_semaphore(%run_scoped3A : memref<!tpu.dma_semaphore, #tpu.memory_space<semaphore_mem>>)
      %dma_wait3A = arith.constant 0 : i32
      %dma_wait3A_37 = tpu.memref_slice %arg9[%add3A_9, %dma_wait3A] : memref<10240x128xf32, #tpu.memory_space<vmem_shared>> -> memref<128x128xf32, #tpu.memory_space<vmem_shared>>
      %dma_wait3A_38 = arith.constant 0 : i32
      %dma_wait3A_39 = tpu.memref_slice %arg9[%add3A_9, %dma_wait3A_38] : memref<10240x128xf32, #tpu.memory_space<vmem_shared>> -> memref<128x128xf32, #tpu.memory_space<vmem_shared>>
      tpu.wait_dma2 semaphore(%run_scoped3A : memref<!tpu.dma_semaphore, #tpu.memory_space<semaphore_mem>>) src(%arg8 : memref<128x128xf32, #tpu.memory_space<vmem>>) dst(%dma_wait3A_39 : memref<128x128xf32, #tpu.memory_space<vmem_shared>>)
      tpu.yield
    }) : () -> ()
    %mul3A_10 = arith.constant 640 : i32
    %mul3A_11 = arith.muli %arg1, %mul3A_10 : i32
    %add3A_12 = arith.constant 256 : i32
    %add3A_13 = arith.addi %mul3A_11, %add3A_12 : i32
    "tpu.region"() ({
      %run_scoped3A = tpu.sem_alloc : memref<!tpu.dma_semaphore, #tpu.memory_space<semaphore_mem>>
      %dma_start3A = arith.constant 0 : i32
      %dma_start3A_34 = tpu.memref_slice %arg9[%add3A_13, %dma_start3A] : memref<10240x128xf32, #tpu.memory_space<vmem_shared>> -> memref<128x128xf32, #tpu.memory_space<vmem_shared>>
      %dma_start3A_35 = arith.constant 0 : i32
      %dma_start3A_36 = tpu.memref_slice %arg9[%add3A_13, %dma_start3A_35] : memref<10240x128xf32, #tpu.memory_space<vmem_shared>> -> memref<128x128xf32, #tpu.memory_space<vmem_shared>>
      tpu.enqueue_dma source(%arg8 : memref<128x128xf32, #tpu.memory_space<vmem>>) target(%dma_start3A_36 : memref<128x128xf32, #tpu.memory_space<vmem_shared>>) target_semaphore(%run_scoped3A : memref<!tpu.dma_semaphore, #tpu.memory_space<semaphore_mem>>)
      %dma_wait3A = arith.constant 0 : i32
      %dma_wait3A_37 = tpu.memref_slice %arg9[%add3A_13, %dma_wait3A] : memref<10240x128xf32, #tpu.memory_space<vmem_shared>> -> memref<128x128xf32, #tpu.memory_space<vmem_shared>>
      %dma_wait3A_38 = arith.constant 0 : i32
      %dma_wait3A_39 = tpu.memref_slice %arg9[%add3A_13, %dma_wait3A_38] : memref<10240x128xf32, #tpu.memory_space<vmem_shared>> -> memref<128x128xf32, #tpu.memory_space<vmem_shared>>
      tpu.wait_dma2 semaphore(%run_scoped3A : memref<!tpu.dma_semaphore, #tpu.memory_space<semaphore_mem>>) src(%arg8 : memref<128x128xf32, #tpu.memory_space<vmem>>) dst(%dma_wait3A_39 : memref<128x128xf32, #tpu.memory_space<vmem_shared>>)
      tpu.yield
    }) : () -> ()
    %mul3A_14 = arith.constant 640 : i32
    %mul3A_15 = arith.muli %arg1, %mul3A_14 : i32
    %add3A_16 = arith.constant 384 : i32
    %add3A_17 = arith.addi %mul3A_15, %add3A_16 : i32
    "tpu.region"() ({
      %run_scoped3A = tpu.sem_alloc : memref<!tpu.dma_semaphore, #tpu.memory_space<semaphore_mem>>
      %dma_start3A = arith.constant 0 : i32
      %dma_start3A_34 = tpu.memref_slice %arg9[%add3A_17, %dma_start3A] : memref<10240x128xf32, #tpu.memory_space<vmem_shared>> -> memref<128x128xf32, #tpu.memory_space<vmem_shared>>
      %dma_start3A_35 = arith.constant 0 : i32
      %dma_start3A_36 = tpu.memref_slice %arg9[%add3A_17, %dma_start3A_35] : memref<10240x128xf32, #tpu.memory_space<vmem_shared>> -> memref<128x128xf32, #tpu.memory_space<vmem_shared>>
      tpu.enqueue_dma source(%arg8 : memref<128x128xf32, #tpu.memory_space<vmem>>) target(%dma_start3A_36 : memref<128x128xf32, #tpu.memory_space<vmem_shared>>) target_semaphore(%run_scoped3A : memref<!tpu.dma_semaphore, #tpu.memory_space<semaphore_mem>>)
      %dma_wait3A = arith.constant 0 : i32
      %dma_wait3A_37 = tpu.memref_slice %arg9[%add3A_17, %dma_wait3A] : memref<10240x128xf32, #tpu.memory_space<vmem_shared>> -> memref<128x128xf32, #tpu.memory_space<vmem_shared>>
      %dma_wait3A_38 = arith.constant 0 : i32
      %dma_wait3A_39 = tpu.memref_slice %arg9[%add3A_17, %dma_wait3A_38] : memref<10240x128xf32, #tpu.memory_space<vmem_shared>> -> memref<128x128xf32, #tpu.memory_space<vmem_shared>>
      tpu.wait_dma2 semaphore(%run_scoped3A : memref<!tpu.dma_semaphore, #tpu.memory_space<semaphore_mem>>) src(%arg8 : memref<128x128xf32, #tpu.memory_space<vmem>>) dst(%dma_wait3A_39 : memref<128x128xf32, #tpu.memory_space<vmem_shared>>)
      tpu.yield
    }) : () -> ()
    %mul3A_18 = arith.constant 640 : i32
    %mul3A_19 = arith.muli %arg1, %mul3A_18 : i32
    %add3A_20 = arith.constant 512 : i32
    %add3A_21 = arith.addi %mul3A_19, %add3A_20 : i32
    "tpu.region"() ({
      %run_scoped3A = tpu.sem_alloc : memref<!tpu.dma_semaphore, #tpu.memory_space<semaphore_mem>>
      %dma_start3A = arith.constant 0 : i32
      %dma_start3A_34 = tpu.memref_slice %arg9[%add3A_21, %dma_start3A] : memref<10240x128xf32, #tpu.memory_space<vmem_shared>> -> memref<128x128xf32, #tpu.memory_space<vmem_shared>>
      %dma_start3A_35 = arith.constant 0 : i32
      %dma_start3A_36 = tpu.memref_slice %arg9[%add3A_21, %dma_start3A_35] : memref<10240x128xf32, #tpu.memory_space<vmem_shared>> -> memref<128x128xf32, #tpu.memory_space<vmem_shared>>
      tpu.enqueue_dma source(%arg8 : memref<128x128xf32, #tpu.memory_space<vmem>>) target(%dma_start3A_36 : memref<128x128xf32, #tpu.memory_space<vmem_shared>>) target_semaphore(%run_scoped3A : memref<!tpu.dma_semaphore, #tpu.memory_space<semaphore_mem>>)
      %dma_wait3A = arith.constant 0 : i32
      %dma_wait3A_37 = tpu.memref_slice %arg9[%add3A_21, %dma_wait3A] : memref<10240x128xf32, #tpu.memory_space<vmem_shared>> -> memref<128x128xf32, #tpu.memory_space<vmem_shared>>
      %dma_wait3A_38 = arith.constant 0 : i32
      %dma_wait3A_39 = tpu.memref_slice %arg9[%add3A_21, %dma_wait3A_38] : memref<10240x128xf32, #tpu.memory_space<vmem_shared>> -> memref<128x128xf32, #tpu.memory_space<vmem_shared>>
      tpu.wait_dma2 semaphore(%run_scoped3A : memref<!tpu.dma_semaphore, #tpu.memory_space<semaphore_mem>>) src(%arg8 : memref<128x128xf32, #tpu.memory_space<vmem>>) dst(%dma_wait3A_39 : memref<128x128xf32, #tpu.memory_space<vmem_shared>>)
      tpu.yield
    }) : () -> ()
    %barrier3A = arith.constant 0 : index
    tpu.barrier barrier_id(%barrier3A)
    %eq3A = arith.constant 0 : i32
    %eq3A_22 = arith.cmpi eq, %arg0, %eq3A : i32
    %convert_element_type3A = arith.extui %eq3A_22 : i1 to i32
    %cond3A = arith.constant 0 : i32
    %cond3A_23 = arith.cmpi ne, %convert_element_type3A, %cond3A : i32
    scf.if %cond3A_23 {
      %mul3A_34 = arith.constant 96 : i32
      %mul3A_35 = arith.muli %arg1, %mul3A_34 : i32
      "tpu.region"() ({
        %run_scoped3A = tpu.sem_alloc : memref<!tpu.dma_semaphore, #tpu.memory_space<semaphore_mem>>
        %dma_start3A = arith.constant 0 : i32
        %dma_start3A_41 = tpu.memref_slice %arg3[%mul3A_35, %dma_start3A] : memref<2568x128xi32, #tpu.memory_space<hbm>> -> memref<96x128xi32, #tpu.memory_space<hbm>>
        %dma_start3A_42 = arith.constant 0 : i32
        %dma_start3A_43 = tpu.memref_slice %arg3[%mul3A_35, %dma_start3A_42] : memref<2568x128xi32, #tpu.memory_space<hbm>> -> memref<96x128xi32, #tpu.memory_space<hbm>>
        tpu.enqueue_dma source(%dma_start3A_43 : memref<96x128xi32, #tpu.memory_space<hbm>>) target(%arg6 : memref<96x128xi32, #tpu.memory_space<vmem>>) target_semaphore(%run_scoped3A : memref<!tpu.dma_semaphore, #tpu.memory_space<semaphore_mem>>)
        %dma_wait3A = arith.constant 0 : i32
        %dma_wait3A_44 = tpu.memref_slice %arg3[%mul3A_35, %dma_wait3A] : memref<2568x128xi32, #tpu.memory_space<hbm>> -> memref<96x128xi32, #tpu.memory_space<hbm>>
        %dma_wait3A_45 = arith.constant 0 : i32
        %dma_wait3A_46 = tpu.memref_slice %arg3[%mul3A_35, %dma_wait3A_45] : memref<2568x128xi32, #tpu.memory_space<hbm>> -> memref<96x128xi32, #tpu.memory_space<hbm>>
        tpu.wait_dma2 semaphore(%run_scoped3A : memref<!tpu.dma_semaphore, #tpu.memory_space<semaphore_mem>>) src(%dma_wait3A_46 : memref<96x128xi32, #tpu.memory_space<hbm>>) dst(%arg6 : memref<96x128xi32, #tpu.memory_space<vmem>>)
        tpu.yield
      }) : () -> ()
      "tpu.region"() ({
        %run_scoped3A = tpu.sem_alloc : memref<!tpu.dma_semaphore, #tpu.memory_space<semaphore_mem>>
        %dma_start3A = arith.constant 0 : i32
        %dma_start3A_41 = tpu.memref_slice %arg4[%mul3A_35, %dma_start3A] : memref<2568x128xi32, #tpu.memory_space<hbm>> -> memref<96x128xi32, #tpu.memory_space<hbm>>
        %dma_start3A_42 = arith.constant 0 : i32
        %dma_start3A_43 = tpu.memref_slice %arg4[%mul3A_35, %dma_start3A_42] : memref<2568x128xi32, #tpu.memory_space<hbm>> -> memref<96x128xi32, #tpu.memory_space<hbm>>
        tpu.enqueue_dma source(%dma_start3A_43 : memref<96x128xi32, #tpu.memory_space<hbm>>) target(%arg7 : memref<96x128xi32, #tpu.memory_space<vmem>>) target_semaphore(%run_scoped3A : memref<!tpu.dma_semaphore, #tpu.memory_space<semaphore_mem>>)
        %dma_wait3A = arith.constant 0 : i32
        %dma_wait3A_44 = tpu.memref_slice %arg4[%mul3A_35, %dma_wait3A] : memref<2568x128xi32, #tpu.memory_space<hbm>> -> memref<96x128xi32, #tpu.memory_space<hbm>>
        %dma_wait3A_45 = arith.constant 0 : i32
        %dma_wait3A_46 = tpu.memref_slice %arg4[%mul3A_35, %dma_wait3A_45] : memref<2568x128xi32, #tpu.memory_space<hbm>> -> memref<96x128xi32, #tpu.memory_space<hbm>>
        tpu.wait_dma2 semaphore(%run_scoped3A : memref<!tpu.dma_semaphore, #tpu.memory_space<semaphore_mem>>) src(%dma_wait3A_46 : memref<96x128xi32, #tpu.memory_space<hbm>>) dst(%arg7 : memref<96x128xi32, #tpu.memory_space<vmem>>)
        tpu.yield
      }) : () -> ()
      %scan3A_36 = arith.constant 0 : i32
      %scan3A_37 = arith.constant 96 : i32
      %scan3A_38 = arith.addi %scan3A_36, %scan3A_37 : i32
      %scan3A_39 = arith.constant 1 : i32
      scf.for %scan3A_41 = %scan3A_36 to %scan3A_38 step %scan3A_39  : i32 {
        %mul3A_42 = arith.constant 1 : i32
        %mul3A_43 = arith.muli %scan3A_41, %mul3A_42 : i32
        %add3A_44 = arith.constant 0 : i32
        %add3A_45 = arith.addi %add3A_44, %mul3A_43 : i32
        %dma_start3A = arith.constant 0 : i32
        %dma_start3A_46 = tpu.memref_slice %arg6[%add3A_45, %dma_start3A] : memref<96x128xi32, #tpu.memory_space<vmem>> -> memref<1x128xi32, #tpu.memory_space<vmem>>
        %dma_start3A_47 = tpu.memref_squeeze %dma_start3A_46 : memref<1x128xi32, #tpu.memory_space<vmem>> -> memref<128xi32, #tpu.memory_space<vmem>>
        %dma_start3A_48 = arith.constant 0 : i32
        %dma_start3A_49 = arith.constant 0 : i32
        %dma_start3A_50 = tpu.memref_slice %arg2[%dma_start3A_48, %dma_start3A_49] : memref<10000x128xf32, #tpu.memory_space<hbm>> -> memref<10000x128xf32, #tpu.memory_space<hbm>>
        tpu.enqueue_indirect_dma source(%dma_start3A_50 : memref<10000x128xf32, #tpu.memory_space<hbm>>) target(%arg8 : memref<128x128xf32, #tpu.memory_space<vmem>>) offsets(%dma_start3A_47 : memref<128xi32, #tpu.memory_space<vmem>>) semaphore(%arg10 : memref<!tpu.dma_semaphore, #tpu.memory_space<semaphore_mem>>)
        %dma_wait3A = arith.constant 0 : i32
        %dma_wait3A_51 = tpu.memref_slice %arg6[%add3A_45, %dma_wait3A] : memref<96x128xi32, #tpu.memory_space<vmem>> -> memref<1x128xi32, #tpu.memory_space<vmem>>
        %dma_wait3A_52 = tpu.memref_squeeze %dma_wait3A_51 : memref<1x128xi32, #tpu.memory_space<vmem>> -> memref<128xi32, #tpu.memory_space<vmem>>
        %dma_wait3A_53 = arith.constant 0 : i32
        %dma_wait3A_54 = arith.constant 0 : i32
        %dma_wait3A_55 = tpu.memref_slice %arg2[%dma_wait3A_53, %dma_wait3A_54] : memref<10000x128xf32, #tpu.memory_space<hbm>> -> memref<10000x128xf32, #tpu.memory_space<hbm>>
        tpu.wait_indirect_dma semaphore(%arg10 : memref<!tpu.dma_semaphore, #tpu.memory_space<semaphore_mem>>) src(%dma_wait3A_55 : memref<10000x128xf32, #tpu.memory_space<hbm>>) dst(%arg8 : memref<128x128xf32, #tpu.memory_space<vmem>>)
        "tpu.region"() ({
          %run_scoped3A = tpu.sem_alloc : memref<!tpu.dma_semaphore, #tpu.memory_space<semaphore_mem>>
          %dma_start3A_56 = arith.constant 0 : i32
          %dma_start3A_57 = tpu.memref_slice %arg7[%add3A_45, %dma_start3A_56] : memref<96x128xi32, #tpu.memory_space<vmem>> -> memref<1x128xi32, #tpu.memory_space<vmem>>
          %dma_start3A_58 = tpu.memref_squeeze %dma_start3A_57 : memref<1x128xi32, #tpu.memory_space<vmem>> -> memref<128xi32, #tpu.memory_space<vmem>>
          %dma_start3A_59 = arith.constant 0 : i32
          %dma_start3A_60 = arith.constant 0 : i32
          %dma_start3A_61 = tpu.memref_slice %arg9[%dma_start3A_59, %dma_start3A_60] : memref<10240x128xf32, #tpu.memory_space<vmem_shared>> -> memref<10240x128xf32, #tpu.memory_space<vmem_shared>>
          tpu.enqueue_indirect_dma source(%arg8 : memref<128x128xf32, #tpu.memory_space<vmem>>) target(%dma_start3A_61 : memref<10240x128xf32, #tpu.memory_space<vmem_shared>>) offsets(%dma_start3A_58 : memref<128xi32, #tpu.memory_space<vmem>>) semaphore(%run_scoped3A : memref<!tpu.dma_semaphore, #tpu.memory_space<semaphore_mem>>) {add = true}
          %dma_wait3A_62 = arith.constant 0 : i32
          %dma_wait3A_63 = tpu.memref_slice %arg7[%add3A_45, %dma_wait3A_62] : memref<96x128xi32, #tpu.memory_space<vmem>> -> memref<1x128xi32, #tpu.memory_space<vmem>>
          %dma_wait3A_64 = tpu.memref_squeeze %dma_wait3A_63 : memref<1x128xi32, #tpu.memory_space<vmem>> -> memref<128xi32, #tpu.memory_space<vmem>>
          %dma_wait3A_65 = arith.constant 0 : i32
          %dma_wait3A_66 = arith.constant 0 : i32
          %dma_wait3A_67 = tpu.memref_slice %arg9[%dma_wait3A_65, %dma_wait3A_66] : memref<10240x128xf32, #tpu.memory_space<vmem_shared>> -> memref<10240x128xf32, #tpu.memory_space<vmem_shared>>
          tpu.wait_indirect_dma semaphore(%run_scoped3A : memref<!tpu.dma_semaphore, #tpu.memory_space<semaphore_mem>>) src(%arg8 : memref<128x128xf32, #tpu.memory_space<vmem>>) dst(%dma_wait3A_67 : memref<10240x128xf32, #tpu.memory_space<vmem_shared>>)
          tpu.yield
        }) : () -> ()
      }
      %scan3A_40 = arith.constant 96 : i32
    } else {
    }
    %eq3A_24 = arith.constant 1 : i32
    %eq3A_25 = arith.cmpi eq, %arg0, %eq3A_24 : i32
    %convert_element_type3A_26 = arith.extui %eq3A_25 : i1 to i32
    %cond3A_27 = arith.constant 0 : i32
    %cond3A_28 = arith.cmpi ne, %convert_element_type3A_26, %cond3A_27 : i32
    scf.if %cond3A_28 {
      %mul3A_34 = arith.constant 64 : i32
      %mul3A_35 = arith.muli %arg1, %mul3A_34 : i32
      %add3A_36 = arith.constant 1536 : i32
      %add3A_37 = arith.addi %add3A_36, %mul3A_35 : i32
      "tpu.region"() ({
        %run_scoped3A = tpu.sem_alloc : memref<!tpu.dma_semaphore, #tpu.memory_space<semaphore_mem>>
        %dma_start3A = arith.constant 0 : i32
        %dma_start3A_43 = arith.constant 0 : i32
        %dma_start3A_44 = tpu.memref_slice %arg6[%dma_start3A, %dma_start3A_43] : memref<96x128xi32, #tpu.memory_space<vmem>> -> memref<64x128xi32, #tpu.memory_space<vmem>>
        %dma_start3A_45 = arith.constant 0 : i32
        %dma_start3A_46 = tpu.memref_slice %arg3[%add3A_37, %dma_start3A_45] : memref<2568x128xi32, #tpu.memory_space<hbm>> -> memref<64x128xi32, #tpu.memory_space<hbm>>
        %dma_start3A_47 = arith.constant 0 : i32
        %dma_start3A_48 = arith.constant 0 : i32
        %dma_start3A_49 = tpu.memref_slice %arg6[%dma_start3A_47, %dma_start3A_48] : memref<96x128xi32, #tpu.memory_space<vmem>> -> memref<64x128xi32, #tpu.memory_space<vmem>>
        %dma_start3A_50 = arith.constant 0 : i32
        %dma_start3A_51 = tpu.memref_slice %arg3[%add3A_37, %dma_start3A_50] : memref<2568x128xi32, #tpu.memory_space<hbm>> -> memref<64x128xi32, #tpu.memory_space<hbm>>
        tpu.enqueue_dma source(%dma_start3A_51 : memref<64x128xi32, #tpu.memory_space<hbm>>) target(%dma_start3A_49 : memref<64x128xi32, #tpu.memory_space<vmem>>) target_semaphore(%run_scoped3A : memref<!tpu.dma_semaphore, #tpu.memory_space<semaphore_mem>>)
        %dma_wait3A = arith.constant 0 : i32
        %dma_wait3A_52 = arith.constant 0 : i32
        %dma_wait3A_53 = tpu.memref_slice %arg6[%dma_wait3A, %dma_wait3A_52] : memref<96x128xi32, #tpu.memory_space<vmem>> -> memref<64x128xi32, #tpu.memory_space<vmem>>
        %dma_wait3A_54 = arith.constant 0 : i32
        %dma_wait3A_55 = tpu.memref_slice %arg3[%add3A_37, %dma_wait3A_54] : memref<2568x128xi32, #tpu.memory_space<hbm>> -> memref<64x128xi32, #tpu.memory_space<hbm>>
        %dma_wait3A_56 = arith.constant 0 : i32
        %dma_wait3A_57 = arith.constant 0 : i32
        %dma_wait3A_58 = tpu.memref_slice %arg6[%dma_wait3A_56, %dma_wait3A_57] : memref<96x128xi32, #tpu.memory_space<vmem>> -> memref<64x128xi32, #tpu.memory_space<vmem>>
        %dma_wait3A_59 = arith.constant 0 : i32
        %dma_wait3A_60 = tpu.memref_slice %arg3[%add3A_37, %dma_wait3A_59] : memref<2568x128xi32, #tpu.memory_space<hbm>> -> memref<64x128xi32, #tpu.memory_space<hbm>>
        tpu.wait_dma2 semaphore(%run_scoped3A : memref<!tpu.dma_semaphore, #tpu.memory_space<semaphore_mem>>) src(%dma_wait3A_60 : memref<64x128xi32, #tpu.memory_space<hbm>>) dst(%dma_wait3A_58 : memref<64x128xi32, #tpu.memory_space<vmem>>)
        tpu.yield
      }) : () -> ()
      "tpu.region"() ({
        %run_scoped3A = tpu.sem_alloc : memref<!tpu.dma_semaphore, #tpu.memory_space<semaphore_mem>>
        %dma_start3A = arith.constant 0 : i32
        %dma_start3A_43 = arith.constant 0 : i32
        %dma_start3A_44 = tpu.memref_slice %arg7[%dma_start3A, %dma_start3A_43] : memref<96x128xi32, #tpu.memory_space<vmem>> -> memref<64x128xi32, #tpu.memory_space<vmem>>
        %dma_start3A_45 = arith.constant 0 : i32
        %dma_start3A_46 = tpu.memref_slice %arg4[%add3A_37, %dma_start3A_45] : memref<2568x128xi32, #tpu.memory_space<hbm>> -> memref<64x128xi32, #tpu.memory_space<hbm>>
        %dma_start3A_47 = arith.constant 0 : i32
        %dma_start3A_48 = arith.constant 0 : i32
        %dma_start3A_49 = tpu.memref_slice %arg7[%dma_start3A_47, %dma_start3A_48] : memref<96x128xi32, #tpu.memory_space<vmem>> -> memref<64x128xi32, #tpu.memory_space<vmem>>
        %dma_start3A_50 = arith.constant 0 : i32
        %dma_start3A_51 = tpu.memref_slice %arg4[%add3A_37, %dma_start3A_50] : memref<2568x128xi32, #tpu.memory_space<hbm>> -> memref<64x128xi32, #tpu.memory_space<hbm>>
        tpu.enqueue_dma source(%dma_start3A_51 : memref<64x128xi32, #tpu.memory_space<hbm>>) target(%dma_start3A_49 : memref<64x128xi32, #tpu.memory_space<vmem>>) target_semaphore(%run_scoped3A : memref<!tpu.dma_semaphore, #tpu.memory_space<semaphore_mem>>)
        %dma_wait3A = arith.constant 0 : i32
        %dma_wait3A_52 = arith.constant 0 : i32
        %dma_wait3A_53 = tpu.memref_slice %arg7[%dma_wait3A, %dma_wait3A_52] : memref<96x128xi32, #tpu.memory_space<vmem>> -> memref<64x128xi32, #tpu.memory_space<vmem>>
        %dma_wait3A_54 = arith.constant 0 : i32
        %dma_wait3A_55 = tpu.memref_slice %arg4[%add3A_37, %dma_wait3A_54] : memref<2568x128xi32, #tpu.memory_space<hbm>> -> memref<64x128xi32, #tpu.memory_space<hbm>>
        %dma_wait3A_56 = arith.constant 0 : i32
        %dma_wait3A_57 = arith.constant 0 : i32
        %dma_wait3A_58 = tpu.memref_slice %arg7[%dma_wait3A_56, %dma_wait3A_57] : memref<96x128xi32, #tpu.memory_space<vmem>> -> memref<64x128xi32, #tpu.memory_space<vmem>>
        %dma_wait3A_59 = arith.constant 0 : i32
        %dma_wait3A_60 = tpu.memref_slice %arg4[%add3A_37, %dma_wait3A_59] : memref<2568x128xi32, #tpu.memory_space<hbm>> -> memref<64x128xi32, #tpu.memory_space<hbm>>
        tpu.wait_dma2 semaphore(%run_scoped3A : memref<!tpu.dma_semaphore, #tpu.memory_space<semaphore_mem>>) src(%dma_wait3A_60 : memref<64x128xi32, #tpu.memory_space<hbm>>) dst(%dma_wait3A_58 : memref<64x128xi32, #tpu.memory_space<vmem>>)
        tpu.yield
      }) : () -> ()
      %scan3A_38 = arith.constant 0 : i32
      %scan3A_39 = arith.constant 64 : i32
      %scan3A_40 = arith.addi %scan3A_38, %scan3A_39 : i32
      %scan3A_41 = arith.constant 1 : i32
      scf.for %scan3A_43 = %scan3A_38 to %scan3A_40 step %scan3A_41  : i32 {
        %mul3A_44 = arith.constant 1 : i32
        %mul3A_45 = arith.muli %scan3A_43, %mul3A_44 : i32
        %add3A_46 = arith.constant 0 : i32
        %add3A_47 = arith.addi %add3A_46, %mul3A_45 : i32
        %dma_start3A = arith.constant 0 : i32
        %dma_start3A_48 = tpu.memref_slice %arg6[%add3A_47, %dma_start3A] : memref<96x128xi32, #tpu.memory_space<vmem>> -> memref<1x128xi32, #tpu.memory_space<vmem>>
        %dma_start3A_49 = tpu.memref_squeeze %dma_start3A_48 : memref<1x128xi32, #tpu.memory_space<vmem>> -> memref<128xi32, #tpu.memory_space<vmem>>
        %dma_start3A_50 = arith.constant 0 : i32
        %dma_start3A_51 = arith.constant 0 : i32
        %dma_start3A_52 = tpu.memref_slice %arg2[%dma_start3A_50, %dma_start3A_51] : memref<10000x128xf32, #tpu.memory_space<hbm>> -> memref<10000x128xf32, #tpu.memory_space<hbm>>
        tpu.enqueue_indirect_dma source(%dma_start3A_52 : memref<10000x128xf32, #tpu.memory_space<hbm>>) target(%arg8 : memref<128x128xf32, #tpu.memory_space<vmem>>) offsets(%dma_start3A_49 : memref<128xi32, #tpu.memory_space<vmem>>) semaphore(%arg10 : memref<!tpu.dma_semaphore, #tpu.memory_space<semaphore_mem>>)
        %dma_wait3A = arith.constant 0 : i32
        %dma_wait3A_53 = tpu.memref_slice %arg6[%add3A_47, %dma_wait3A] : memref<96x128xi32, #tpu.memory_space<vmem>> -> memref<1x128xi32, #tpu.memory_space<vmem>>
        %dma_wait3A_54 = tpu.memref_squeeze %dma_wait3A_53 : memref<1x128xi32, #tpu.memory_space<vmem>> -> memref<128xi32, #tpu.memory_space<vmem>>
        %dma_wait3A_55 = arith.constant 0 : i32
        %dma_wait3A_56 = arith.constant 0 : i32
        %dma_wait3A_57 = tpu.memref_slice %arg2[%dma_wait3A_55, %dma_wait3A_56] : memref<10000x128xf32, #tpu.memory_space<hbm>> -> memref<10000x128xf32, #tpu.memory_space<hbm>>
        tpu.wait_indirect_dma semaphore(%arg10 : memref<!tpu.dma_semaphore, #tpu.memory_space<semaphore_mem>>) src(%dma_wait3A_57 : memref<10000x128xf32, #tpu.memory_space<hbm>>) dst(%arg8 : memref<128x128xf32, #tpu.memory_space<vmem>>)
        "tpu.region"() ({
          %run_scoped3A = tpu.sem_alloc : memref<!tpu.dma_semaphore, #tpu.memory_space<semaphore_mem>>
          %dma_start3A_58 = arith.constant 0 : i32
          %dma_start3A_59 = tpu.memref_slice %arg7[%add3A_47, %dma_start3A_58] : memref<96x128xi32, #tpu.memory_space<vmem>> -> memref<1x128xi32, #tpu.memory_space<vmem>>
          %dma_start3A_60 = tpu.memref_squeeze %dma_start3A_59 : memref<1x128xi32, #tpu.memory_space<vmem>> -> memref<128xi32, #tpu.memory_space<vmem>>
          %dma_start3A_61 = arith.constant 0 : i32
          %dma_start3A_62 = arith.constant 0 : i32
          %dma_start3A_63 = tpu.memref_slice %arg9[%dma_start3A_61, %dma_start3A_62] : memref<10240x128xf32, #tpu.memory_space<vmem_shared>> -> memref<10240x128xf32, #tpu.memory_space<vmem_shared>>
          tpu.enqueue_indirect_dma source(%arg8 : memref<128x128xf32, #tpu.memory_space<vmem>>) target(%dma_start3A_63 : memref<10240x128xf32, #tpu.memory_space<vmem_shared>>) offsets(%dma_start3A_60 : memref<128xi32, #tpu.memory_space<vmem>>) semaphore(%run_scoped3A : memref<!tpu.dma_semaphore, #tpu.memory_space<semaphore_mem>>) {add = true}
          %dma_wait3A_64 = arith.constant 0 : i32
          %dma_wait3A_65 = tpu.memref_slice %arg7[%add3A_47, %dma_wait3A_64] : memref<96x128xi32, #tpu.memory_space<vmem>> -> memref<1x128xi32, #tpu.memory_space<vmem>>
          %dma_wait3A_66 = tpu.memref_squeeze %dma_wait3A_65 : memref<1x128xi32, #tpu.memory_space<vmem>> -> memref<128xi32, #tpu.memory_space<vmem>>
          %dma_wait3A_67 = arith.constant 0 : i32
          %dma_wait3A_68 = arith.constant 0 : i32
          %dma_wait3A_69 = tpu.memref_slice %arg9[%dma_wait3A_67, %dma_wait3A_68] : memref<10240x128xf32, #tpu.memory_space<vmem_shared>> -> memref<10240x128xf32, #tpu.memory_space<vmem_shared>>
          tpu.wait_indirect_dma semaphore(%run_scoped3A : memref<!tpu.dma_semaphore, #tpu.memory_space<semaphore_mem>>) src(%arg8 : memref<128x128xf32, #tpu.memory_space<vmem>>) dst(%dma_wait3A_69 : memref<10240x128xf32, #tpu.memory_space<vmem_shared>>)
          tpu.yield
        }) : () -> ()
      }
      %scan3A_42 = arith.constant 64 : i32
    } else {
    }
    %barrier3A_29 = arith.constant 0 : index
    tpu.barrier barrier_id(%barrier3A_29)
    %mul3A_30 = arith.constant 640 : i32
    %mul3A_31 = arith.muli %arg1, %mul3A_30 : i32
    %mul3A_32 = arith.constant 640 : i32
    %mul3A_33 = arith.muli %arg1, %mul3A_32 : i32
    "tpu.region"() ({
      %run_scoped3A = tpu.sem_alloc : memref<!tpu.dma_semaphore, #tpu.memory_space<semaphore_mem>>
      %dma_start3A = arith.constant 0 : i32
      %dma_start3A_34 = tpu.memref_slice %arg5[%arg0, %mul3A_33, %dma_start3A] : memref<2x10240x128xf32, #tpu.memory_space<hbm>> -> memref<1x640x128xf32, #tpu.memory_space<hbm>>
      %dma_start3A_35 = tpu.memref_squeeze %dma_start3A_34 : memref<1x640x128xf32, #tpu.memory_space<hbm>> -> memref<640x128xf32, #tpu.memory_space<hbm>>
      %dma_start3A_36 = arith.constant 0 : i32
      %dma_start3A_37 = tpu.memref_slice %arg9[%mul3A_31, %dma_start3A_36] : memref<10240x128xf32, #tpu.memory_space<vmem_shared>> -> memref<640x128xf32, #tpu.memory_space<vmem_shared>>
      tpu.enqueue_dma source(%dma_start3A_37 : memref<640x128xf32, #tpu.memory_space<vmem_shared>>) target(%dma_start3A_35 : memref<640x128xf32, #tpu.memory_space<hbm>>) target_semaphore(%run_scoped3A : memref<!tpu.dma_semaphore, #tpu.memory_space<semaphore_mem>>)
      %dma_wait3A = arith.constant 0 : i32
      %dma_wait3A_38 = tpu.memref_slice %arg5[%arg0, %mul3A_33, %dma_wait3A] : memref<2x10240x128xf32, #tpu.memory_space<hbm>> -> memref<1x640x128xf32, #tpu.memory_space<hbm>>
      %dma_wait3A_39 = tpu.memref_squeeze %dma_wait3A_38 : memref<1x640x128xf32, #tpu.memory_space<hbm>> -> memref<640x128xf32, #tpu.memory_space<hbm>>
      %dma_wait3A_40 = arith.constant 0 : i32
      %dma_wait3A_41 = tpu.memref_slice %arg9[%mul3A_31, %dma_wait3A_40] : memref<10240x128xf32, #tpu.memory_space<vmem_shared>> -> memref<640x128xf32, #tpu.memory_space<vmem_shared>>
      tpu.wait_dma2 semaphore(%run_scoped3A : memref<!tpu.dma_semaphore, #tpu.memory_space<semaphore_mem>>) src(%dma_wait3A_41 : memref<640x128xf32, #tpu.memory_space<vmem_shared>>) dst(%dma_wait3A_39 : memref<640x128xf32, #tpu.memory_space<hbm>>)
      tpu.yield
    }) : () -> ()
    return
  }
}

#map = affine_map<(d0, d1) -> (0, 0)>
#map1 = affine_map<(d0, d1) -> (0, 0, 0)>
module attributes {stable_mosaic.version = 14 : i64} {
  func.func @k(%arg0: i32, %arg1: i32, %arg2: memref<10000x128xf32, #tpu.memory_space<hbm>>, %arg3: memref<2568x128xi32, #tpu.memory_space<hbm>>, %arg4: memref<2568x128xi32, #tpu.memory_space<hbm>>, %arg5: memref<2x10240x128xf32, #tpu.memory_space<hbm>>, %arg6: memref<96x128xi32, #tpu.memory_space<vmem>>, %arg7: memref<96x128xi32, #tpu.memory_space<vmem>>, %arg8: memref<128x128xf32, #tpu.memory_space<vmem>>, %arg9: memref<10240x128xf32, #tpu.memory_space<vmem_shared>>, %arg10: memref<!tpu.dma_semaphore, #tpu.memory_space<semaphore_mem>>) attributes {dimension_semantics = [#tpu.dimension_semantics<core_parallel>, #tpu.dimension_semantics<subcore_parallel>], iteration_bounds = array<i64: 2, 16>, scalar_prefetch = 0 : i64, scratch_operands = 5 : i64, tpu.core_type = #tpu.core_type<sc_vector_subcore>, window_params = [{transform_indices = #map}, {transform_indices = #map}, {transform_indices = #map}, {transform_indices = #map1}]} {
    %scan3A = arith.constant 0 : i32
    %scan3A_0 = arith.constant 128 : i32
    %scan3A_1 = arith.addi %scan3A, %scan3A_0 : i32
    %scan3A_2 = arith.constant 1 : i32
    scf.for %scan3A_34 = %scan3A to %scan3A_1 step %scan3A_2  : i32 {
      %mul3A_35 = arith.constant 1 : i32
      %mul3A_36 = arith.muli %scan3A_34, %mul3A_35 : i32
      %add3A_37 = arith.constant 0 : i32
      %add3A_38 = arith.addi %add3A_37, %mul3A_36 : i32
      %scan3A_39 = arith.constant 0 : i32
      %scan3A_40 = arith.constant 8 : i32
      %scan3A_41 = arith.addi %scan3A_39, %scan3A_40 : i32
      %scan3A_42 = arith.constant 1 : i32
      scf.for %scan3A_44 = %scan3A_39 to %scan3A_41 step %scan3A_42  : i32 {
        %mul3A_45 = arith.constant 1 : i32
        %mul3A_46 = arith.muli %scan3A_44, %mul3A_45 : i32
        %add3A_47 = arith.constant 0 : i32
        %add3A_48 = arith.addi %add3A_47, %mul3A_46 : i32
        %broadcast_in_dim3A = arith.constant 0.000000e+00 : f32
        %broadcast_in_dim3A_49 = vector.broadcast %broadcast_in_dim3A : f32 to vector<16xf32>
        %mul3A_50 = arith.constant 16 : i32
        %mul3A_51 = arith.muli %add3A_48, %mul3A_50 : i32
        %swap3A = arith.index_cast %add3A_38 : i32 to index
        %swap3A_52 = arith.index_cast %mul3A_51 : i32 to index
        %swap3A_53 = tpu.vector_load %arg8[%swap3A, %swap3A_52] {strides = array<i32>} : memref<128x128xf32, #tpu.memory_space<vmem>>, vector<1x16xf32>,
        %swap3A_54 = vector.shape_cast %swap3A_53 : vector<1x16xf32> to vector<16xf32>
        %swap3A_55 = vector.shape_cast %broadcast_in_dim3A_49 : vector<16xf32> to vector<1x16xf32>
        tpu.vector_store %arg8[%swap3A, %swap3A_52], %swap3A_55 {strides = array<i32>} : memref<128x128xf32, #tpu.memory_space<vmem>>, vector<1x16xf32>,
      }
      %scan3A_43 = arith.constant 8 : i32
    }
    %scan3A_3 = arith.constant 128 : i32
    %mul3A = arith.constant 640 : i32
    %mul3A_4 = arith.muli %arg1, %mul3A : i32
    %add3A = arith.constant 0 : i32
    %add3A_5 = arith.addi %mul3A_4, %add3A : i32
    "tpu.region"() ({
      %run_scoped3A = tpu.sem_alloc : memref<!tpu.dma_semaphore, #tpu.memory_space<semaphore_mem>>
      %dma_start3A = arith.constant 0 : i32
      %dma_start3A_34 = tpu.memref_slice %arg9[%add3A_5, %dma_start3A] : memref<10240x128xf32, #tpu.memory_space<vmem_shared>> -> memref<128x128xf32, #tpu.memory_space<vmem_shared>>
      %dma_start3A_35 = arith.constant 0 : i32
      %dma_start3A_36 = tpu.memref_slice %arg9[%add3A_5, %dma_start3A_35] : memref<10240x128xf32, #tpu.memory_space<vmem_shared>> -> memref<128x128xf32, #tpu.memory_space<vmem_shared>>
      tpu.enqueue_dma source(%arg8 : memref<128x128xf32, #tpu.memory_space<vmem>>) target(%dma_start3A_36 : memref<128x128xf32, #tpu.memory_space<vmem_shared>>) target_semaphore(%run_scoped3A : memref<!tpu.dma_semaphore, #tpu.memory_space<semaphore_mem>>)
      %dma_wait3A = arith.constant 0 : i32
      %dma_wait3A_37 = tpu.memref_slice %arg9[%add3A_5, %dma_wait3A] : memref<10240x128xf32, #tpu.memory_space<vmem_shared>> -> memref<128x128xf32, #tpu.memory_space<vmem_shared>>
      %dma_wait3A_38 = arith.constant 0 : i32
      %dma_wait3A_39 = tpu.memref_slice %arg9[%add3A_5, %dma_wait3A_38] : memref<10240x128xf32, #tpu.memory_space<vmem_shared>> -> memref<128x128xf32, #tpu.memory_space<vmem_shared>>
      tpu.wait_dma2 semaphore(%run_scoped3A : memref<!tpu.dma_semaphore, #tpu.memory_space<semaphore_mem>>) src(%arg8 : memref<128x128xf32, #tpu.memory_space<vmem>>) dst(%dma_wait3A_39 : memref<128x128xf32, #tpu.memory_space<vmem_shared>>)
      tpu.yield
    }) : () -> ()
    %mul3A_6 = arith.constant 640 : i32
    %mul3A_7 = arith.muli %arg1, %mul3A_6 : i32
    %add3A_8 = arith.constant 128 : i32
    %add3A_9 = arith.addi %mul3A_7, %add3A_8 : i32
    "tpu.region"() ({
      %run_scoped3A = tpu.sem_alloc : memref<!tpu.dma_semaphore, #tpu.memory_space<semaphore_mem>>
      %dma_start3A = arith.constant 0 : i32
      %dma_start3A_34 = tpu.memref_slice %arg9[%add3A_9, %dma_start3A] : memref<10240x128xf32, #tpu.memory_space<vmem_shared>> -> memref<128x128xf32, #tpu.memory_space<vmem_shared>>
      %dma_start3A_35 = arith.constant 0 : i32
      %dma_start3A_36 = tpu.memref_slice %arg9[%add3A_9, %dma_start3A_35] : memref<10240x128xf32, #tpu.memory_space<vmem_shared>> -> memref<128x128xf32, #tpu.memory_space<vmem_shared>>
      tpu.enqueue_dma source(%arg8 : memref<128x128xf32, #tpu.memory_space<vmem>>) target(%dma_start3A_36 : memref<128x128xf32, #tpu.memory_space<vmem_shared>>) target_semaphore(%run_scoped3A : memref<!tpu.dma_semaphore, #tpu.memory_space<semaphore_mem>>)
      %dma_wait3A = arith.constant 0 : i32
      %dma_wait3A_37 = tpu.memref_slice %arg9[%add3A_9, %dma_wait3A] : memref<10240x128xf32, #tpu.memory_space<vmem_shared>> -> memref<128x128xf32, #tpu.memory_space<vmem_shared>>
      %dma_wait3A_38 = arith.constant 0 : i32
      %dma_wait3A_39 = tpu.memref_slice %arg9[%add3A_9, %dma_wait3A_38] : memref<10240x128xf32, #tpu.memory_space<vmem_shared>> -> memref<128x128xf32, #tpu.memory_space<vmem_shared>>
      tpu.wait_dma2 semaphore(%run_scoped3A : memref<!tpu.dma_semaphore, #tpu.memory_space<semaphore_mem>>) src(%arg8 : memref<128x128xf32, #tpu.memory_space<vmem>>) dst(%dma_wait3A_39 : memref<128x128xf32, #tpu.memory_space<vmem_shared>>)
      tpu.yield
    }) : () -> ()
    %mul3A_10 = arith.constant 640 : i32
    %mul3A_11 = arith.muli %arg1, %mul3A_10 : i32
    %add3A_12 = arith.constant 256 : i32
    %add3A_13 = arith.addi %mul3A_11, %add3A_12 : i32
    "tpu.region"() ({
      %run_scoped3A = tpu.sem_alloc : memref<!tpu.dma_semaphore, #tpu.memory_space<semaphore_mem>>
      %dma_start3A = arith.constant 0 : i32
      %dma_start3A_34 = tpu.memref_slice %arg9[%add3A_13, %dma_start3A] : memref<10240x128xf32, #tpu.memory_space<vmem_shared>> -> memref<128x128xf32, #tpu.memory_space<vmem_shared>>
      %dma_start3A_35 = arith.constant 0 : i32
      %dma_start3A_36 = tpu.memref_slice %arg9[%add3A_13, %dma_start3A_35] : memref<10240x128xf32, #tpu.memory_space<vmem_shared>> -> memref<128x128xf32, #tpu.memory_space<vmem_shared>>
      tpu.enqueue_dma source(%arg8 : memref<128x128xf32, #tpu.memory_space<vmem>>) target(%dma_start3A_36 : memref<128x128xf32, #tpu.memory_space<vmem_shared>>) target_semaphore(%run_scoped3A : memref<!tpu.dma_semaphore, #tpu.memory_space<semaphore_mem>>)
      %dma_wait3A = arith.constant 0 : i32
      %dma_wait3A_37 = tpu.memref_slice %arg9[%add3A_13, %dma_wait3A] : memref<10240x128xf32, #tpu.memory_space<vmem_shared>> -> memref<128x128xf32, #tpu.memory_space<vmem_shared>>
      %dma_wait3A_38 = arith.constant 0 : i32
      %dma_wait3A_39 = tpu.memref_slice %arg9[%add3A_13, %dma_wait3A_38] : memref<10240x128xf32, #tpu.memory_space<vmem_shared>> -> memref<128x128xf32, #tpu.memory_space<vmem_shared>>
      tpu.wait_dma2 semaphore(%run_scoped3A : memref<!tpu.dma_semaphore, #tpu.memory_space<semaphore_mem>>) src(%arg8 : memref<128x128xf32, #tpu.memory_space<vmem>>) dst(%dma_wait3A_39 : memref<128x128xf32, #tpu.memory_space<vmem_shared>>)
      tpu.yield
    }) : () -> ()
    %mul3A_14 = arith.constant 640 : i32
    %mul3A_15 = arith.muli %arg1, %mul3A_14 : i32
    %add3A_16 = arith.constant 384 : i32
    %add3A_17 = arith.addi %mul3A_15, %add3A_16 : i32
    "tpu.region"() ({
      %run_scoped3A = tpu.sem_alloc : memref<!tpu.dma_semaphore, #tpu.memory_space<semaphore_mem>>
      %dma_start3A = arith.constant 0 : i32
      %dma_start3A_34 = tpu.memref_slice %arg9[%add3A_17, %dma_start3A] : memref<10240x128xf32, #tpu.memory_space<vmem_shared>> -> memref<128x128xf32, #tpu.memory_space<vmem_shared>>
      %dma_start3A_35 = arith.constant 0 : i32
      %dma_start3A_36 = tpu.memref_slice %arg9[%add3A_17, %dma_start3A_35] : memref<10240x128xf32, #tpu.memory_space<vmem_shared>> -> memref<128x128xf32, #tpu.memory_space<vmem_shared>>
      tpu.enqueue_dma source(%arg8 : memref<128x128xf32, #tpu.memory_space<vmem>>) target(%dma_start3A_36 : memref<128x128xf32, #tpu.memory_space<vmem_shared>>) target_semaphore(%run_scoped3A : memref<!tpu.dma_semaphore, #tpu.memory_space<semaphore_mem>>)
      %dma_wait3A = arith.constant 0 : i32
      %dma_wait3A_37 = tpu.memref_slice %arg9[%add3A_17, %dma_wait3A] : memref<10240x128xf32, #tpu.memory_space<vmem_shared>> -> memref<128x128xf32, #tpu.memory_space<vmem_shared>>
      %dma_wait3A_38 = arith.constant 0 : i32
      %dma_wait3A_39 = tpu.memref_slice %arg9[%add3A_17, %dma_wait3A_38] : memref<10240x128xf32, #tpu.memory_space<vmem_shared>> -> memref<128x128xf32, #tpu.memory_space<vmem_shared>>
      tpu.wait_dma2 semaphore(%run_scoped3A : memref<!tpu.dma_semaphore, #tpu.memory_space<semaphore_mem>>) src(%arg8 : memref<128x128xf32, #tpu.memory_space<vmem>>) dst(%dma_wait3A_39 : memref<128x128xf32, #tpu.memory_space<vmem_shared>>)
      tpu.yield
    }) : () -> ()
    %mul3A_18 = arith.constant 640 : i32
    %mul3A_19 = arith.muli %arg1, %mul3A_18 : i32
    %add3A_20 = arith.constant 512 : i32
    %add3A_21 = arith.addi %mul3A_19, %add3A_20 : i32
    "tpu.region"() ({
      %run_scoped3A = tpu.sem_alloc : memref<!tpu.dma_semaphore, #tpu.memory_space<semaphore_mem>>
      %dma_start3A = arith.constant 0 : i32
      %dma_start3A_34 = tpu.memref_slice %arg9[%add3A_21, %dma_start3A] : memref<10240x128xf32, #tpu.memory_space<vmem_shared>> -> memref<128x128xf32, #tpu.memory_space<vmem_shared>>
      %dma_start3A_35 = arith.constant 0 : i32
      %dma_start3A_36 = tpu.memref_slice %arg9[%add3A_21, %dma_start3A_35] : memref<10240x128xf32, #tpu.memory_space<vmem_shared>> -> memref<128x128xf32, #tpu.memory_space<vmem_shared>>
      tpu.enqueue_dma source(%arg8 : memref<128x128xf32, #tpu.memory_space<vmem>>) target(%dma_start3A_36 : memref<128x128xf32, #tpu.memory_space<vmem_shared>>) target_semaphore(%run_scoped3A : memref<!tpu.dma_semaphore, #tpu.memory_space<semaphore_mem>>)
      %dma_wait3A = arith.constant 0 : i32
      %dma_wait3A_37 = tpu.memref_slice %arg9[%add3A_21, %dma_wait3A] : memref<10240x128xf32, #tpu.memory_space<vmem_shared>> -> memref<128x128xf32, #tpu.memory_space<vmem_shared>>
      %dma_wait3A_38 = arith.constant 0 : i32
      %dma_wait3A_39 = tpu.memref_slice %arg9[%add3A_21, %dma_wait3A_38] : memref<10240x128xf32, #tpu.memory_space<vmem_shared>> -> memref<128x128xf32, #tpu.memory_space<vmem_shared>>
      tpu.wait_dma2 semaphore(%run_scoped3A : memref<!tpu.dma_semaphore, #tpu.memory_space<semaphore_mem>>) src(%arg8 : memref<128x128xf32, #tpu.memory_space<vmem>>) dst(%dma_wait3A_39 : memref<128x128xf32, #tpu.memory_space<vmem_shared>>)
      tpu.yield
    }) : () -> ()
    %barrier3A = arith.constant 0 : index
    tpu.barrier barrier_id(%barrier3A)
    %eq3A = arith.constant 0 : i32
    %eq3A_22 = arith.cmpi eq, %arg0, %eq3A : i32
    %convert_element_type3A = arith.extui %eq3A_22 : i1 to i32
    %cond3A = arith.constant 0 : i32
    %cond3A_23 = arith.cmpi ne, %convert_element_type3A, %cond3A : i32
    scf.if %cond3A_23 {
      %mul3A_34 = arith.constant 96 : i32
      %mul3A_35 = arith.muli %arg1, %mul3A_34 : i32
      "tpu.region"() ({
        %run_scoped3A = tpu.sem_alloc : memref<!tpu.dma_semaphore, #tpu.memory_space<semaphore_mem>>
        %dma_start3A = arith.constant 0 : i32
        %dma_start3A_41 = tpu.memref_slice %arg3[%mul3A_35, %dma_start3A] : memref<2568x128xi32, #tpu.memory_space<hbm>> -> memref<96x128xi32, #tpu.memory_space<hbm>>
        %dma_start3A_42 = arith.constant 0 : i32
        %dma_start3A_43 = tpu.memref_slice %arg3[%mul3A_35, %dma_start3A_42] : memref<2568x128xi32, #tpu.memory_space<hbm>> -> memref<96x128xi32, #tpu.memory_space<hbm>>
        tpu.enqueue_dma source(%dma_start3A_43 : memref<96x128xi32, #tpu.memory_space<hbm>>) target(%arg6 : memref<96x128xi32, #tpu.memory_space<vmem>>) target_semaphore(%run_scoped3A : memref<!tpu.dma_semaphore, #tpu.memory_space<semaphore_mem>>)
        %dma_wait3A = arith.constant 0 : i32
        %dma_wait3A_44 = tpu.memref_slice %arg3[%mul3A_35, %dma_wait3A] : memref<2568x128xi32, #tpu.memory_space<hbm>> -> memref<96x128xi32, #tpu.memory_space<hbm>>
        %dma_wait3A_45 = arith.constant 0 : i32
        %dma_wait3A_46 = tpu.memref_slice %arg3[%mul3A_35, %dma_wait3A_45] : memref<2568x128xi32, #tpu.memory_space<hbm>> -> memref<96x128xi32, #tpu.memory_space<hbm>>
        tpu.wait_dma2 semaphore(%run_scoped3A : memref<!tpu.dma_semaphore, #tpu.memory_space<semaphore_mem>>) src(%dma_wait3A_46 : memref<96x128xi32, #tpu.memory_space<hbm>>) dst(%arg6 : memref<96x128xi32, #tpu.memory_space<vmem>>)
        tpu.yield
      }) : () -> ()
      "tpu.region"() ({
        %run_scoped3A = tpu.sem_alloc : memref<!tpu.dma_semaphore, #tpu.memory_space<semaphore_mem>>
        %dma_start3A = arith.constant 0 : i32
        %dma_start3A_41 = tpu.memref_slice %arg4[%mul3A_35, %dma_start3A] : memref<2568x128xi32, #tpu.memory_space<hbm>> -> memref<96x128xi32, #tpu.memory_space<hbm>>
        %dma_start3A_42 = arith.constant 0 : i32
        %dma_start3A_43 = tpu.memref_slice %arg4[%mul3A_35, %dma_start3A_42] : memref<2568x128xi32, #tpu.memory_space<hbm>> -> memref<96x128xi32, #tpu.memory_space<hbm>>
        tpu.enqueue_dma source(%dma_start3A_43 : memref<96x128xi32, #tpu.memory_space<hbm>>) target(%arg7 : memref<96x128xi32, #tpu.memory_space<vmem>>) target_semaphore(%run_scoped3A : memref<!tpu.dma_semaphore, #tpu.memory_space<semaphore_mem>>)
        %dma_wait3A = arith.constant 0 : i32
        %dma_wait3A_44 = tpu.memref_slice %arg4[%mul3A_35, %dma_wait3A] : memref<2568x128xi32, #tpu.memory_space<hbm>> -> memref<96x128xi32, #tpu.memory_space<hbm>>
        %dma_wait3A_45 = arith.constant 0 : i32
        %dma_wait3A_46 = tpu.memref_slice %arg4[%mul3A_35, %dma_wait3A_45] : memref<2568x128xi32, #tpu.memory_space<hbm>> -> memref<96x128xi32, #tpu.memory_space<hbm>>
        tpu.wait_dma2 semaphore(%run_scoped3A : memref<!tpu.dma_semaphore, #tpu.memory_space<semaphore_mem>>) src(%dma_wait3A_46 : memref<96x128xi32, #tpu.memory_space<hbm>>) dst(%arg7 : memref<96x128xi32, #tpu.memory_space<vmem>>)
        tpu.yield
      }) : () -> ()
      %scan3A_36 = arith.constant 0 : i32
      %scan3A_37 = arith.constant 96 : i32
      %scan3A_38 = arith.addi %scan3A_36, %scan3A_37 : i32
      %scan3A_39 = arith.constant 1 : i32
      scf.for %scan3A_41 = %scan3A_36 to %scan3A_38 step %scan3A_39  : i32 {
        %mul3A_42 = arith.constant 1 : i32
        %mul3A_43 = arith.muli %scan3A_41, %mul3A_42 : i32
        %add3A_44 = arith.constant 0 : i32
        %add3A_45 = arith.addi %add3A_44, %mul3A_43 : i32
        %dma_start3A = arith.constant 0 : i32
        %dma_start3A_46 = tpu.memref_slice %arg6[%add3A_45, %dma_start3A] : memref<96x128xi32, #tpu.memory_space<vmem>> -> memref<1x128xi32, #tpu.memory_space<vmem>>
        %dma_start3A_47 = tpu.memref_squeeze %dma_start3A_46 : memref<1x128xi32, #tpu.memory_space<vmem>> -> memref<128xi32, #tpu.memory_space<vmem>>
        %dma_start3A_48 = arith.constant 0 : i32
        %dma_start3A_49 = arith.constant 0 : i32
        %dma_start3A_50 = tpu.memref_slice %arg2[%dma_start3A_48, %dma_start3A_49] : memref<10000x128xf32, #tpu.memory_space<hbm>> -> memref<10000x128xf32, #tpu.memory_space<hbm>>
        tpu.enqueue_indirect_dma source(%dma_start3A_50 : memref<10000x128xf32, #tpu.memory_space<hbm>>) target(%arg8 : memref<128x128xf32, #tpu.memory_space<vmem>>) offsets(%dma_start3A_47 : memref<128xi32, #tpu.memory_space<vmem>>) semaphore(%arg10 : memref<!tpu.dma_semaphore, #tpu.memory_space<semaphore_mem>>)
        %dma_wait3A = arith.constant 0 : i32
        %dma_wait3A_51 = tpu.memref_slice %arg6[%add3A_45, %dma_wait3A] : memref<96x128xi32, #tpu.memory_space<vmem>> -> memref<1x128xi32, #tpu.memory_space<vmem>>
        %dma_wait3A_52 = tpu.memref_squeeze %dma_wait3A_51 : memref<1x128xi32, #tpu.memory_space<vmem>> -> memref<128xi32, #tpu.memory_space<vmem>>
        %dma_wait3A_53 = arith.constant 0 : i32
        %dma_wait3A_54 = arith.constant 0 : i32
        %dma_wait3A_55 = tpu.memref_slice %arg2[%dma_wait3A_53, %dma_wait3A_54] : memref<10000x128xf32, #tpu.memory_space<hbm>> -> memref<10000x128xf32, #tpu.memory_space<hbm>>
        tpu.wait_indirect_dma semaphore(%arg10 : memref<!tpu.dma_semaphore, #tpu.memory_space<semaphore_mem>>) src(%dma_wait3A_55 : memref<10000x128xf32, #tpu.memory_space<hbm>>) dst(%arg8 : memref<128x128xf32, #tpu.memory_space<vmem>>)
        "tpu.region"() ({
          %run_scoped3A = tpu.sem_alloc : memref<!tpu.dma_semaphore, #tpu.memory_space<semaphore_mem>>
          %dma_start3A_56 = arith.constant 0 : i32
          %dma_start3A_57 = tpu.memref_slice %arg7[%add3A_45, %dma_start3A_56] : memref<96x128xi32, #tpu.memory_space<vmem>> -> memref<1x128xi32, #tpu.memory_space<vmem>>
          %dma_start3A_58 = tpu.memref_squeeze %dma_start3A_57 : memref<1x128xi32, #tpu.memory_space<vmem>> -> memref<128xi32, #tpu.memory_space<vmem>>
          %dma_start3A_59 = arith.constant 0 : i32
          %dma_start3A_60 = arith.constant 0 : i32
          %dma_start3A_61 = tpu.memref_slice %arg9[%dma_start3A_59, %dma_start3A_60] : memref<10240x128xf32, #tpu.memory_space<vmem_shared>> -> memref<10240x128xf32, #tpu.memory_space<vmem_shared>>
          tpu.enqueue_indirect_dma source(%arg8 : memref<128x128xf32, #tpu.memory_space<vmem>>) target(%dma_start3A_61 : memref<10240x128xf32, #tpu.memory_space<vmem_shared>>) offsets(%dma_start3A_58 : memref<128xi32, #tpu.memory_space<vmem>>) semaphore(%run_scoped3A : memref<!tpu.dma_semaphore, #tpu.memory_space<semaphore_mem>>) {add = true}
          %dma_wait3A_62 = arith.constant 0 : i32
          %dma_wait3A_63 = tpu.memref_slice %arg7[%add3A_45, %dma_wait3A_62] : memref<96x128xi32, #tpu.memory_space<vmem>> -> memref<1x128xi32, #tpu.memory_space<vmem>>
          %dma_wait3A_64 = tpu.memref_squeeze %dma_wait3A_63 : memref<1x128xi32, #tpu.memory_space<vmem>> -> memref<128xi32, #tpu.memory_space<vmem>>
          %dma_wait3A_65 = arith.constant 0 : i32
          %dma_wait3A_66 = arith.constant 0 : i32
          %dma_wait3A_67 = tpu.memref_slice %arg9[%dma_wait3A_65, %dma_wait3A_66] : memref<10240x128xf32, #tpu.memory_space<vmem_shared>> -> memref<10240x128xf32, #tpu.memory_space<vmem_shared>>
          tpu.wait_indirect_dma semaphore(%run_scoped3A : memref<!tpu.dma_semaphore, #tpu.memory_space<semaphore_mem>>) src(%arg8 : memref<128x128xf32, #tpu.memory_space<vmem>>) dst(%dma_wait3A_67 : memref<10240x128xf32, #tpu.memory_space<vmem_shared>>)
          tpu.yield
        }) : () -> ()
      }
      %scan3A_40 = arith.constant 96 : i32
    } else {
    }
    %eq3A_24 = arith.constant 1 : i32
    %eq3A_25 = arith.cmpi eq, %arg0, %eq3A_24 : i32
    %convert_element_type3A_26 = arith.extui %eq3A_25 : i1 to i32
    %cond3A_27 = arith.constant 0 : i32
    %cond3A_28 = arith.cmpi ne, %convert_element_type3A_26, %cond3A_27 : i32
    scf.if %cond3A_28 {
      %mul3A_34 = arith.constant 64 : i32
      %mul3A_35 = arith.muli %arg1, %mul3A_34 : i32
      %add3A_36 = arith.constant 1536 : i32
      %add3A_37 = arith.addi %add3A_36, %mul3A_35 : i32
      "tpu.region"() ({
        %run_scoped3A = tpu.sem_alloc : memref<!tpu.dma_semaphore, #tpu.memory_space<semaphore_mem>>
        %dma_start3A = arith.constant 0 : i32
        %dma_start3A_43 = arith.constant 0 : i32
        %dma_start3A_44 = tpu.memref_slice %arg6[%dma_start3A, %dma_start3A_43] : memref<96x128xi32, #tpu.memory_space<vmem>> -> memref<64x128xi32, #tpu.memory_space<vmem>>
        %dma_start3A_45 = arith.constant 0 : i32
        %dma_start3A_46 = tpu.memref_slice %arg3[%add3A_37, %dma_start3A_45] : memref<2568x128xi32, #tpu.memory_space<hbm>> -> memref<64x128xi32, #tpu.memory_space<hbm>>
        %dma_start3A_47 = arith.constant 0 : i32
        %dma_start3A_48 = arith.constant 0 : i32
        %dma_start3A_49 = tpu.memref_slice %arg6[%dma_start3A_47, %dma_start3A_48] : memref<96x128xi32, #tpu.memory_space<vmem>> -> memref<64x128xi32, #tpu.memory_space<vmem>>
        %dma_start3A_50 = arith.constant 0 : i32
        %dma_start3A_51 = tpu.memref_slice %arg3[%add3A_37, %dma_start3A_50] : memref<2568x128xi32, #tpu.memory_space<hbm>> -> memref<64x128xi32, #tpu.memory_space<hbm>>
        tpu.enqueue_dma source(%dma_start3A_51 : memref<64x128xi32, #tpu.memory_space<hbm>>) target(%dma_start3A_49 : memref<64x128xi32, #tpu.memory_space<vmem>>) target_semaphore(%run_scoped3A : memref<!tpu.dma_semaphore, #tpu.memory_space<semaphore_mem>>)
        %dma_wait3A = arith.constant 0 : i32
        %dma_wait3A_52 = arith.constant 0 : i32
        %dma_wait3A_53 = tpu.memref_slice %arg6[%dma_wait3A, %dma_wait3A_52] : memref<96x128xi32, #tpu.memory_space<vmem>> -> memref<64x128xi32, #tpu.memory_space<vmem>>
        %dma_wait3A_54 = arith.constant 0 : i32
        %dma_wait3A_55 = tpu.memref_slice %arg3[%add3A_37, %dma_wait3A_54] : memref<2568x128xi32, #tpu.memory_space<hbm>> -> memref<64x128xi32, #tpu.memory_space<hbm>>
        %dma_wait3A_56 = arith.constant 0 : i32
        %dma_wait3A_57 = arith.constant 0 : i32
        %dma_wait3A_58 = tpu.memref_slice %arg6[%dma_wait3A_56, %dma_wait3A_57] : memref<96x128xi32, #tpu.memory_space<vmem>> -> memref<64x128xi32, #tpu.memory_space<vmem>>
        %dma_wait3A_59 = arith.constant 0 : i32
        %dma_wait3A_60 = tpu.memref_slice %arg3[%add3A_37, %dma_wait3A_59] : memref<2568x128xi32, #tpu.memory_space<hbm>> -> memref<64x128xi32, #tpu.memory_space<hbm>>
        tpu.wait_dma2 semaphore(%run_scoped3A : memref<!tpu.dma_semaphore, #tpu.memory_space<semaphore_mem>>) src(%dma_wait3A_60 : memref<64x128xi32, #tpu.memory_space<hbm>>) dst(%dma_wait3A_58 : memref<64x128xi32, #tpu.memory_space<vmem>>)
        tpu.yield
      }) : () -> ()
      "tpu.region"() ({
        %run_scoped3A = tpu.sem_alloc : memref<!tpu.dma_semaphore, #tpu.memory_space<semaphore_mem>>
        %dma_start3A = arith.constant 0 : i32
        %dma_start3A_43 = arith.constant 0 : i32
        %dma_start3A_44 = tpu.memref_slice %arg7[%dma_start3A, %dma_start3A_43] : memref<96x128xi32, #tpu.memory_space<vmem>> -> memref<64x128xi32, #tpu.memory_space<vmem>>
        %dma_start3A_45 = arith.constant 0 : i32
        %dma_start3A_46 = tpu.memref_slice %arg4[%add3A_37, %dma_start3A_45] : memref<2568x128xi32, #tpu.memory_space<hbm>> -> memref<64x128xi32, #tpu.memory_space<hbm>>
        %dma_start3A_47 = arith.constant 0 : i32
        %dma_start3A_48 = arith.constant 0 : i32
        %dma_start3A_49 = tpu.memref_slice %arg7[%dma_start3A_47, %dma_start3A_48] : memref<96x128xi32, #tpu.memory_space<vmem>> -> memref<64x128xi32, #tpu.memory_space<vmem>>
        %dma_start3A_50 = arith.constant 0 : i32
        %dma_start3A_51 = tpu.memref_slice %arg4[%add3A_37, %dma_start3A_50] : memref<2568x128xi32, #tpu.memory_space<hbm>> -> memref<64x128xi32, #tpu.memory_space<hbm>>
        tpu.enqueue_dma source(%dma_start3A_51 : memref<64x128xi32, #tpu.memory_space<hbm>>) target(%dma_start3A_49 : memref<64x128xi32, #tpu.memory_space<vmem>>) target_semaphore(%run_scoped3A : memref<!tpu.dma_semaphore, #tpu.memory_space<semaphore_mem>>)
        %dma_wait3A = arith.constant 0 : i32
        %dma_wait3A_52 = arith.constant 0 : i32
        %dma_wait3A_53 = tpu.memref_slice %arg7[%dma_wait3A, %dma_wait3A_52] : memref<96x128xi32, #tpu.memory_space<vmem>> -> memref<64x128xi32, #tpu.memory_space<vmem>>
        %dma_wait3A_54 = arith.constant 0 : i32
        %dma_wait3A_55 = tpu.memref_slice %arg4[%add3A_37, %dma_wait3A_54] : memref<2568x128xi32, #tpu.memory_space<hbm>> -> memref<64x128xi32, #tpu.memory_space<hbm>>
        %dma_wait3A_56 = arith.constant 0 : i32
        %dma_wait3A_57 = arith.constant 0 : i32
        %dma_wait3A_58 = tpu.memref_slice %arg7[%dma_wait3A_56, %dma_wait3A_57] : memref<96x128xi32, #tpu.memory_space<vmem>> -> memref<64x128xi32, #tpu.memory_space<vmem>>
        %dma_wait3A_59 = arith.constant 0 : i32
        %dma_wait3A_60 = tpu.memref_slice %arg4[%add3A_37, %dma_wait3A_59] : memref<2568x128xi32, #tpu.memory_space<hbm>> -> memref<64x128xi32, #tpu.memory_space<hbm>>
        tpu.wait_dma2 semaphore(%run_scoped3A : memref<!tpu.dma_semaphore, #tpu.memory_space<semaphore_mem>>) src(%dma_wait3A_60 : memref<64x128xi32, #tpu.memory_space<hbm>>) dst(%dma_wait3A_58 : memref<64x128xi32, #tpu.memory_space<vmem>>)
        tpu.yield
      }) : () -> ()
      %scan3A_38 = arith.constant 0 : i32
      %scan3A_39 = arith.constant 64 : i32
      %scan3A_40 = arith.addi %scan3A_38, %scan3A_39 : i32
      %scan3A_41 = arith.constant 1 : i32
      scf.for %scan3A_43 = %scan3A_38 to %scan3A_40 step %scan3A_41  : i32 {
        %mul3A_44 = arith.constant 1 : i32
        %mul3A_45 = arith.muli %scan3A_43, %mul3A_44 : i32
        %add3A_46 = arith.constant 0 : i32
        %add3A_47 = arith.addi %add3A_46, %mul3A_45 : i32
        %dma_start3A = arith.constant 0 : i32
        %dma_start3A_48 = tpu.memref_slice %arg6[%add3A_47, %dma_start3A] : memref<96x128xi32, #tpu.memory_space<vmem>> -> memref<1x128xi32, #tpu.memory_space<vmem>>
        %dma_start3A_49 = tpu.memref_squeeze %dma_start3A_48 : memref<1x128xi32, #tpu.memory_space<vmem>> -> memref<128xi32, #tpu.memory_space<vmem>>
        %dma_start3A_50 = arith.constant 0 : i32
        %dma_start3A_51 = arith.constant 0 : i32
        %dma_start3A_52 = tpu.memref_slice %arg2[%dma_start3A_50, %dma_start3A_51] : memref<10000x128xf32, #tpu.memory_space<hbm>> -> memref<10000x128xf32, #tpu.memory_space<hbm>>
        tpu.enqueue_indirect_dma source(%dma_start3A_52 : memref<10000x128xf32, #tpu.memory_space<hbm>>) target(%arg8 : memref<128x128xf32, #tpu.memory_space<vmem>>) offsets(%dma_start3A_49 : memref<128xi32, #tpu.memory_space<vmem>>) semaphore(%arg10 : memref<!tpu.dma_semaphore, #tpu.memory_space<semaphore_mem>>)
        %dma_wait3A = arith.constant 0 : i32
        %dma_wait3A_53 = tpu.memref_slice %arg6[%add3A_47, %dma_wait3A] : memref<96x128xi32, #tpu.memory_space<vmem>> -> memref<1x128xi32, #tpu.memory_space<vmem>>
        %dma_wait3A_54 = tpu.memref_squeeze %dma_wait3A_53 : memref<1x128xi32, #tpu.memory_space<vmem>> -> memref<128xi32, #tpu.memory_space<vmem>>
        %dma_wait3A_55 = arith.constant 0 : i32
        %dma_wait3A_56 = arith.constant 0 : i32
        %dma_wait3A_57 = tpu.memref_slice %arg2[%dma_wait3A_55, %dma_wait3A_56] : memref<10000x128xf32, #tpu.memory_space<hbm>> -> memref<10000x128xf32, #tpu.memory_space<hbm>>
        tpu.wait_indirect_dma semaphore(%arg10 : memref<!tpu.dma_semaphore, #tpu.memory_space<semaphore_mem>>) src(%dma_wait3A_57 : memref<10000x128xf32, #tpu.memory_space<hbm>>) dst(%arg8 : memref<128x128xf32, #tpu.memory_space<vmem>>)
        "tpu.region"() ({
          %run_scoped3A = tpu.sem_alloc : memref<!tpu.dma_semaphore, #tpu.memory_space<semaphore_mem>>
          %dma_start3A_58 = arith.constant 0 : i32
          %dma_start3A_59 = tpu.memref_slice %arg7[%add3A_47, %dma_start3A_58] : memref<96x128xi32, #tpu.memory_space<vmem>> -> memref<1x128xi32, #tpu.memory_space<vmem>>
          %dma_start3A_60 = tpu.memref_squeeze %dma_start3A_59 : memref<1x128xi32, #tpu.memory_space<vmem>> -> memref<128xi32, #tpu.memory_space<vmem>>
          %dma_start3A_61 = arith.constant 0 : i32
          %dma_start3A_62 = arith.constant 0 : i32
          %dma_start3A_63 = tpu.memref_slice %arg9[%dma_start3A_61, %dma_start3A_62] : memref<10240x128xf32, #tpu.memory_space<vmem_shared>> -> memref<10240x128xf32, #tpu.memory_space<vmem_shared>>
          tpu.enqueue_indirect_dma source(%arg8 : memref<128x128xf32, #tpu.memory_space<vmem>>) target(%dma_start3A_63 : memref<10240x128xf32, #tpu.memory_space<vmem_shared>>) offsets(%dma_start3A_60 : memref<128xi32, #tpu.memory_space<vmem>>) semaphore(%run_scoped3A : memref<!tpu.dma_semaphore, #tpu.memory_space<semaphore_mem>>) {add = true}
          %dma_wait3A_64 = arith.constant 0 : i32
          %dma_wait3A_65 = tpu.memref_slice %arg7[%add3A_47, %dma_wait3A_64] : memref<96x128xi32, #tpu.memory_space<vmem>> -> memref<1x128xi32, #tpu.memory_space<vmem>>
          %dma_wait3A_66 = tpu.memref_squeeze %dma_wait3A_65 : memref<1x128xi32, #tpu.memory_space<vmem>> -> memref<128xi32, #tpu.memory_space<vmem>>
          %dma_wait3A_67 = arith.constant 0 : i32
          %dma_wait3A_68 = arith.constant 0 : i32
          %dma_wait3A_69 = tpu.memref_slice %arg9[%dma_wait3A_67, %dma_wait3A_68] : memref<10240x128xf32, #tpu.memory_space<vmem_shared>> -> memref<10240x128xf32, #tpu.memory_space<vmem_shared>>
          tpu.wait_indirect_dma semaphore(%run_scoped3A : memref<!tpu.dma_semaphore, #tpu.memory_space<semaphore_mem>>) src(%arg8 : memref<128x128xf32, #tpu.memory_space<vmem>>) dst(%dma_wait3A_69 : memref<10240x128xf32, #tpu.memory_space<vmem_shared>>)
          tpu.yield
        }) : () -> ()
      }
      %scan3A_42 = arith.constant 64 : i32
    } else {
    }
    %barrier3A_29 = arith.constant 0 : index
    tpu.barrier barrier_id(%barrier3A_29)
    %mul3A_30 = arith.constant 640 : i32
    %mul3A_31 = arith.muli %arg1, %mul3A_30 : i32
    %mul3A_32 = arith.constant 640 : i32
    %mul3A_33 = arith.muli %arg1, %mul3A_32 : i32
    "tpu.region"() ({
      %run_scoped3A = tpu.sem_alloc : memref<!tpu.dma_semaphore, #tpu.memory_space<semaphore_mem>>
      %dma_start3A = arith.constant 0 : i32
      %dma_start3A_34 = tpu.memref_slice %arg5[%arg0, %mul3A_33, %dma_start3A] : memref<2x10240x128xf32, #tpu.memory_space<hbm>> -> memref<1x640x128xf32, #tpu.memory_space<hbm>>
      %dma_start3A_35 = tpu.memref_squeeze %dma_start3A_34 : memref<1x640x128xf32, #tpu.memory_space<hbm>> -> memref<640x128xf32, #tpu.memory_space<hbm>>
      %dma_start3A_36 = arith.constant 0 : i32
      %dma_start3A_37 = tpu.memref_slice %arg9[%mul3A_31, %dma_start3A_36] : memref<10240x128xf32, #tpu.memory_space<vmem_shared>> -> memref<640x128xf32, #tpu.memory_space<vmem_shared>>
      tpu.enqueue_dma source(%dma_start3A_37 : memref<640x128xf32, #tpu.memory_space<vmem_shared>>) target(%dma_start3A_35 : memref<640x128xf32, #tpu.memory_space<hbm>>) target_semaphore(%run_scoped3A : memref<!tpu.dma_semaphore, #tpu.memory_space<semaphore_mem>>)
      %dma_wait3A = arith.constant 0 : i32
      %dma_wait3A_38 = tpu.memref_slice %arg5[%arg0, %mul3A_33, %dma_wait3A] : memref<2x10240x128xf32, #tpu.memory_space<hbm>> -> memref<1x640x128xf32, #tpu.memory_space<hbm>>
      %dma_wait3A_39 = tpu.memref_squeeze %dma_wait3A_38 : memref<1x640x128xf32, #tpu.memory_space<hbm>> -> memref<640x128xf32, #tpu.memory_space<hbm>>
      %dma_wait3A_40 = arith.constant 0 : i32
      %dma_wait3A_41 = tpu.memref_slice %arg9[%mul3A_31, %dma_wait3A_40] : memref<10240x128xf32, #tpu.memory_space<vmem_shared>> -> memref<640x128xf32, #tpu.memory_space<vmem_shared>>
      tpu.wait_dma2 semaphore(%run_scoped3A : memref<!tpu.dma_semaphore, #tpu.memory_space<semaphore_mem>>) src(%dma_wait3A_41 : memref<640x128xf32, #tpu.memory_space<vmem_shared>>) dst(%dma_wait3A_39 : memref<640x128xf32, #tpu.memory_space<hbm>>)
      tpu.yield
    }) : () -> ()
    return
  }
}

module attributes {stable_mosaic.version = 14 : i64} {
  func.func @body(%arg0: i32, %arg1: memref<2x1000x128xf32, #tpu.memory_space<vmem>>, %arg2: memref<2x1000x8xf32, #tpu.memory_space<vmem>>, %arg3: memref<1000x128xf32, #tpu.memory_space<vmem>>, %arg4: memref<128x128xf32, #tpu.memory_space<vmem>>, %arg5: memref<1x128xf32, #tpu.memory_space<vmem>>, %arg6: memref<128x128xf32, #tpu.memory_space<vmem>>, %arg7: memref<1000x128xf32, #tpu.memory_space<vmem>>, %arg8: memref<8x128xf32, #tpu.memory_space<vmem>>) attributes {dimension_semantics = [#tpu.dimension_semantics<arbitrary>], iteration_bounds = array<i64: 10>, scalar_prefetch = 0 : i64, scratch_operands = 0 : i64, tpu.core_type = #tpu.core_type<tc>, window_params = [{transform_indices = @transform_0, window_bounds = array<i64: 2, 1000, 128>}, {transform_indices = @transform_1, window_bounds = array<i64: 2, 1000, 8>}, {transform_indices = @transform_2, window_bounds = array<i64: 1000, 128>}, {pipeline_mode = #tpu.pipeline_mode<synchronous>, transform_indices = @transform_3, window_bounds = array<i64: 128, 128>}, {pipeline_mode = #tpu.pipeline_mode<synchronous>, transform_indices = @transform_4, window_bounds = array<i64: 1, 128>}, {pipeline_mode = #tpu.pipeline_mode<synchronous>, transform_indices = @transform_5, window_bounds = array<i64: 128, 128>}, {transform_indices = @transform_6, window_bounds = array<i64: 1000, 128>}, {pipeline_mode = #tpu.pipeline_mode<synchronous>, transform_indices = @transform_7, window_bounds = array<i64: 8, 128>}]} {
    %get3A = arith.constant 0 : index
    %get3A_0 = arith.constant 0 : index
    %get3A_1 = arith.constant 0 : index
    %get3A_2 = vector.load %arg1[%get3A, %get3A_0, %get3A_1] : memref<2x1000x128xf32, #tpu.memory_space<vmem>>, vector<1x1000x128xf32>
    %get3A_3 = vector.shape_cast %get3A_2 : vector<1x1000x128xf32> to vector<1000x128xf32>
    %get3A_4 = arith.constant 1 : index
    %get3A_5 = arith.constant 0 : index
    %get3A_6 = arith.constant 0 : index
    %get3A_7 = vector.load %arg1[%get3A_4, %get3A_5, %get3A_6] : memref<2x1000x128xf32, #tpu.memory_space<vmem>>, vector<1x1000x128xf32>
    %get3A_8 = vector.shape_cast %get3A_7 : vector<1x1000x128xf32> to vector<1000x128xf32>
    %add3A = arith.addf %get3A_3, %get3A_8 : vector<1000x128xf32>
    %get3A_9 = arith.constant 0 : index
    %get3A_10 = arith.constant 0 : index
    %get3A_11 = arith.constant 0 : index
    %get3A_12 = vector.load %arg2[%get3A_9, %get3A_10, %get3A_11] : memref<2x1000x8xf32, #tpu.memory_space<vmem>>, vector<1x1000x1xf32>
    %get3A_13 = vector.shape_cast %get3A_12 : vector<1x1000x1xf32> to vector<1000x1xf32>
    %get3A_14 = arith.constant 1 : index
    %get3A_15 = arith.constant 0 : index
    %get3A_16 = arith.constant 0 : index
    %get3A_17 = vector.load %arg2[%get3A_14, %get3A_15, %get3A_16] : memref<2x1000x8xf32, #tpu.memory_space<vmem>>, vector<1x1000x1xf32>
    %get3A_18 = vector.shape_cast %get3A_17 : vector<1x1000x1xf32> to vector<1000x1xf32>
    %add3A_19 = arith.addf %get3A_13, %get3A_18 : vector<1000x1xf32>
    %max3A = arith.constant 1.000000e+00 : f32
    %max3A_20 = vector.broadcast %max3A : f32 to vector<1000x1xf32>
    %max3A_21 = arith.maximumf %add3A_19, %max3A_20 : vector<1000x1xf32>
    %div3A = arith.constant 1.000000e+00 : f32
    %div3A_22 = vector.broadcast %div3A : f32 to vector<1000x1xf32>
    %div3A_23 = arith.divf %div3A_22, %max3A_21 : vector<1000x1xf32>
    %mul3A = vector.broadcast %div3A_23 : vector<1000x1xf32> to vector<1000x128xf32>
    %mul3A_24 = arith.mulf %add3A, %mul3A : vector<1000x128xf32>
    %get3A_25 = arith.constant 0 : index
    %get3A_26 = arith.constant 0 : index
    %get3A_27 = vector.load %arg4[%get3A_25, %get3A_26] : memref<128x128xf32, #tpu.memory_space<vmem>>, vector<128x128xf32>
    %dot_general3A = arith.constant dense<0.000000e+00> : vector<1000x128xf32>
    %dot_general3A_28 = tpu.matmul %mul3A_24, %get3A_27, %dot_general3A {dimension_numbers = #tpu.dot_dimension_numbers<[1], [0], [0], [1], [0, 0, 1, 1], [], []>, precision = #tpu.contract_precision<fp32>, transpose_lhs_hint = false} : vector<1000x128xf32>, vector<128x128xf32>, vector<1000x128xf32> -> vector<1000x128xf32>
    %get3A_29 = arith.constant 0 : index
    %get3A_30 = arith.constant 0 : index
    %get3A_31 = vector.load %arg3[%get3A_29, %get3A_30] : memref<1000x128xf32, #tpu.memory_space<vmem>>, vector<1000x128xf32>
    %get3A_32 = arith.constant 0 : index
    %get3A_33 = arith.constant 0 : index
    %get3A_34 = vector.load %arg6[%get3A_32, %get3A_33] : memref<128x128xf32, #tpu.memory_space<vmem>>, vector<128x128xf32>
    %dot_general3A_35 = arith.constant dense<0.000000e+00> : vector<1000x128xf32>
    %dot_general3A_36 = tpu.matmul %get3A_31, %get3A_34, %dot_general3A_35 {dimension_numbers = #tpu.dot_dimension_numbers<[1], [0], [0], [1], [0, 0, 1, 1], [], []>, precision = #tpu.contract_precision<fp32>, transpose_lhs_hint = false} : vector<1000x128xf32>, vector<128x128xf32>, vector<1000x128xf32> -> vector<1000x128xf32>
    %add3A_37 = arith.addf %dot_general3A_28, %dot_general3A_36 : vector<1000x128xf32>
    %get3A_38 = arith.constant 0 : index
    %get3A_39 = arith.constant 0 : index
    %get3A_40 = vector.load %arg5[%get3A_38, %get3A_39] : memref<1x128xf32, #tpu.memory_space<vmem>>, vector<1x128xf32>
    %add3A_41 = vector.broadcast %get3A_40 : vector<1x128xf32> to vector<1000x128xf32>
    %add3A_42 = arith.addf %add3A_37, %add3A_41 : vector<1000x128xf32>
    %swap3A = arith.constant 0 : index
    %swap3A_43 = arith.constant 0 : index
    %swap3A_44 = vector.load %arg7[%swap3A, %swap3A_43] : memref<1000x128xf32, #tpu.memory_space<vmem>>, vector<1000x128xf32>
    tpu.vector_store %arg7[%swap3A, %swap3A_43], %add3A_42 {strides = array<i32>} : memref<1000x128xf32, #tpu.memory_space<vmem>>, vector<1000x128xf32>,
    %reduce_sum3A = arith.constant dense<0.000000e+00> : vector<128xf32>
    %reduce_sum3A_45 = vector.multi_reduction <add>, %add3A_42, %reduce_sum3A [0] : vector<1000x128xf32> to vector<128xf32>
    %broadcast_in_dim3A = vector.shape_cast %reduce_sum3A_45 : vector<128xf32> to vector<1x128xf32>
    %mul3A_46 = arith.mulf %add3A_42, %add3A_42 : vector<1000x128xf32>
    %reduce_sum3A_47 = arith.constant dense<0.000000e+00> : vector<128xf32>
    %reduce_sum3A_48 = vector.multi_reduction <add>, %mul3A_46, %reduce_sum3A_47 [0] : vector<1000x128xf32> to vector<128xf32>
    %broadcast_in_dim3A_49 = vector.shape_cast %reduce_sum3A_48 : vector<128xf32> to vector<1x128xf32>
    %broadcast_in_dim3A_50 = arith.constant 0.000000e+00 : f32
    %broadcast_in_dim3A_51 = vector.broadcast %broadcast_in_dim3A_50 : f32 to vector<6x128xf32>
    %concatenate3A = tpu.concatenate %broadcast_in_dim3A, %broadcast_in_dim3A_49, %broadcast_in_dim3A_51 in 0 : vector<1x128xf32>, vector<1x128xf32>, vector<6x128xf32> -> vector<8x128xf32>
    %eq3A = arith.constant 0 : i32
    %eq3A_52 = arith.cmpi eq, %arg0, %eq3A : i32
    %convert_element_type3A = arith.extui %eq3A_52 : i1 to i32
    %cond3A = arith.constant 0 : i32
    %cond3A_53 = arith.cmpi ne, %convert_element_type3A, %cond3A : i32
    scf.if %cond3A_53 {
      %swap3A_58 = arith.constant 0 : index
      %swap3A_59 = arith.constant 0 : index
      %swap3A_60 = vector.load %arg8[%swap3A_58, %swap3A_59] : memref<8x128xf32, #tpu.memory_space<vmem>>, vector<8x128xf32>
      tpu.vector_store %arg8[%swap3A_58, %swap3A_59], %concatenate3A {strides = array<i32>} : memref<8x128xf32, #tpu.memory_space<vmem>>, vector<8x128xf32>,
    } else {
    }
    %gt3A = arith.constant 0 : i32
    %gt3A_54 = arith.cmpi sgt, %arg0, %gt3A : i32
    %convert_element_type3A_55 = arith.extui %gt3A_54 : i1 to i32
    %cond3A_56 = arith.constant 0 : i32
    %cond3A_57 = arith.cmpi ne, %convert_element_type3A_55, %cond3A_56 : i32
    scf.if %cond3A_57 {
      %get3A_58 = arith.constant 0 : index
      %get3A_59 = arith.constant 0 : index
      %get3A_60 = vector.load %arg8[%get3A_58, %get3A_59] : memref<8x128xf32, #tpu.memory_space<vmem>>, vector<8x128xf32>
      %add3A_61 = arith.addf %get3A_60, %concatenate3A : vector<8x128xf32>
      %swap3A_62 = arith.constant 0 : index
      %swap3A_63 = arith.constant 0 : index
      %swap3A_64 = vector.load %arg8[%swap3A_62, %swap3A_63] : memref<8x128xf32, #tpu.memory_space<vmem>>, vector<8x128xf32>
      tpu.vector_store %arg8[%swap3A_62, %swap3A_63], %add3A_61 {strides = array<i32>} : memref<8x128xf32, #tpu.memory_space<vmem>>, vector<8x128xf32>,
    } else {
    }
    return
  }
  func.func @transform_0(%arg0: i32) -> (i32, i32, i32) {
    %c0_i32 = arith.constant 0 : i32
    %c0_i32_0 = arith.constant 0 : i32
    %c0_i32_1 = arith.constant 0 : i32
    return %c0_i32, %arg0, %c0_i32_0 : i32, i32, i32
  }
  func.func @transform_1(%arg0: i32) -> (i32, i32, i32) {
    %c0_i32 = arith.constant 0 : i32
    %c0_i32_0 = arith.constant 0 : i32
    %c0_i32_1 = arith.constant 0 : i32
    return %c0_i32, %arg0, %c0_i32_0 : i32, i32, i32
  }
  func.func @transform_2(%arg0: i32) -> (i32, i32) {
    %c0_i32 = arith.constant 0 : i32
    %c0_i32_0 = arith.constant 0 : i32
    return %arg0, %c0_i32 : i32, i32
  }
  func.func @transform_3(%arg0: i32) -> (i32, i32) {
    %c0_i32 = arith.constant 0 : i32
    %c0_i32_0 = arith.constant 0 : i32
    %c0_i32_1 = arith.constant 0 : i32
    return %c0_i32, %c0_i32_0 : i32, i32
  }
  func.func @transform_4(%arg0: i32) -> (i32, i32) {
    %c0_i32 = arith.constant 0 : i32
    %c0_i32_0 = arith.constant 0 : i32
    %c0_i32_1 = arith.constant 0 : i32
    return %c0_i32, %c0_i32_0 : i32, i32
  }
  func.func @transform_5(%arg0: i32) -> (i32, i32) {
    %c0_i32 = arith.constant 0 : i32
    %c0_i32_0 = arith.constant 0 : i32
    %c0_i32_1 = arith.constant 0 : i32
    return %c0_i32, %c0_i32_0 : i32, i32
  }
  func.func @transform_6(%arg0: i32) -> (i32, i32) {
    %c0_i32 = arith.constant 0 : i32
    %c0_i32_0 = arith.constant 0 : i32
    return %arg0, %c0_i32 : i32, i32
  }
  func.func @transform_7(%arg0: i32) -> (i32, i32) {
    %c0_i32 = arith.constant 0 : i32
    %c0_i32_0 = arith.constant 0 : i32
    %c0_i32_1 = arith.constant 0 : i32
    return %c0_i32, %c0_i32_0 : i32, i32
  }
}

module attributes {stable_mosaic.version = 14 : i64} {
  func.func @body(%arg0: i32, %arg1: memref<1000x128xf32, #tpu.memory_space<vmem>>, %arg2: memref<8x128xf32, #tpu.memory_space<vmem>>, %arg3: memref<1x128xf32, #tpu.memory_space<vmem>>, %arg4: memref<1x128xf32, #tpu.memory_space<vmem>>, %arg5: memref<1000x128xf32, #tpu.memory_space<vmem>>) attributes {dimension_semantics = [#tpu.dimension_semantics<arbitrary>], iteration_bounds = array<i64: 10>, scalar_prefetch = 0 : i64, scratch_operands = 0 : i64, tpu.core_type = #tpu.core_type<tc>, window_params = [{transform_indices = @transform_0, window_bounds = array<i64: 1000, 128>}, {pipeline_mode = #tpu.pipeline_mode<synchronous>, transform_indices = @transform_1, window_bounds = array<i64: 8, 128>}, {pipeline_mode = #tpu.pipeline_mode<synchronous>, transform_indices = @transform_2, window_bounds = array<i64: 1, 128>}, {pipeline_mode = #tpu.pipeline_mode<synchronous>, transform_indices = @transform_3, window_bounds = array<i64: 1, 128>}, {transform_indices = @transform_4, window_bounds = array<i64: 1000, 128>}]} {
    %get3A = arith.constant 0 : index
    %get3A_0 = arith.constant 0 : index
    %get3A_1 = vector.load %arg2[%get3A, %get3A_0] : memref<8x128xf32, #tpu.memory_space<vmem>>, vector<1x128xf32>
    %mul3A = arith.constant 9.99999974E-5 : f32
    %mul3A_2 = vector.broadcast %mul3A : f32 to vector<1x128xf32>
    %mul3A_3 = arith.mulf %get3A_1, %mul3A_2 : vector<1x128xf32>
    %get3A_4 = arith.constant 1 : index
    %get3A_5 = arith.constant 0 : index
    %get3A_6 = vector.load %arg2[%get3A_4, %get3A_5] : memref<8x128xf32, #tpu.memory_space<vmem>>, vector<1x128xf32>
    %mul3A_7 = arith.constant 9.99999974E-5 : f32
    %mul3A_8 = vector.broadcast %mul3A_7 : f32 to vector<1x128xf32>
    %mul3A_9 = arith.mulf %get3A_6, %mul3A_8 : vector<1x128xf32>
    %mul3A_10 = arith.mulf %mul3A_3, %mul3A_3 : vector<1x128xf32>
    %sub3A = arith.subf %mul3A_9, %mul3A_10 : vector<1x128xf32>
    %get3A_11 = arith.constant 0 : index
    %get3A_12 = arith.constant 0 : index
    %get3A_13 = vector.load %arg3[%get3A_11, %get3A_12] : memref<1x128xf32, #tpu.memory_space<vmem>>, vector<1x128xf32>
    %get3A_14 = arith.constant 0 : index
    %get3A_15 = arith.constant 0 : index
    %get3A_16 = vector.load %arg1[%get3A_14, %get3A_15] : memref<1000x128xf32, #tpu.memory_space<vmem>>, vector<1000x128xf32>
    %sub3A_17 = vector.broadcast %mul3A_3 : vector<1x128xf32> to vector<1000x128xf32>
    %sub3A_18 = arith.subf %get3A_16, %sub3A_17 : vector<1000x128xf32>
    %mul3A_19 = vector.broadcast %get3A_13 : vector<1x128xf32> to vector<1000x128xf32>
    %mul3A_20 = arith.mulf %mul3A_19, %sub3A_18 : vector<1000x128xf32>
    %add3A = arith.constant 9.99999974E-6 : f32
    %add3A_21 = vector.broadcast %add3A : f32 to vector<1x128xf32>
    %add3A_22 = arith.addf %sub3A, %add3A_21 : vector<1x128xf32>
    %rsqrt3A = math.rsqrt %add3A_22 : vector<1x128xf32>
    %mul3A_23 = vector.broadcast %rsqrt3A : vector<1x128xf32> to vector<1000x128xf32>
    %mul3A_24 = arith.mulf %mul3A_20, %mul3A_23 : vector<1000x128xf32>
    %get3A_25 = arith.constant 0 : index
    %get3A_26 = arith.constant 0 : index
    %get3A_27 = vector.load %arg4[%get3A_25, %get3A_26] : memref<1x128xf32, #tpu.memory_space<vmem>>, vector<1x128xf32>
    %add3A_28 = vector.broadcast %get3A_27 : vector<1x128xf32> to vector<1000x128xf32>
    %add3A_29 = arith.addf %mul3A_24, %add3A_28 : vector<1000x128xf32>
    %max3A = arith.constant 0.000000e+00 : f32
    %max3A_30 = vector.broadcast %max3A : f32 to vector<1000x128xf32>
    %max3A_31 = arith.maximumf %add3A_29, %max3A_30 : vector<1000x128xf32>
    %swap3A = arith.constant 0 : index
    %swap3A_32 = arith.constant 0 : index
    %swap3A_33 = vector.load %arg5[%swap3A, %swap3A_32] : memref<1000x128xf32, #tpu.memory_space<vmem>>, vector<1000x128xf32>
    tpu.vector_store %arg5[%swap3A, %swap3A_32], %max3A_31 {strides = array<i32>} : memref<1000x128xf32, #tpu.memory_space<vmem>>, vector<1000x128xf32>,
    return
  }
  func.func @transform_0(%arg0: i32) -> (i32, i32) {
    %c0_i32 = arith.constant 0 : i32
    %c0_i32_0 = arith.constant 0 : i32
    return %arg0, %c0_i32 : i32, i32
  }
  func.func @transform_1(%arg0: i32) -> (i32, i32) {
    %c0_i32 = arith.constant 0 : i32
    %c0_i32_0 = arith.constant 0 : i32
    %c0_i32_1 = arith.constant 0 : i32
    return %c0_i32, %c0_i32_0 : i32, i32
  }
  func.func @transform_2(%arg0: i32) -> (i32, i32) {
    %c0_i32 = arith.constant 0 : i32
    %c0_i32_0 = arith.constant 0 : i32
    %c0_i32_1 = arith.constant 0 : i32
    return %c0_i32, %c0_i32_0 : i32, i32
  }
  func.func @transform_3(%arg0: i32) -> (i32, i32) {
    %c0_i32 = arith.constant 0 : i32
    %c0_i32_0 = arith.constant 0 : i32
    %c0_i32_1 = arith.constant 0 : i32
    return %c0_i32, %c0_i32_0 : i32, i32
  }
  func.func @transform_4(%arg0: i32) -> (i32, i32) {
    %c0_i32 = arith.constant 0 : i32
    %c0_i32_0 = arith.constant 0 : i32
    return %arg0, %c0_i32 : i32, i32
  }
}

module attributes {stable_mosaic.version = 14 : i64} {
  func.func @body(%arg0: i32, %arg1: memref<2x1000x128xf32, #tpu.memory_space<vmem>>, %arg2: memref<2x1000x8xf32, #tpu.memory_space<vmem>>, %arg3: memref<1000x128xf32, #tpu.memory_space<vmem>>, %arg4: memref<128x128xf32, #tpu.memory_space<vmem>>, %arg5: memref<1x128xf32, #tpu.memory_space<vmem>>, %arg6: memref<128x128xf32, #tpu.memory_space<vmem>>, %arg7: memref<1000x128xf32, #tpu.memory_space<vmem>>) attributes {dimension_semantics = [#tpu.dimension_semantics<arbitrary>], iteration_bounds = array<i64: 10>, scalar_prefetch = 0 : i64, scratch_operands = 0 : i64, tpu.core_type = #tpu.core_type<tc>, window_params = [{transform_indices = @transform_0, window_bounds = array<i64: 2, 1000, 128>}, {transform_indices = @transform_1, window_bounds = array<i64: 2, 1000, 8>}, {transform_indices = @transform_2, window_bounds = array<i64: 1000, 128>}, {pipeline_mode = #tpu.pipeline_mode<synchronous>, transform_indices = @transform_3, window_bounds = array<i64: 128, 128>}, {pipeline_mode = #tpu.pipeline_mode<synchronous>, transform_indices = @transform_4, window_bounds = array<i64: 1, 128>}, {pipeline_mode = #tpu.pipeline_mode<synchronous>, transform_indices = @transform_5, window_bounds = array<i64: 128, 128>}, {transform_indices = @transform_6, window_bounds = array<i64: 1000, 128>}]} {
    %get3A = arith.constant 0 : index
    %get3A_0 = arith.constant 0 : index
    %get3A_1 = arith.constant 0 : index
    %get3A_2 = vector.load %arg1[%get3A, %get3A_0, %get3A_1] : memref<2x1000x128xf32, #tpu.memory_space<vmem>>, vector<1x1000x128xf32>
    %get3A_3 = vector.shape_cast %get3A_2 : vector<1x1000x128xf32> to vector<1000x128xf32>
    %get3A_4 = arith.constant 1 : index
    %get3A_5 = arith.constant 0 : index
    %get3A_6 = arith.constant 0 : index
    %get3A_7 = vector.load %arg1[%get3A_4, %get3A_5, %get3A_6] : memref<2x1000x128xf32, #tpu.memory_space<vmem>>, vector<1x1000x128xf32>
    %get3A_8 = vector.shape_cast %get3A_7 : vector<1x1000x128xf32> to vector<1000x128xf32>
    %add3A = arith.addf %get3A_3, %get3A_8 : vector<1000x128xf32>
    %get3A_9 = arith.constant 0 : index
    %get3A_10 = arith.constant 0 : index
    %get3A_11 = arith.constant 0 : index
    %get3A_12 = vector.load %arg2[%get3A_9, %get3A_10, %get3A_11] : memref<2x1000x8xf32, #tpu.memory_space<vmem>>, vector<1x1000x1xf32>
    %get3A_13 = vector.shape_cast %get3A_12 : vector<1x1000x1xf32> to vector<1000x1xf32>
    %get3A_14 = arith.constant 1 : index
    %get3A_15 = arith.constant 0 : index
    %get3A_16 = arith.constant 0 : index
    %get3A_17 = vector.load %arg2[%get3A_14, %get3A_15, %get3A_16] : memref<2x1000x8xf32, #tpu.memory_space<vmem>>, vector<1x1000x1xf32>
    %get3A_18 = vector.shape_cast %get3A_17 : vector<1x1000x1xf32> to vector<1000x1xf32>
    %add3A_19 = arith.addf %get3A_13, %get3A_18 : vector<1000x1xf32>
    %max3A = arith.constant 1.000000e+00 : f32
    %max3A_20 = vector.broadcast %max3A : f32 to vector<1000x1xf32>
    %max3A_21 = arith.maximumf %add3A_19, %max3A_20 : vector<1000x1xf32>
    %div3A = arith.constant 1.000000e+00 : f32
    %div3A_22 = vector.broadcast %div3A : f32 to vector<1000x1xf32>
    %div3A_23 = arith.divf %div3A_22, %max3A_21 : vector<1000x1xf32>
    %mul3A = vector.broadcast %div3A_23 : vector<1000x1xf32> to vector<1000x128xf32>
    %mul3A_24 = arith.mulf %add3A, %mul3A : vector<1000x128xf32>
    %get3A_25 = arith.constant 0 : index
    %get3A_26 = arith.constant 0 : index
    %get3A_27 = vector.load %arg4[%get3A_25, %get3A_26] : memref<128x128xf32, #tpu.memory_space<vmem>>, vector<128x128xf32>
    %dot_general3A = arith.constant dense<0.000000e+00> : vector<1000x128xf32>
    %dot_general3A_28 = tpu.matmul %mul3A_24, %get3A_27, %dot_general3A {dimension_numbers = #tpu.dot_dimension_numbers<[1], [0], [0], [1], [0, 0, 1, 1], [], []>, precision = #tpu.contract_precision<fp32>, transpose_lhs_hint = false} : vector<1000x128xf32>, vector<128x128xf32>, vector<1000x128xf32> -> vector<1000x128xf32>
    %get3A_29 = arith.constant 0 : index
    %get3A_30 = arith.constant 0 : index
    %get3A_31 = vector.load %arg3[%get3A_29, %get3A_30] : memref<1000x128xf32, #tpu.memory_space<vmem>>, vector<1000x128xf32>
    %get3A_32 = arith.constant 0 : index
    %get3A_33 = arith.constant 0 : index
    %get3A_34 = vector.load %arg6[%get3A_32, %get3A_33] : memref<128x128xf32, #tpu.memory_space<vmem>>, vector<128x128xf32>
    %dot_general3A_35 = arith.constant dense<0.000000e+00> : vector<1000x128xf32>
    %dot_general3A_36 = tpu.matmul %get3A_31, %get3A_34, %dot_general3A_35 {dimension_numbers = #tpu.dot_dimension_numbers<[1], [0], [0], [1], [0, 0, 1, 1], [], []>, precision = #tpu.contract_precision<fp32>, transpose_lhs_hint = false} : vector<1000x128xf32>, vector<128x128xf32>, vector<1000x128xf32> -> vector<1000x128xf32>
    %add3A_37 = arith.addf %dot_general3A_28, %dot_general3A_36 : vector<1000x128xf32>
    %get3A_38 = arith.constant 0 : index
    %get3A_39 = arith.constant 0 : index
    %get3A_40 = vector.load %arg5[%get3A_38, %get3A_39] : memref<1x128xf32, #tpu.memory_space<vmem>>, vector<1x128xf32>
    %add3A_41 = vector.broadcast %get3A_40 : vector<1x128xf32> to vector<1000x128xf32>
    %add3A_42 = arith.addf %add3A_37, %add3A_41 : vector<1000x128xf32>
    %swap3A = arith.constant 0 : index
    %swap3A_43 = arith.constant 0 : index
    %swap3A_44 = vector.load %arg7[%swap3A, %swap3A_43] : memref<1000x128xf32, #tpu.memory_space<vmem>>, vector<1000x128xf32>
    tpu.vector_store %arg7[%swap3A, %swap3A_43], %add3A_42 {strides = array<i32>} : memref<1000x128xf32, #tpu.memory_space<vmem>>, vector<1000x128xf32>,
    return
  }
  func.func @transform_0(%arg0: i32) -> (i32, i32, i32) {
    %c0_i32 = arith.constant 0 : i32
    %c0_i32_0 = arith.constant 0 : i32
    %c0_i32_1 = arith.constant 0 : i32
    return %c0_i32, %arg0, %c0_i32_0 : i32, i32, i32
  }
  func.func @transform_1(%arg0: i32) -> (i32, i32, i32) {
    %c0_i32 = arith.constant 0 : i32
    %c0_i32_0 = arith.constant 0 : i32
    %c0_i32_1 = arith.constant 0 : i32
    return %c0_i32, %arg0, %c0_i32_0 : i32, i32, i32
  }
  func.func @transform_2(%arg0: i32) -> (i32, i32) {
    %c0_i32 = arith.constant 0 : i32
    %c0_i32_0 = arith.constant 0 : i32
    return %arg0, %c0_i32 : i32, i32
  }
  func.func @transform_3(%arg0: i32) -> (i32, i32) {
    %c0_i32 = arith.constant 0 : i32
    %c0_i32_0 = arith.constant 0 : i32
    %c0_i32_1 = arith.constant 0 : i32
    return %c0_i32, %c0_i32_0 : i32, i32
  }
  func.func @transform_4(%arg0: i32) -> (i32, i32) {
    %c0_i32 = arith.constant 0 : i32
    %c0_i32_0 = arith.constant 0 : i32
    %c0_i32_1 = arith.constant 0 : i32
    return %c0_i32, %c0_i32_0 : i32, i32
  }
  func.func @transform_5(%arg0: i32) -> (i32, i32) {
    %c0_i32 = arith.constant 0 : i32
    %c0_i32_0 = arith.constant 0 : i32
    %c0_i32_1 = arith.constant 0 : i32
    return %c0_i32, %c0_i32_0 : i32, i32
  }
  func.func @transform_6(%arg0: i32) -> (i32, i32) {
    %c0_i32 = arith.constant 0 : i32
    %c0_i32_0 = arith.constant 0 : i32
    return %arg0, %c0_i32 : i32, i32
  }
}

</mosaic_0001>

<sc_bundles>
// kernel: kernel.11.cloned.1.call-start
scs
__scs_entry_jumppad:
0x0: {  	(pc) =	sbr.rel $0x88, $3  }
0x1: {  	(tag) =	ssettag $0x0;
	lr =	simm.s32 $0x1  }
0x2: {  	[smem:$0x3F92] =	sst lr;
	_ =	strace $0xD0000000  }
0x3: {  	_ = 	snop  }
0x4: {  	_ = 	snop  }
0x5: {  	_ = 	snop  }
0x6: {  	_ = 	snop  }
0x7: {  	_ = 	snop  }
__scs_overlays_trampoline_lowered:
0x8: {  	[smem:$0x3FA1] =	sst s0  }
0x9: {  	[smem:$0x3FA2] =	sst s1  }
0xa: {  	[smem:$0x3FA3] =	sst s2  }
0xb: {  	[smem:$0x3FA4] =	sst s3  }
0xc: {  	[smem:$0x3FA5] =	sst s4  }
0xd: {  	[smem:$0x3FA6] =	sst s5  }
0xe: {  	[smem:$0x3FA7] =	sst s6  }
0xf: {  	[smem:$0x3FA8] =	sst s7  }
0x10: {  	[smem:$0x3FA9] =	sst s8  }
0x11: {  	[smem:$0x3FAA] =	sst s9;
	s0 =	simm.s32 @!p0 $0x0  }
0x12: {  	s1 =	sld [smem:$0x3F90];
	s0 =	simm.s32 @p0 $0x1  }
0x13: {  	[smem:$0x3FAB] =	sst s0;
	s0 =	simm.s32 @!p1 $0x0  }
0x14: {  	s2 =	sld [smem:$0x3F8F];
	s0 =	simm.s32 @p1 $0x1  }
0x15: {  	[smem:$0x3FAC] =	sst s0;
	s0 =	simm.s32 @!p2 $0x0  }
0x16: {  	s3 =	sld [smem:$0x3FDB];
	s0 =	simm.s32 @p2 $0x1  }
0x17: {  	s4 =	simm.s32 $0x1BF5;
	[smem:$0x3FAE] =	sst s0  }
0x18: {  	s0 =	sld [smem:$0x3F91];
	_ =	swait.ge [sflag:s4], $0x0  }
0x19: {  	s7 =	sld [smem:$0x3F92]  }
0x1a: {  	s8 =	sadd.s32 $0xFFFFE003, lr  }
0x1b: {  	s9 =	sadd.s32 $0xFFFFFEF7, lr;
	s5 =	simm.s32 $0xFFFFFFFF;
	p2 =	slt.u32 s8, $0xFFFFF086  }
0x1c: {  	p1 =	slt.u32 s9, $0xF7A;
	s5 =	simm.s32 @!p2 $0x0  }
0x1d: {  	s5 =	simm.s32 @p1 $0x1;
	p0 =	seq.s32 s7, s2  }
0x1e: {  	s7 =	smul.u32 @!p0 $0xF7A, s2;
	p2 =	seq.s32 @!p0 s5, $0x0  }
0x1f: {  	s9 =	smul.u32 $0xF7A, s1;
	s8 =	simm.s32 @!p0 $0x1BF5;
	p2 =	por !p2, p0  }
0x20: {  	[sflag:s8] =	ssyncset.s32 @!p0 $0xFFFFF086;
	s6 =	sadd.s32 @!p0 s3, s7;
	s7 =	simm.s32 @!p0 $0x108  }
0x21: {  	s3 =	sadd.s32 s3, s9;
	s6 =	sadd.s32 @!p0 $0x88, s6;
	s7 =	simm.s32 @p2 $0x1082  }
0x22: {  	[simem:s7], [sflag:s8] =	dma.local @!p0 [hbm:s6], $0xF7A  }
0x23: {  	s9 =	sor.u32 $0xD0000000, s2;
	s6 =	simm.s32 $0x108;
	_ =	swait.ge @!p0 [sflag:s8], $0x0  }
0x24: {  	s3 =	sadd.s32 $0x88, s3;
	s6 =	simm.s32 @!p1 $0x1082;
	[sflag:s4] =	ssyncset.s32 $0xFFFFF086  }
0x25: {  	[simem:s6], [sflag:s4] =	dma.local [hbm:s3], $0xF7A  }
0x26: {  	[smem:$0x3F92] =	sst s1;
	(tag) =	ssettag s2;
	_ =	strace s9  }
0x27: {  	s1 =	sld [smem:$0x3FA2]  }
0x28: {  	s2 =	sld [smem:$0x3FA3]  }
0x29: {  	s4 =	sld [smem:$0x3FA5]  }
0x2a: {  	p0 =	seq.s32 s5, $0x0;
	s5 =	sld [smem:$0x3FA6]  }
0x2b: {  	s6 =	sld [smem:$0x3FA7]  }
0x2c: {  	s7 =	sld [smem:$0x3FA8]  }
0x2d: {  	s3 =	simm.s32 $0x108;
	s8 =	sld [smem:$0x3FA9]  }
0x2e: {  	s3 =	simm.s32 @!p0 $0x1082;
	s9 =	sld [smem:$0x3FAA]  }
0x2f: {  	lr =	sadd.s32 s0, s3;
	s0 =	sld [smem:$0x3FA1]  }
0x30: {  	s3 =	sld [smem:$0x3FA4]  }
0x31: {  	[smem:$0x3FAD] =	sst s10  }
0x32: {  	s10 =	sld [smem:$0x3FAB];
	_ =	sdelay $0x3  }
0x33: {  	p0 =	seq.s32 s10, $0x1;
	s10 =	sld [smem:$0x3FAD];
	_ =	sdelay $0x3  }
0x34: {  	[smem:$0x3FAD] =	sst s10  }
0x35: {  	s10 =	sld [smem:$0x3FAC];
	_ =	sdelay $0x3  }
0x36: {  	p1 =	seq.s32 s10, $0x1;
	s10 =	sld [smem:$0x3FAD];
	_ =	sdelay $0x3  }
0x37: {  	[smem:$0x3FAD] =	sst s10  }
0x38: {  	s10 =	sld [smem:$0x3FAE]  }
0x39: {  	_ = 	snop;
	(pc) =	sbr.ind lr, $3  }
0x3a: {  	_ = 	snop  }
0x3b: {  	_ = 	snop  }
0x3c: {  	p2 =	seq.s32 s10, $0x1;
	s10 =	sld [smem:$0x3FAD]  }
0x3d: {  	_ =	shalt  }
0x3e: {  	_ =	shalt  }
0x3f: {  	_ =	shalt  }
0x40: {  	_ =	shalt  }
0x41: {  	_ =	shalt  }
0x42: {  	_ =	shalt  }
0x43: {  	_ =	shalt  }
0x44: {  	_ =	shalt  }
0x45: {  	_ =	shalt  }
0x46: {  	_ =	shalt  }
0x47: {  	_ =	shalt  }
0x48: {  	_ =	shalt  }
0x49: {  	_ =	shalt  }
0x4a: {  	_ =	shalt  }
0x4b: {  	_ =	shalt  }
0x4c: {  	_ =	shalt  }
0x4d: {  	_ =	shalt  }
0x4e: {  	_ =	shalt  }
0x4f: {  	_ =	shalt  }
0x50: {  	_ =	shalt  }
0x51: {  	_ =	shalt  }
0x52: {  	_ =	shalt  }
0x53: {  	_ =	shalt  }
0x54: {  	_ =	shalt  }
0x55: {  	_ =	shalt  }
0x56: {  	_ =	shalt  }
0x57: {  	_ =	shalt  }
0x58: {  	_ =	shalt  }
0x59: {  	_ =	shalt  }
0x5a: {  	_ =	shalt  }
0x5b: {  	_ =	shalt  }
0x5c: {  	_ =	shalt  }
0x5d: {  	_ =	shalt  }
0x5e: {  	_ =	shalt  }
0x5f: {  	_ =	shalt  }
0x60: {  	_ =	shalt  }
0x61: {  	_ =	shalt  }
0x62: {  	_ =	shalt  }
0x63: {  	_ =	shalt  }
0x64: {  	_ =	shalt  }
0x65: {  	_ =	shalt  }
0x66: {  	_ =	shalt  }
0x67: {  	_ =	shalt  }
0x68: {  	_ =	shalt  }
0x69: {  	_ =	shalt  }
0x6a: {  	_ =	shalt  }
0x6b: {  	_ =	shalt  }
0x6c: {  	_ =	shalt  }
0x6d: {  	_ =	shalt  }
0x6e: {  	_ =	shalt  }
0x6f: {  	_ =	shalt  }
0x70: {  	_ =	shalt  }
0x71: {  	_ =	shalt  }
0x72: {  	_ =	shalt  }
0x73: {  	_ =	shalt  }
0x74: {  	_ =	shalt  }
0x75: {  	_ =	shalt  }
0x76: {  	_ =	shalt  }
0x77: {  	_ =	shalt  }
0x78: {  	_ =	shalt  }
0x79: {  	_ =	shalt  }
0x7a: {  	_ =	shalt  }
0x7b: {  	_ =	shalt  }
0x7c: {  	_ =	shalt  }
0x7d: {  	_ =	shalt  }
0x7e: {  	_ =	shalt  }
0x7f: {  	_ =	shalt  }
0x80: {  	_ =	shalt  }
0x81: {  	_ =	shalt  }
0x82: {  	_ =	shalt  }
0x83: {  	_ =	shalt  }
0x84: {  	_ =	shalt  }
0x85: {  	_ =	shalt  }
0x86: {  	_ =	shalt  }
0x87: {  	_ =	shalt  }
.Lfunc_end0:
.L_simem_size_0:
called_computation_lowered:
.L_overlay_start_0:
0x88: {  	s2 =	sld [smem:$0x3FD9]  }
0x89: {  	s3 =	sld [smem:$0x3FFE];
	_ =	sdelay $0x1  }
0x8a: {  	s1 =	srdreg.scid  }
0x8b: {  	s0 =	sand.u32 $0x1, s1  }
0x8c: {  	s17 =	sshll.u32 s0, $0xA;
	s2 =	sadd.s32 s3, s2  }
0x8d: {  	s2 =	sadd.s32 s2, s17  }
0x8e: {  	[smem:$0x3FB9] =	sst s2  }
0x8f: {  	_ = 	snop  }
0x90: {  	(tm) =	ssettm $0x1  }
0x91: {  	s18 =	sld [smem:$0x3FFB];
	_ =	sdelay $0x3  }
0x92: {  	_ =	strace s18  }
0x93: {  	s2 =	sld [smem:$0x3FFC];
	_ =	sdelay $0x3  }
0x94: {  	_ =	strace s2  }
0x95: {  	s2 =	sld [smem:$0x3FFD];
	_ =	sdelay $0x3  }
0x96: {  	_ =	strace s2  }
0x97: {  	_ =	strace $0x8FFFFFFF  }
0x98: {  	s19 =	sld [smem:$0x3FDB];
	_ =	sdelay $0x1  }
0x99: {  	s20 =	simm.s32 $_scs_section_size  }
0x9a: {  	s4 =	simm.s32 $_size__tile_overlayer_lowered;
	s5 =	simm.s32 $_tile_overlayer_lowered  }
0x9b: {  	s6 =	simm.s32 $0x1BFF;
	s21 =	sshll.u32 s5, $0x1;
	s3 =	sadd.s32 s20, s19  }
0x9c: {  	s22 =	simm.s32 $0x0;
	s4 =	sshll.u32 s4, $0x1;
	s5 =	sadd.s32 s21, s3  }
0x9d: {  	[timem:s22], [sflag:s6] =	dma.local [hbm:s5], s4  }
0x9e: {  	_ =	swait.ge [sflag:s6], s4  }
0x9f: {  	s4 =	ssub.s32 $0x0, s4;
	[sflag:s6] =	ssyncset.done $0x0  }
0xa0: {  	[sflag:s6] =	ssyncadd.s32 s4;
	_ =	sdelay $0x1  }
0xa1: {  	s23 =	simm.s32 $0x1B8B  }
0xa2: {  	_ =	swait.ge [sflag:s23], $0x1  }
0xa3: {  	[sflag:s23] =	ssyncset.done $0x0  }
0xa4: {  	[sflag:s23] =	ssyncadd.s32 $0xFFFFFFFF  }
0xa5: {  	s4 =	sld [smem:$0x0]  }
0xa6: {  	s5 =	sand.u32 $0xFFFFFFFE, s1  }
0xa7: {  	p0 =	sne.s32 s1, s5  }
0xa8: {  	s5 =	sshll.u32 @p0 s5, $0xE  }
0xa9: {  	s5 =	sadd.s32 @p0 $0x11B8D, s5;
	s6 =	sshll.u32 @p0 s4, $0x11  }
0xaa: {  	s5 =	sor.u32 @p0 s6, s5  }
0xab: {  	[sflag:s5] =	ssyncadd.remote.s32 @p0 $0x1;
	_ =	sdelay $0x1  }
0xac: {  	s5 =	simm.s32 @p0 $0x1B8D  }
0xad: {  	_ =	swait.eq @p0 [sflag:s5], $0x1  }
0xae: {  	[sflag:s5] =	ssyncadd.s32 @p0 $0xFFFFFFFF  }
0xaf: {  	s6 =	sshll.u32 @!p0 s1, $0xE  }
0xb0: {  	s6 =	sor.u32 @!p0 $0x4000, s6;
	s5 =	simm.s32 @!p0 $0x1B8D  }
0xb1: {  	s4 =	sshll.u32 @!p0 s4, $0x11;
	s6 =	sadd.s32 @!p0 $0x11B8D, s6;
	_ =	swait.eq @!p0 [sflag:s5], $0x1  }
0xb2: {  	s4 =	sor.u32 @!p0 s4, s6;
	[sflag:s5] =	ssyncadd.s32 @!p0 $0xFFFFFFFF  }
0xb3: {  	s25 =	simm.s32 $0x1B8E;
	s24 =	sld [smem:$0x3FFE];
	[sflag:s4] =	ssyncadd.remote.s32 @!p0 $0x1  }
0xb4: {  	s26 =	simm.s32 $execute0_lowered;
	[smem:$0x3FD2] =	sst s25  }
0xb5: {  	s5 =	sshll.u32 s26, $0x1;
	_ =	strace $0x80000049;
	[dreg:$0x1] =	wrdreg $0xFFFFFFFF  }
0xb6: {  	s28 =	simm.s32 $_size_execute0_lowered;
	s3 =	sadd.s32 s3, s5;
	[dreg:$0x0] =	wrdreg $0x0  }
0xb7: {  	s5 =	sshll.u32 s28, $0x1;
	[dreg:$0x2] =	wrdreg s3  }
0xb8: {  	[dreg:$0x3] =	wrdreg s5  }
0xb9: {  	[dreg:$0x4] =	wrdreg $0xC0  }
0xba: {  	_ =	task [dreg:s22], $0x5FFFF  }
0xbb: {  	[dreg:$0x1] =	wrdreg $0xFFFFFFFF  }
0xbc: {  	[dreg:$0x0] =	wrdreg $0x60  }
0xbd: {  	[dreg:$0x2] =	wrdreg s24  }
0xbe: {  	[dreg:$0x3] =	wrdreg $0x68000  }
0xbf: {  	[dreg:$0x4] =	wrdreg $0x9  }
0xc0: {  	_ =	task.clear_ibuf [dreg:s22], $0x5FFFF;
	_ =	strace $0x90000049  }
0xc1: {  	s29 =	simm.s32 $0x9;
	_ =	strace $0x8000004B  }
0xc2: {  	_ =	swait.ge [sflag:s29], $0x1  }
0xc3: {  	[sflag:s29] =	ssyncadd.s32 $0xFFFFFFFF  }
0xc4: {  	_ =	strace $0x9000004B  }
0xc5: {  	_ =	sfence  }
0xc6: {  	s30 =	sld [smem:$0x0];
	_ =	sdelay $0x2  }
0xc7: {  	s31 =	sshll.u32 s1, $0xD;
	s1 =	sshrl.u32 s1, $0x2  }
0xc8: {  	s4 =	sand.u32 $0x4000, s31;
	s1 =	sadd.s32 s1, s30  }
0xc9: {  	s0 =	sor.u32 s4, s0;
	s1 =	sshll.u32 s1, $0x11  }
0xca: {  	s0 =	sor.u32 s1, s0  }
0xcb: {  	s0 =	sadd.s32 $0x8F2B, s0  }
0xcc: {  	[sflag:s0] =	ssyncadd.remote.s32 $0x1  }
0xcd: {  	_ =	sfence.sel $0xFFFF  }
0xce: {  	[dreg:$0x0] =	wrdreg $0xFFFFFFFF;
	(pc) =	sbr.abs _section_cstart, $3  }
0xcf: {  	[dreg:$0x1] =	wrdreg $0xFFFFFFFF  }
0xd0: {  	_ =	task.clear_ibuf [dreg:s22], $0x2FFFF;
	_ =	strace $0x9FFFFFFF  }
0xd1: {  	(tm) =	ssettm $0x7FFFFFFF  }
tec
execute0_lowered:
.L_overlay_start_1:
0x0: {  	(tag) =	ssettag $0x1  }
0x1: {  	s0 =	srdreg.scid;
	s5 =	rddreg [dreg:$0x0]  }
0x2: {  	s2 =	rddreg [dreg:$0x1];
	s3 =	simm.s32 $0x0;
	s12 =	simm.s32 $0x1  }
0x3: {  	s13 =	simm.s32 $0x2800;
	s14 =	simm.s32 $0x80;
	s4 =	sand.u32 $0x1, s0  }
0x4: {  	s17 =	simm.s32 $0x0;
	s0 =	stileid.u32;
	s7 =	smul.u32 $0x140000, s4  }
0x5: {  	[smem:$0x7FF] =	sst s3;
	s1 =	sshll.u32 s4, $0x4;
	s8 =	smul.u32 $0x14000, s0  }
0x6: {  	s9 =	smul.u32 $0x50000, s0;
	s29 =	ssub.s32 $0x2, s4;
	s15 =	sshll.u32 s0, $0x6  }
0x7: {  	s1 =	sor.u32 s0, s1;
	s31 =	sshrl.u32 s29, $0x1;
	s15 =	sor.u32 $0x1C01, s15  }
0x8: {  	s6 =	smul.u32 $0x500, s1;
	s1 =	rddreg [dreg:$0x2];
	_ =	strace $0x8000004A  }
0x9: {  	s7 =	sadd.s32 s8, s7;
	s30 =	sshrl.u32 s9, $0x2;
	s11 =	ssub.s32 s29, s31  }
0xa: {  	s7 =	sshrl.u32 s7, $0x3;
	s4 =	sadd.s32 s30, s2;
	s11 =	smax.u32 s11, $0x1  }
0xb: {  	s6 =	sadd.s32 s6, s5;
	s10 =	sadd.s32 s7, s5;
	s7 =	sadd.s32 $0x8000, s4  }
0xc: {  	s8 =	sadd.s32 $0xC000, s4;
	s9 =	sadd.s32 $0x10000, s4;
	s16 =	sshrl.u32 s4, $0x3  }
0xd: {  	v0 =	vimm.f32 $0.0e+00;
	v1 =	vimm.f32 $1.000000000e+00;
	s5 =	sadd.s32 $0x3E00, s6;
	s6 =	sadd.s32 $0x4000, s4;
	s10 =	sadd.s32 $0x68200, s10  }
.LBB2_1:
0xe: {  	[tilespmem:s3], [sflag:$0x1] =	stream.linear.gather [hbm4b:s5+s3], $0x2800, $0x38;
	[tilespmem:$0x1A800] =	vst v63  }
0xf: {  	_ =	swait.ge [sflag:s12], $0x2800  }
0x10: {  	[sflag:s12] =	ssyncset.done $0x0  }
0x11: {  	s18 =	simm.s32 $0x0;
	s19 =	simm.s32 $0x200;
	[sflag:s12] =	ssyncadd.s32 $0xFFFFD800  }
.LBB2_2:
0x12: {  	p0 =	sne.s32 s19, $0xFE00;
	[tilespmem:s18+$0x2870] =	vst v0  }
0x13: {  	[tilespmem:s18+$0x2800] =	vst v0  }
0x14: {  	[tilespmem:s18+$0x2810] =	vst v0  }
.Ltmp0:
0x15: {  	[tilespmem:s18+$0x2820] =	vst v0;
	(pc) =	sbr.rel @p0 .LBB2_2-.Ltmp0, $4  }
0x16: {  	[tilespmem:s18+$0x2830] =	vst v0  }
0x17: {  	[tilespmem:s18+$0x2840] =	vst v0  }
0x18: {  	[tilespmem:s18+$0x2850] =	vst v0  }
0x19: {  	[tilespmem:s18+$0x2860] =	vst v0;
	s18 =	sshra.s32 s19, $0x2;
	s19 =	sadd.s32 $0x200, s19  }
0x1a: {  	[tilespmem:s18+$0x2870] =	vst v0  }
0x1b: {  	[tilespmem:s18+$0x2800] =	vst v0  }
0x1c: {  	[tilespmem:s18+$0x2810] =	vst v0  }
0x1d: {  	[tilespmem:s18+$0x2820] =	vst v0  }
0x1e: {  	[tilespmem:s18+$0x2830] =	vst v0  }
0x1f: {  	[tilespmem:s18+$0x2840] =	vst v0  }
0x20: {  	[tilespmem:s18+$0x2850] =	vst v0  }
0x21: {  	[tilespmem:s18+$0x2860] =	vst v0  }
0x22: {  	[spmem:s4] =	stream.linear.scatter [tilespmem:s13], [sflag:$0x1], $0x4000, $0x38;
	[tilespmem:$0x1A800] =	vst v63  }
0x23: {  	_ =	swait.ge [sflag:s12], $0x4000  }
0x24: {  	[sflag:s12] =	ssyncset.done $0x0  }
0x25: {  	[sflag:s12] =	ssyncadd.s32 $0xFFFFC000  }
0x26: {  	[spmem:s6] =	stream.linear.scatter [tilespmem:s13], [sflag:$0x1], $0x4000, $0x38;
	[tilespmem:$0x1A800] =	vst v63  }
0x27: {  	_ =	swait.ge [sflag:s12], $0x4000  }
0x28: {  	[sflag:s12] =	ssyncset.done $0x0  }
0x29: {  	[sflag:s12] =	ssyncadd.s32 $0xFFFFC000  }
0x2a: {  	[spmem:s7] =	stream.linear.scatter [tilespmem:s13], [sflag:$0x1], $0x4000, $0x38;
	[tilespmem:$0x1A800] =	vst v63  }
0x2b: {  	_ =	swait.ge [sflag:s12], $0x4000  }
0x2c: {  	[sflag:s12] =	ssyncset.done $0x0  }
0x2d: {  	[sflag:s12] =	ssyncadd.s32 $0xFFFFC000  }
0x2e: {  	[spmem:s8] =	stream.linear.scatter [tilespmem:s13], [sflag:$0x1], $0x4000, $0x38;
	[tilespmem:$0x1A800] =	vst v63  }
0x2f: {  	_ =	swait.ge [sflag:s12], $0x4000  }
0x30: {  	[sflag:s12] =	ssyncset.done $0x0  }
0x31: {  	[sflag:s12] =	ssyncadd.s32 $0xFFFFC000  }
0x32: {  	[spmem:s9] =	stream.linear.scatter [tilespmem:s13], [sflag:$0x1], $0x4000, $0x38;
	[tilespmem:$0x1A800] =	vst v63  }
0x33: {  	_ =	swait.ge [sflag:s12], $0x4000  }
0x34: {  	[sflag:s12] =	ssyncset.done $0x0  }
0x35: {  	s18 =	simm.s32 $0x200;
	s19 =	simm.s32 $0x0;
	[sflag:s12] =	ssyncadd.s32 $0xFFFFC000  }
.LBB2_4:
0x36: {  	p0 =	sne.s32 s18, $0xFE00;
	[tilespmem:s19+$0x2800] =	vst v1;
	s19 =	smov.u32 s18;
	s18 =	sadd.s32 $0x200, s18  }
.Ltmp1:
0x37: {  	(pc) =	sbr.rel @p0 .LBB2_4-.Ltmp1, $2  }
0x38: {  	_ =	sdelay $0x2  }
0x39: {  	s19 =	sshra.s32 s19, $0x2  }
0x3a: {  	[tilespmem:s19+$0x2800] =	vst v1  }
0x3b: {  	s18 =	simm.s32 $0x0;
	[bflag:$0x0] =	sbarrier.arrive $0xFFFF  }
0x3c: {  	[spmem:s2] =	stream.indirect.scatter.add.f32 [tilespmem:s13], [sflag:$0x1], $0x80, s18, s14, $0xb8;
	[tilespmem:$0x1A800] =	vst v63  }
0x3d: {  	_ =	swait.ge [sflag:s12], $0x4000  }
0x3e: {  	s18 =	simm.s32 $0x200;
	[sflag:s12] =	ssyncset.done $0x0  }
.LBB2_6:
0x3f: {  	s19 =	sshra.s32 s18, $0x2;
	[sflag:s12] =	ssyncadd.s32 $0xFFFFC000;
	p0 =	sne.s32 s18, $0x9E00  }
0x40: {  	[spmem:s2] =	stream.indirect.scatter.add.f32 [tilespmem:s13], [sflag:$0x1], $0x80, s19, s14, $0xb8;
	[tilespmem:$0x1A800] =	vst v63  }
.Ltmp2:
0x41: {  	_ = 	snop;
	(pc) =	sbr.rel @p0 .LBB2_6-.Ltmp2, $4  }
0x42: {  	_ = 	snop  }
0x43: {  	s18 =	sadd.s32 $0x200, s18  }
0x44: {  	_ =	swait.ge [sflag:s12], $0x4000  }
0x45: {  	[sflag:s12] =	ssyncset.done $0x0  }
0x46: {  	s17 =	sadd.s32 $0x1, s17  }
0x47: {  	[sflag:s12] =	ssyncadd.s32 $0xFFFFC000;
	p0 =	sne.s32 s17, s11  }
.Ltmp3:
0x48: {  	[bflag:$0x0] =	sbarrier.arrive $0xFFFF;
	(pc) =	sbr.rel @p0 .LBB2_1-.Ltmp3, $4  }
0x49: {  	[hbm:s10], [sflag:s15] =	dma.local [spmem:s16], $0x2800  }
0x4a: {  	_ =	swait.ge [sflag:s12], $0x2800  }
0x4b: {  	[sflag:s12] =	ssyncset.done $0x0  }
0x4c: {  	[sflag:s12] =	ssyncadd.s32 $0xFFFFD800  }
0x4d: {  	_ =	sfence.sel $0x180000  }
0x4e: {  	[bflag:$0x0] =	sbarrier.arrive $0xFFFF  }
0x4f: {  	p0 =	sne.s32 s0, $0x0;
	_ =	strace $0x9000004A  }
0x50: {  	s0 =	sadd.s32 @!p0 $0x100000, s1;
	[bflag:$0x2] =	sbarrier.arrive $0xFFFF  }
0x51: {  	[sflag:s0] =	ssyncadd.tile.s32 @!p0 $0x1;
	_ =	shalt  }
.Lfunc_end2:
_tile_overlayer_lowered:
.L_overlay_start_2:
0x52: {  	(tag) =	ssettag $0x2  }
0x53: {  	s0 =	rddreg [dreg:$0x0];
	s2 =	stileid.u32  }
0x54: {  	s1 =	rddreg [dreg:$0x1];
	p0 =	sne.s32 s2, $0x0  }
0x55: {  	s3 =	rddreg [dreg:$0x2];
	[bflag:$0x3] =	sbarrier.arrive $0xFFFF;
	s2 =	simm.s32 @!p0 $0x1C01  }
0x56: {  	[timem:s3], [sflag:s2] =	dma.local @!p0 [hbm:s0], s1  }
0x57: {  	s0 =	simm.s32 @!p0 $0x1  }
0x58: {  	_ =	swait.ge @!p0 [sflag:s0], s1  }
0x59: {  	s1 =	ssub.s32 @!p0 $0x0, s1;
	[sflag:s0] =	ssyncset.done @!p0 $0x0  }
0x5a: {  	[sflag:s0] =	ssyncadd.s32 @!p0 s1  }
0x5b: {  	[bflag:$0x3] =	sbarrier.arrive $0xFFFF  }
0x5c: {  	_ =	shalt  }

// kernel: kernel.14.cloned.1.call-start
scs
__scs_entry_jumppad:
0x0: {  	(pc) =	sbr.rel $0x88, $3  }
0x1: {  	(tag) =	ssettag $0x0;
	lr =	simm.s32 $0x1  }
0x2: {  	[smem:$0x3F92] =	sst lr;
	_ =	strace $0xD0000000  }
0x3: {  	_ = 	snop  }
0x4: {  	_ = 	snop  }
0x5: {  	_ = 	snop  }
0x6: {  	_ = 	snop  }
0x7: {  	_ = 	snop  }
__scs_overlays_trampoline_lowered:
0x8: {  	[smem:$0x3FA1] =	sst s0  }
0x9: {  	[smem:$0x3FA2] =	sst s1  }
0xa: {  	[smem:$0x3FA3] =	sst s2  }
0xb: {  	[smem:$0x3FA4] =	sst s3  }
0xc: {  	[smem:$0x3FA5] =	sst s4  }
0xd: {  	[smem:$0x3FA6] =	sst s5  }
0xe: {  	[smem:$0x3FA7] =	sst s6  }
0xf: {  	[smem:$0x3FA8] =	sst s7  }
0x10: {  	[smem:$0x3FA9] =	sst s8  }
0x11: {  	[smem:$0x3FAA] =	sst s9;
	s0 =	simm.s32 @!p0 $0x0  }
0x12: {  	s1 =	sld [smem:$0x3F90];
	s0 =	simm.s32 @p0 $0x1  }
0x13: {  	[smem:$0x3FAB] =	sst s0;
	s0 =	simm.s32 @!p1 $0x0  }
0x14: {  	s2 =	sld [smem:$0x3F8F];
	s0 =	simm.s32 @p1 $0x1  }
0x15: {  	[smem:$0x3FAC] =	sst s0;
	s0 =	simm.s32 @!p2 $0x0  }
0x16: {  	s3 =	sld [smem:$0x3FDB];
	s0 =	simm.s32 @p2 $0x1  }
0x17: {  	s4 =	simm.s32 $0x1BF5;
	[smem:$0x3FAE] =	sst s0  }
0x18: {  	s0 =	sld [smem:$0x3F91];
	_ =	swait.ge [sflag:s4], $0x0  }
0x19: {  	s7 =	sld [smem:$0x3F92]  }
0x1a: {  	s8 =	sadd.s32 $0xFFFFE003, lr  }
0x1b: {  	s9 =	sadd.s32 $0xFFFFFEF7, lr;
	s5 =	simm.s32 $0xFFFFFFFF;
	p2 =	slt.u32 s8, $0xFFFFF086  }
0x1c: {  	p1 =	slt.u32 s9, $0xF7A;
	s5 =	simm.s32 @!p2 $0x0  }
0x1d: {  	s5 =	simm.s32 @p1 $0x1;
	p0 =	seq.s32 s7, s2  }
0x1e: {  	s7 =	smul.u32 @!p0 $0xF7A, s2;
	p2 =	seq.s32 @!p0 s5, $0x0  }
0x1f: {  	s9 =	smul.u32 $0xF7A, s1;
	s8 =	simm.s32 @!p0 $0x1BF5;
	p2 =	por !p2, p0  }
0x20: {  	[sflag:s8] =	ssyncset.s32 @!p0 $0xFFFFF086;
	s6 =	sadd.s32 @!p0 s3, s7;
	s7 =	simm.s32 @!p0 $0x108  }
0x21: {  	s3 =	sadd.s32 s3, s9;
	s6 =	sadd.s32 @!p0 $0x88, s6;
	s7 =	simm.s32 @p2 $0x1082  }
0x22: {  	[simem:s7], [sflag:s8] =	dma.local @!p0 [hbm:s6], $0xF7A  }
0x23: {  	s9 =	sor.u32 $0xD0000000, s2;
	s6 =	simm.s32 $0x108;
	_ =	swait.ge @!p0 [sflag:s8], $0x0  }
0x24: {  	s3 =	sadd.s32 $0x88, s3;
	s6 =	simm.s32 @!p1 $0x1082;
	[sflag:s4] =	ssyncset.s32 $0xFFFFF086  }
0x25: {  	[simem:s6], [sflag:s4] =	dma.local [hbm:s3], $0xF7A  }
0x26: {  	[smem:$0x3F92] =	sst s1;
	(tag) =	ssettag s2;
	_ =	strace s9  }
0x27: {  	s1 =	sld [smem:$0x3FA2]  }
0x28: {  	s2 =	sld [smem:$0x3FA3]  }
0x29: {  	s4 =	sld [smem:$0x3FA5]  }
0x2a: {  	p0 =	seq.s32 s5, $0x0;
	s5 =	sld [smem:$0x3FA6]  }
0x2b: {  	s6 =	sld [smem:$0x3FA7]  }
0x2c: {  	s7 =	sld [smem:$0x3FA8]  }
0x2d: {  	s3 =	simm.s32 $0x108;
	s8 =	sld [smem:$0x3FA9]  }
0x2e: {  	s3 =	simm.s32 @!p0 $0x1082;
	s9 =	sld [smem:$0x3FAA]  }
0x2f: {  	lr =	sadd.s32 s0, s3;
	s0 =	sld [smem:$0x3FA1]  }
0x30: {  	s3 =	sld [smem:$0x3FA4]  }
0x31: {  	[smem:$0x3FAD] =	sst s10  }
0x32: {  	s10 =	sld [smem:$0x3FAB];
	_ =	sdelay $0x3  }
0x33: {  	p0 =	seq.s32 s10, $0x1;
	s10 =	sld [smem:$0x3FAD];
	_ =	sdelay $0x3  }
0x34: {  	[smem:$0x3FAD] =	sst s10  }
0x35: {  	s10 =	sld [smem:$0x3FAC];
	_ =	sdelay $0x3  }
0x36: {  	p1 =	seq.s32 s10, $0x1;
	s10 =	sld [smem:$0x3FAD];
	_ =	sdelay $0x3  }
0x37: {  	[smem:$0x3FAD] =	sst s10  }
0x38: {  	s10 =	sld [smem:$0x3FAE]  }
0x39: {  	_ = 	snop;
	(pc) =	sbr.ind lr, $3  }
0x3a: {  	_ = 	snop  }
0x3b: {  	_ = 	snop  }
0x3c: {  	p2 =	seq.s32 s10, $0x1;
	s10 =	sld [smem:$0x3FAD]  }
0x3d: {  	_ =	shalt  }
0x3e: {  	_ =	shalt  }
0x3f: {  	_ =	shalt  }
0x40: {  	_ =	shalt  }
0x41: {  	_ =	shalt  }
0x42: {  	_ =	shalt  }
0x43: {  	_ =	shalt  }
0x44: {  	_ =	shalt  }
0x45: {  	_ =	shalt  }
0x46: {  	_ =	shalt  }
0x47: {  	_ =	shalt  }
0x48: {  	_ =	shalt  }
0x49: {  	_ =	shalt  }
0x4a: {  	_ =	shalt  }
0x4b: {  	_ =	shalt  }
0x4c: {  	_ =	shalt  }
0x4d: {  	_ =	shalt  }
0x4e: {  	_ =	shalt  }
0x4f: {  	_ =	shalt  }
0x50: {  	_ =	shalt  }
0x51: {  	_ =	shalt  }
0x52: {  	_ =	shalt  }
0x53: {  	_ =	shalt  }
0x54: {  	_ =	shalt  }
0x55: {  	_ =	shalt  }
0x56: {  	_ =	shalt  }
0x57: {  	_ =	shalt  }
0x58: {  	_ =	shalt  }
0x59: {  	_ =	shalt  }
0x5a: {  	_ =	shalt  }
0x5b: {  	_ =	shalt  }
0x5c: {  	_ =	shalt  }
0x5d: {  	_ =	shalt  }
0x5e: {  	_ =	shalt  }
0x5f: {  	_ =	shalt  }
0x60: {  	_ =	shalt  }
0x61: {  	_ =	shalt  }
0x62: {  	_ =	shalt  }
0x63: {  	_ =	shalt  }
0x64: {  	_ =	shalt  }
0x65: {  	_ =	shalt  }
0x66: {  	_ =	shalt  }
0x67: {  	_ =	shalt  }
0x68: {  	_ =	shalt  }
0x69: {  	_ =	shalt  }
0x6a: {  	_ =	shalt  }
0x6b: {  	_ =	shalt  }
0x6c: {  	_ =	shalt  }
0x6d: {  	_ =	shalt  }
0x6e: {  	_ =	shalt  }
0x6f: {  	_ =	shalt  }
0x70: {  	_ =	shalt  }
0x71: {  	_ =	shalt  }
0x72: {  	_ =	shalt  }
0x73: {  	_ =	shalt  }
0x74: {  	_ =	shalt  }
0x75: {  	_ =	shalt  }
0x76: {  	_ =	shalt  }
0x77: {  	_ =	shalt  }
0x78: {  	_ =	shalt  }
0x79: {  	_ =	shalt  }
0x7a: {  	_ =	shalt  }
0x7b: {  	_ =	shalt  }
0x7c: {  	_ =	shalt  }
0x7d: {  	_ =	shalt  }
0x7e: {  	_ =	shalt  }
0x7f: {  	_ =	shalt  }
0x80: {  	_ =	shalt  }
0x81: {  	_ =	shalt  }
0x82: {  	_ =	shalt  }
0x83: {  	_ =	shalt  }
0x84: {  	_ =	shalt  }
0x85: {  	_ =	shalt  }
0x86: {  	_ =	shalt  }
0x87: {  	_ =	shalt  }
.Lfunc_end0:
.L_simem_size_0:
called_computation.1_lowered:
.L_overlay_start_0:
0x88: {  	s2 =	sld [smem:$0x3FD9]  }
0x89: {  	s3 =	sld [smem:$0x3FFE];
	_ =	sdelay $0x1  }
0x8a: {  	s1 =	srdreg.scid  }
0x8b: {  	s0 =	sand.u32 $0x1, s1  }
0x8c: {  	s17 =	sshll.u32 s0, $0xA;
	s2 =	sadd.s32 s3, s2  }
0x8d: {  	s2 =	sadd.s32 s2, s17  }
0x8e: {  	[smem:$0x3FB9] =	sst s2  }
0x8f: {  	_ = 	snop  }
0x90: {  	s2 =	sld [smem:$0x3FC9];
	(tm) =	ssettm $0x1  }
0x91: {  	s18 =	sld [smem:$0x3FFB];
	_ =	sdelay $0x3  }
0x92: {  	_ =	strace s18  }
0x93: {  	s3 =	sld [smem:$0x3FFC];
	_ =	sdelay $0x3  }
0x94: {  	_ =	strace s3  }
0x95: {  	s3 =	sld [smem:$0x3FFD];
	_ =	sdelay $0x3  }
0x96: {  	_ =	strace s3  }
0x97: {  	_ =	strace $0x8FFFFFFF  }
0x98: {  	s19 =	sld [smem:$0x3FDB];
	_ =	sdelay $0x1  }
0x99: {  	s4 =	simm.s32 $_scs_section_size  }
0x9a: {  	s5 =	simm.s32 $_size__tile_overlayer_lowered;
	s6 =	simm.s32 $_tile_overlayer_lowered  }
0x9b: {  	s22 =	simm.s32 $0x1BFF;
	s21 =	sshll.u32 s6, $0x1;
	s3 =	sadd.s32 s4, s19  }
0x9c: {  	s7 =	simm.s32 $0x0;
	s20 =	sshll.u32 s5, $0x1;
	s5 =	sadd.s32 s21, s3  }
0x9d: {  	[timem:s7], [sflag:s22] =	dma.local [hbm:s5], s20  }
0x9e: {  	_ =	swait.ge [sflag:s22], s20  }
0x9f: {  	s4 =	ssub.s32 $0x0, s20;
	[sflag:s22] =	ssyncset.done $0x0  }
0xa0: {  	[sflag:s22] =	ssyncadd.s32 s4;
	_ =	sdelay $0x1  }
0xa1: {  	s23 =	simm.s32 $0x1B8B  }
0xa2: {  	_ =	swait.ge [sflag:s23], $0x1  }
0xa3: {  	[sflag:s23] =	ssyncset.done $0x0  }
0xa4: {  	s25 =	simm.s32 $0x1B8E;
	s24 =	sld [smem:$0x3FFE];
	[sflag:s23] =	ssyncadd.s32 $0xFFFFFFFF  }
0xa5: {  	s26 =	simm.s32 $execute0_lowered;
	[smem:$0x3FD2] =	sst s25  }
0xa6: {  	s5 =	sshll.u32 s26, $0x1;
	_ =	strace $0x80000046;
	[dreg:$0x1] =	wrdreg $0xFFFFFFFF  }
0xa7: {  	s28 =	simm.s32 $_size_execute0_lowered;
	s3 =	sadd.s32 s3, s5;
	[dreg:$0x0] =	wrdreg $0x0  }
0xa8: {  	s5 =	sshll.u32 s28, $0x1;
	[dreg:$0x2] =	wrdreg s3  }
0xa9: {  	[dreg:$0x3] =	wrdreg s5  }
0xaa: {  	[dreg:$0x4] =	wrdreg $0xC0  }
0xab: {  	_ =	task [dreg:s7], $0x5FFFF  }
0xac: {  	[dreg:$0x1] =	wrdreg $0xFFFFFFFF  }
0xad: {  	[dreg:$0x0] =	wrdreg $0x60  }
0xae: {  	[dreg:$0x2] =	wrdreg s2  }
0xaf: {  	[dreg:$0x3] =	wrdreg s24  }
0xb0: {  	[dreg:$0x4] =	wrdreg $0xA0000  }
0xb1: {  	[dreg:$0x5] =	wrdreg $0xA  }
0xb2: {  	_ =	task.clear_ibuf [dreg:s7], $0x6FFFF;
	_ =	strace $0x90000046  }
0xb3: {  	s29 =	simm.s32 $0xA;
	_ =	strace $0x80000048  }
0xb4: {  	_ =	swait.ge [sflag:s29], $0x1  }
0xb5: {  	[sflag:s29] =	ssyncadd.s32 $0xFFFFFFFF  }
0xb6: {  	_ =	strace $0x90000048  }
0xb7: {  	_ =	sfence  }
0xb8: {  	s30 =	sld [smem:$0x0];
	_ =	sdelay $0x2  }
0xb9: {  	s31 =	sshll.u32 s1, $0xD;
	s1 =	sshrl.u32 s1, $0x2  }
0xba: {  	s3 =	sand.u32 $0x4000, s31;
	s1 =	sadd.s32 s1, s30  }
0xbb: {  	s0 =	sor.u32 s3, s0;
	s1 =	sshll.u32 s1, $0x11  }
0xbc: {  	s0 =	sor.u32 s1, s0  }
0xbd: {  	s0 =	sadd.s32 $0x8F2B, s0  }
0xbe: {  	[sflag:s0] =	ssyncadd.remote.s32 $0x1  }
0xbf: {  	_ =	sfence.sel $0xFFFF  }
0xc0: {  	[dreg:$0x0] =	wrdreg $0xFFFFFFFF;
	(pc) =	sbr.abs _section_cstart, $3  }
0xc1: {  	[dreg:$0x1] =	wrdreg $0xFFFFFFFF  }
0xc2: {  	_ =	task.clear_ibuf [dreg:s7], $0x2FFFF;
	_ =	strace $0x9FFFFFFF  }
0xc3: {  	(tm) =	ssettm $0x7FFFFFFF  }
tec
execute0_lowered:
.L_overlay_start_1:
0x0: {  	(tag) =	ssettag $0x1  }
0x1: {  	s0 =	rddreg [dreg:$0x0]  }
0x2: {  	s6 =	rddreg [dreg:$0x1]  }
0x3: {  	s1 =	srdreg.scid;
	s3 =	rddreg [dreg:$0x2]  }
0x4: {  	s2 =	stileid.u32;
	s4 =	simm.s32 $0x0;
	s17 =	simm.s32 $0x2  }
0x5: {  	s18 =	simm.s32 $0x3000;
	s19 =	simm.s32 $0x80;
	s20 =	simm.s32 $0x1  }
0x6: {  	s10 =	sand.u32 $0x1, s1;
	s1 =	rddreg [dreg:$0x3];
	s7 =	smul.u32 $0x14000, s2  }
0x7: {  	[smem:$0x7FF] =	sst s4;
	s8 =	smul.u32 $0x50000, s2;
	s12 =	sadd.s32 $0xE000, s6  }
0x8: {  	s13 =	sadd.s32 $0x3E00, s6;
	s31 =	smul.u32 $0x600, s2;
	s16 =	sshll.u32 s2, $0xA  }
0x9: {  	s5 =	smul.u32 $0x140000, s10;
	_ =	strace $0x80000047;
	s30 =	ssub.s32 $0x2, s10  }
0xa: {  	p0 =	seq.s32 s10, $0x1;
	s16 =	sadd.s32 $0x6000, s16;
	s8 =	sshrl.u32 s8, $0x2  }
0xb: {  	s11 =	sshrl.u32 s30, $0x1;
	s10 =	sadd.s32 s12, s31;
	s12 =	sadd.s32 s12, s16  }
.Ltmp0:
0xc: {  	s5 =	sadd.s32 s7, s5;
	s15 =	ssub.s32 s30, s11;
	(pc) =	sbr.rel .LBB2_1-.Ltmp0, $4  }
0xd: {  	s11 =	sadd.s32 s13, s31;
	s13 =	sadd.s32 s13, s16;
	s16 =	simm.s32 $0x6000  }
0xe: {  	s9 =	sshrl.u32 s5, $0x3;
	s5 =	sadd.s32 s8, s3;
	s15 =	smax.u32 s15, $0x1  }
0xf: {  	s14 =	sadd.s32 s9, s6;
	s6 =	sadd.s32 $0x4000, s5;
	s7 =	sadd.s32 $0x8000, s5  }
0x10: {  	v0 =	vimm.f32 $0.0e+00;
	s8 =	sadd.s32 $0xC000, s5;
	s9 =	sadd.s32 $0x10000, s5;
	s14 =	sadd.s32 $0x18200, s14  }
.LBB2_6:
0x11: {  	s21 =	sshra.s32 s21, $0x2;
	[sflag:s17] =	ssyncadd.s32 $0xFFFFC000  }
0x12: {  	[tilespmem:s16], [sflag:$0x1] =	stream.indirect.gather [hbm4b:s0+s19], $0x80, s21, s19, $0xb8;
	[tilespmem:$0x1E000] =	vst v63  }
0x13: {  	_ =	swait.ge [sflag:s20], $0x4000  }
0x14: {  	[sflag:s20] =	ssyncset.done $0x0  }
0x15: {  	s21 =	sadd.s32 $0x3000, s21;
	[sflag:s20] =	ssyncadd.s32 $0xFFFFC000  }
0x16: {  	[spmem:s3] =	stream.indirect.scatter.add.f32 [tilespmem:s16], [sflag:$0x2], $0x80, s21, s19, $0xb8;
	[tilespmem:$0x1E000] =	vst v63  }
0x17: {  	_ =	swait.ge [sflag:s17], $0x4000  }
0x18: {  	[sflag:s17] =	ssyncset.done $0x0  }
0x19: {  	[sflag:s17] =	ssyncadd.s32 $0xFFFFC000  }
.LBB2_10:
0x1a: {  	s4 =	sadd.s32 $0x1, s4  }
0x1b: {  	s21 =	sshll.u32 s2, $0x6;
	[bflag:$0x0] =	sbarrier.arrive $0xFFFF;
	p1 =	sne.s32 s4, s15  }
.Ltmp1:
0x1c: {  	s22 =	sshrl.u32 s5, $0x3;
	s21 =	sor.u32 $0x1C02, s21;
	(pc) =	sbr.rel @!p1 .LBB2_11-.Ltmp1, $4  }
0x1d: {  	[hbm:s14], [sflag:s21] =	dma.local [spmem:s22], $0x2800  }
0x1e: {  	_ =	swait.ge [sflag:s17], $0x2800  }
0x1f: {  	[sflag:s17] =	ssyncset.done $0x0  }
0x20: {  	[sflag:s17] =	ssyncadd.s32 $0xFFFFD800  }
.LBB2_1:
0x21: {  	s21 =	simm.s32 $0x0;
	s22 =	simm.s32 $0x200  }
.LBB2_2:
0x22: {  	p1 =	sne.s32 s22, $0xFE00;
	[tilespmem:s21+$0x6070] =	vst v0  }
0x23: {  	[tilespmem:s21+$0x6000] =	vst v0  }
0x24: {  	[tilespmem:s21+$0x6010] =	vst v0  }
.Ltmp2:
0x25: {  	[tilespmem:s21+$0x6020] =	vst v0;
	(pc) =	sbr.rel @p1 .LBB2_2-.Ltmp2, $4  }
0x26: {  	[tilespmem:s21+$0x6030] =	vst v0  }
0x27: {  	[tilespmem:s21+$0x6040] =	vst v0  }
0x28: {  	[tilespmem:s21+$0x6050] =	vst v0  }
0x29: {  	[tilespmem:s21+$0x6060] =	vst v0;
	s21 =	sshra.s32 s22, $0x2;
	s22 =	sadd.s32 $0x200, s22  }
0x2a: {  	[tilespmem:s21+$0x6070] =	vst v0  }
0x2b: {  	[tilespmem:s21+$0x6000] =	vst v0  }
0x2c: {  	[tilespmem:s21+$0x6010] =	vst v0  }
0x2d: {  	[tilespmem:s21+$0x6020] =	vst v0  }
0x2e: {  	[tilespmem:s21+$0x6030] =	vst v0  }
0x2f: {  	[tilespmem:s21+$0x6040] =	vst v0  }
0x30: {  	[tilespmem:s21+$0x6050] =	vst v0  }
0x31: {  	[tilespmem:s21+$0x6060] =	vst v0  }
0x32: {  	[spmem:s5] =	stream.linear.scatter [tilespmem:s16], [sflag:$0x2], $0x4000, $0x38;
	[tilespmem:$0x1E000] =	vst v63  }
0x33: {  	_ =	swait.ge [sflag:s17], $0x4000  }
0x34: {  	[sflag:s17] =	ssyncset.done $0x0  }
0x35: {  	[sflag:s17] =	ssyncadd.s32 $0xFFFFC000  }
0x36: {  	[spmem:s6] =	stream.linear.scatter [tilespmem:s16], [sflag:$0x2], $0x4000, $0x38;
	[tilespmem:$0x1E000] =	vst v63  }
0x37: {  	_ =	swait.ge [sflag:s17], $0x4000  }
0x38: {  	[sflag:s17] =	ssyncset.done $0x0  }
0x39: {  	[sflag:s17] =	ssyncadd.s32 $0xFFFFC000  }
0x3a: {  	[spmem:s7] =	stream.linear.scatter [tilespmem:s16], [sflag:$0x2], $0x4000, $0x38;
	[tilespmem:$0x1E000] =	vst v63  }
0x3b: {  	_ =	swait.ge [sflag:s17], $0x4000  }
0x3c: {  	[sflag:s17] =	ssyncset.done $0x0  }
0x3d: {  	[sflag:s17] =	ssyncadd.s32 $0xFFFFC000  }
0x3e: {  	[spmem:s8] =	stream.linear.scatter [tilespmem:s16], [sflag:$0x2], $0x4000, $0x38;
	[tilespmem:$0x1E000] =	vst v63  }
0x3f: {  	_ =	swait.ge [sflag:s17], $0x4000  }
0x40: {  	[sflag:s17] =	ssyncset.done $0x0  }
0x41: {  	[sflag:s17] =	ssyncadd.s32 $0xFFFFC000  }
0x42: {  	[spmem:s9] =	stream.linear.scatter [tilespmem:s16], [sflag:$0x2], $0x4000, $0x38;
	[tilespmem:$0x1E000] =	vst v63  }
.Ltmp3:
0x43: {  	_ =	swait.ge [sflag:s17], $0x4000;
	(pc) =	sbr.rel @!p0 .LBB2_4-.Ltmp3, $4  }
0x44: {  	[sflag:s17] =	ssyncset.done $0x0  }
0x45: {  	[sflag:s17] =	ssyncadd.s32 $0xFFFFC000  }
0x46: {  	[bflag:$0x0] =	sbarrier.arrive $0xFFFF  }
0x47: {  	s21 =	simm.s32 $0x0  }
0x48: {  	[tilespmem:s21], [sflag:$0x2] =	stream.linear.gather [hbm4b:s12+s21], $0x2000, $0x38;
	[tilespmem:$0x1E000] =	vst v63  }
0x49: {  	_ =	swait.ge [sflag:s17], $0x2000  }
0x4a: {  	[sflag:s17] =	ssyncset.done $0x0  }
0x4b: {  	[sflag:s17] =	ssyncadd.s32 $0xFFFFE000  }
0x4c: {  	[tilespmem:s18], [sflag:$0x2] =	stream.linear.gather [hbm4b:s13+s21], $0x2000, $0x38;
	[tilespmem:$0x1E000] =	vst v63  }
0x4d: {  	_ =	swait.ge [sflag:s17], $0x2000  }
0x4e: {  	[sflag:s17] =	ssyncset.done $0x0  }
0x4f: {  	s30 =	simm.s32 $0x0;
	[sflag:s17] =	ssyncadd.s32 $0xFFFFE000  }
0x50: {  	[tilespmem:s16], [sflag:$0x1] =	stream.indirect.gather [hbm4b:s0+s19], $0x80, s30, s19, $0xb8;
	[tilespmem:$0x1E000] =	vst v63  }
0x51: {  	_ =	swait.ge [sflag:s20], $0x4000  }
0x52: {  	[sflag:s20] =	ssyncset.done $0x0  }
0x53: {  	s31 =	simm.s32 $0x3000;
	[sflag:s20] =	ssyncadd.s32 $0xFFFFC000  }
0x54: {  	[spmem:s3] =	stream.indirect.scatter.add.f32 [tilespmem:s16], [sflag:$0x2], $0x80, s31, s19, $0xb8;
	[tilespmem:$0x1E000] =	vst v63  }
0x55: {  	_ =	swait.ge [sflag:s17], $0x4000  }
0x56: {  	s22 =	simm.s32 $0x400;
	s21 =	simm.s32 $0x200;
	[sflag:s17] =	ssyncset.done $0x0  }
.LBB2_8:
0x57: {  	s23 =	sshra.s32 s21, $0x2  }
0x58: {  	[sflag:s17] =	ssyncadd.s32 $0xFFFFC000;
	s21 =	smov.u32 s22;
	s24 =	sadd.s32 $0x200, s22  }
0x59: {  	[tilespmem:s16], [sflag:$0x1] =	stream.indirect.gather [hbm4b:s0+s19], $0x80, s23, s19, $0xb8;
	[tilespmem:$0x1E000] =	vst v63  }
0x5a: {  	p1 =	sne.s32 s22, $0x7E00;
	_ =	swait.ge [sflag:s20], $0x4000  }
.Ltmp4:
0x5b: {  	[sflag:s20] =	ssyncset.done $0x0;
	(pc) =	sbr.rel @p1 .LBB2_8-.Ltmp4, $4  }
0x5c: {  	s22 =	sadd.s32 $0x3000, s23;
	[sflag:s20] =	ssyncadd.s32 $0xFFFFC000  }
0x5d: {  	[spmem:s3] =	stream.indirect.scatter.add.f32 [tilespmem:s16], [sflag:$0x2], $0x80, s22, s19, $0xb8;
	[tilespmem:$0x1E000] =	vst v63  }
0x5e: {  	_ =	swait.ge [sflag:s17], $0x4000  }
0x5f: {  	s22 =	smov.u32 s24;
	[sflag:s17] =	ssyncset.done $0x0  }
0x60: {  	s21 =	sshra.s32 s21, $0x2;
	[sflag:s17] =	ssyncadd.s32 $0xFFFFC000  }
0x61: {  	[tilespmem:s16], [sflag:$0x1] =	stream.indirect.gather [hbm4b:s0+s19], $0x80, s21, s19, $0xb8;
	[tilespmem:$0x1E000] =	vst v63  }
0x62: {  	_ =	swait.ge [sflag:s20], $0x4000  }
0x63: {  	[sflag:s20] =	ssyncset.done $0x0  }
.Ltmp5:
0x64: {  	s21 =	sadd.s32 $0x3000, s21;
	[sflag:s20] =	ssyncadd.s32 $0xFFFFC000;
	(pc) =	sbr.rel .LBB2_10-.Ltmp5, $4  }
0x65: {  	[spmem:s3] =	stream.indirect.scatter.add.f32 [tilespmem:s16], [sflag:$0x2], $0x80, s21, s19, $0xb8;
	[tilespmem:$0x1E000] =	vst v63  }
0x66: {  	_ =	swait.ge [sflag:s17], $0x4000  }
0x67: {  	[sflag:s17] =	ssyncset.done $0x0  }
0x68: {  	[sflag:s17] =	ssyncadd.s32 $0xFFFFC000  }
.LBB2_4:
0x69: {  	[tilespmem:s21], [sflag:$0x2] =	stream.linear.gather [hbm4b:s10+s21], $0x3000, $0x38;
	[tilespmem:$0x1E000] =	vst v63  }
0x6a: {  	_ =	swait.ge [sflag:s17], $0x3000  }
0x6b: {  	[sflag:s17] =	ssyncset.done $0x0  }
0x6c: {  	[sflag:s17] =	ssyncadd.s32 $0xFFFFD000  }
0x6d: {  	[tilespmem:s18], [sflag:$0x2] =	stream.linear.gather [hbm4b:s11+s21], $0x3000, $0x38;
	[tilespmem:$0x1E000] =	vst v63  }
0x6e: {  	_ =	swait.ge [sflag:s17], $0x3000  }
0x6f: {  	[sflag:s17] =	ssyncset.done $0x0  }
0x70: {  	s30 =	simm.s32 $0x0;
	[sflag:s17] =	ssyncadd.s32 $0xFFFFD000  }
0x71: {  	[tilespmem:s16], [sflag:$0x1] =	stream.indirect.gather [hbm4b:s0+s19], $0x80, s30, s19, $0xb8;
	[tilespmem:$0x1E000] =	vst v63  }
0x72: {  	_ =	swait.ge [sflag:s20], $0x4000  }
0x73: {  	[sflag:s20] =	ssyncset.done $0x0  }
0x74: {  	s31 =	simm.s32 $0x3000;
	[sflag:s20] =	ssyncadd.s32 $0xFFFFC000  }
0x75: {  	[spmem:s3] =	stream.indirect.scatter.add.f32 [tilespmem:s16], [sflag:$0x2], $0x80, s31, s19, $0xb8;
	[tilespmem:$0x1E000] =	vst v63  }
0x76: {  	_ =	swait.ge [sflag:s17], $0x4000  }
0x77: {  	s22 =	simm.s32 $0x400;
	s21 =	simm.s32 $0x200;
	[sflag:s17] =	ssyncset.done $0x0  }
.LBB2_5:
0x78: {  	s23 =	sshra.s32 s21, $0x2  }
0x79: {  	[sflag:s17] =	ssyncadd.s32 $0xFFFFC000;
	s21 =	smov.u32 s22;
	s24 =	sadd.s32 $0x200, s22  }
0x7a: {  	[tilespmem:s16], [sflag:$0x1] =	stream.indirect.gather [hbm4b:s0+s19], $0x80, s23, s19, $0xb8;
	[tilespmem:$0x1E000] =	vst v63  }
0x7b: {  	p1 =	seq.s32 s22, $0xBE00;
	_ =	swait.ge [sflag:s20], $0x4000  }
.Ltmp6:
0x7c: {  	[sflag:s20] =	ssyncset.done $0x0;
	(pc) =	sbr.rel @!p1 .LBB2_5-.Ltmp6, $4  }
0x7d: {  	s22 =	sadd.s32 $0x3000, s23;
	[sflag:s20] =	ssyncadd.s32 $0xFFFFC000  }
0x7e: {  	[spmem:s3] =	stream.indirect.scatter.add.f32 [tilespmem:s16], [sflag:$0x2], $0x80, s22, s19, $0xb8;
	[tilespmem:$0x1E000] =	vst v63  }
0x7f: {  	_ =	swait.ge [sflag:s17], $0x4000  }
0x80: {  	s22 =	smov.u32 s24;
	[sflag:s17] =	ssyncset.done $0x0  }
.Ltmp7:
0x81: {  	_ = 	snop;
	(pc) =	sbr.rel .LBB2_6-.Ltmp7, $1  }
0x82: {  	_ =	sdelay $0x3  }
.LBB2_11:
0x83: {  	_ =	sfence.sel $0x180000  }
0x84: {  	[bflag:$0x0] =	sbarrier.arrive $0xFFFF  }
0x85: {  	p0 =	sne.s32 s2, $0x0;
	_ =	strace $0x90000047  }
0x86: {  	s0 =	sadd.s32 @!p0 $0x100000, s1;
	[bflag:$0x2] =	sbarrier.arrive $0xFFFF  }
0x87: {  	[sflag:s0] =	ssyncadd.tile.s32 @!p0 $0x1;
	_ =	shalt  }
.Lfunc_end2:
_tile_overlayer_lowered:
.L_overlay_start_2:
0x88: {  	(tag) =	ssettag $0x2  }
0x89: {  	s0 =	rddreg [dreg:$0x0];
	s2 =	stileid.u32  }
0x8a: {  	s1 =	rddreg [dreg:$0x1];
	p0 =	sne.s32 s2, $0x0  }
0x8b: {  	s3 =	rddreg [dreg:$0x2];
	[bflag:$0x3] =	sbarrier.arrive $0xFFFF;
	s2 =	simm.s32 @!p0 $0x1C02  }
0x8c: {  	[timem:s3], [sflag:s2] =	dma.local @!p0 [hbm:s0], s1  }
0x8d: {  	s0 =	simm.s32 @!p0 $0x2  }
0x8e: {  	_ =	swait.ge @!p0 [sflag:s0], s1  }
0x8f: {  	s1 =	ssub.s32 @!p0 $0x0, s1;
	[sflag:s0] =	ssyncset.done @!p0 $0x0  }
0x90: {  	[sflag:s0] =	ssyncadd.s32 @!p0 s1  }
0x91: {  	[bflag:$0x3] =	sbarrier.arrive $0xFFFF  }
0x92: {  	_ =	shalt  }

// kernel: kernel.17.cloned.1.call-start
scs
__scs_entry_jumppad:
0x0: {  	(pc) =	sbr.rel $0x88, $3  }
0x1: {  	(tag) =	ssettag $0x0;
	lr =	simm.s32 $0x1  }
0x2: {  	[smem:$0x3F92] =	sst lr;
	_ =	strace $0xD0000000  }
0x3: {  	_ = 	snop  }
0x4: {  	_ = 	snop  }
0x5: {  	_ = 	snop  }
0x6: {  	_ = 	snop  }
0x7: {  	_ = 	snop  }
__scs_overlays_trampoline_lowered:
0x8: {  	[smem:$0x3FA1] =	sst s0  }
0x9: {  	[smem:$0x3FA2] =	sst s1  }
0xa: {  	[smem:$0x3FA3] =	sst s2  }
0xb: {  	[smem:$0x3FA4] =	sst s3  }
0xc: {  	[smem:$0x3FA5] =	sst s4  }
0xd: {  	[smem:$0x3FA6] =	sst s5  }
0xe: {  	[smem:$0x3FA7] =	sst s6  }
0xf: {  	[smem:$0x3FA8] =	sst s7  }
0x10: {  	[smem:$0x3FA9] =	sst s8  }
0x11: {  	[smem:$0x3FAA] =	sst s9;
	s0 =	simm.s32 @!p0 $0x0  }
0x12: {  	s1 =	sld [smem:$0x3F90];
	s0 =	simm.s32 @p0 $0x1  }
0x13: {  	[smem:$0x3FAB] =	sst s0;
	s0 =	simm.s32 @!p1 $0x0  }
0x14: {  	s2 =	sld [smem:$0x3F8F];
	s0 =	simm.s32 @p1 $0x1  }
0x15: {  	[smem:$0x3FAC] =	sst s0;
	s0 =	simm.s32 @!p2 $0x0  }
0x16: {  	s3 =	sld [smem:$0x3FDB];
	s0 =	simm.s32 @p2 $0x1  }
0x17: {  	s4 =	simm.s32 $0x1BF5;
	[smem:$0x3FAE] =	sst s0  }
0x18: {  	s0 =	sld [smem:$0x3F91];
	_ =	swait.ge [sflag:s4], $0x0  }
0x19: {  	s7 =	sld [smem:$0x3F92]  }
0x1a: {  	s8 =	sadd.s32 $0xFFFFE003, lr  }
0x1b: {  	s9 =	sadd.s32 $0xFFFFFEF7, lr;
	s5 =	simm.s32 $0xFFFFFFFF;
	p2 =	slt.u32 s8, $0xFFFFF086  }
0x1c: {  	p1 =	slt.u32 s9, $0xF7A;
	s5 =	simm.s32 @!p2 $0x0  }
0x1d: {  	s5 =	simm.s32 @p1 $0x1;
	p0 =	seq.s32 s7, s2  }
0x1e: {  	s7 =	smul.u32 @!p0 $0xF7A, s2;
	p2 =	seq.s32 @!p0 s5, $0x0  }
0x1f: {  	s9 =	smul.u32 $0xF7A, s1;
	s8 =	simm.s32 @!p0 $0x1BF5;
	p2 =	por !p2, p0  }
0x20: {  	[sflag:s8] =	ssyncset.s32 @!p0 $0xFFFFF086;
	s6 =	sadd.s32 @!p0 s3, s7;
	s7 =	simm.s32 @!p0 $0x108  }
0x21: {  	s3 =	sadd.s32 s3, s9;
	s6 =	sadd.s32 @!p0 $0x88, s6;
	s7 =	simm.s32 @p2 $0x1082  }
0x22: {  	[simem:s7], [sflag:s8] =	dma.local @!p0 [hbm:s6], $0xF7A  }
0x23: {  	s9 =	sor.u32 $0xD0000000, s2;
	s6 =	simm.s32 $0x108;
	_ =	swait.ge @!p0 [sflag:s8], $0x0  }
0x24: {  	s3 =	sadd.s32 $0x88, s3;
	s6 =	simm.s32 @!p1 $0x1082;
	[sflag:s4] =	ssyncset.s32 $0xFFFFF086  }
0x25: {  	[simem:s6], [sflag:s4] =	dma.local [hbm:s3], $0xF7A  }
0x26: {  	[smem:$0x3F92] =	sst s1;
	(tag) =	ssettag s2;
	_ =	strace s9  }
0x27: {  	s1 =	sld [smem:$0x3FA2]  }
0x28: {  	s2 =	sld [smem:$0x3FA3]  }
0x29: {  	s4 =	sld [smem:$0x3FA5]  }
0x2a: {  	p0 =	seq.s32 s5, $0x0;
	s5 =	sld [smem:$0x3FA6]  }
0x2b: {  	s6 =	sld [smem:$0x3FA7]  }
0x2c: {  	s7 =	sld [smem:$0x3FA8]  }
0x2d: {  	s3 =	simm.s32 $0x108;
	s8 =	sld [smem:$0x3FA9]  }
0x2e: {  	s3 =	simm.s32 @!p0 $0x1082;
	s9 =	sld [smem:$0x3FAA]  }
0x2f: {  	lr =	sadd.s32 s0, s3;
	s0 =	sld [smem:$0x3FA1]  }
0x30: {  	s3 =	sld [smem:$0x3FA4]  }
0x31: {  	[smem:$0x3FAD] =	sst s10  }
0x32: {  	s10 =	sld [smem:$0x3FAB];
	_ =	sdelay $0x3  }
0x33: {  	p0 =	seq.s32 s10, $0x1;
	s10 =	sld [smem:$0x3FAD];
	_ =	sdelay $0x3  }
0x34: {  	[smem:$0x3FAD] =	sst s10  }
0x35: {  	s10 =	sld [smem:$0x3FAC];
	_ =	sdelay $0x3  }
0x36: {  	p1 =	seq.s32 s10, $0x1;
	s10 =	sld [smem:$0x3FAD];
	_ =	sdelay $0x3  }
0x37: {  	[smem:$0x3FAD] =	sst s10  }
0x38: {  	s10 =	sld [smem:$0x3FAE]  }
0x39: {  	_ = 	snop;
	(pc) =	sbr.ind lr, $3  }
0x3a: {  	_ = 	snop  }
0x3b: {  	_ = 	snop  }
0x3c: {  	p2 =	seq.s32 s10, $0x1;
	s10 =	sld [smem:$0x3FAD]  }
0x3d: {  	_ =	shalt  }
0x3e: {  	_ =	shalt  }
0x3f: {  	_ =	shalt  }
0x40: {  	_ =	shalt  }
0x41: {  	_ =	shalt  }
0x42: {  	_ =	shalt  }
0x43: {  	_ =	shalt  }
0x44: {  	_ =	shalt  }
0x45: {  	_ =	shalt  }
0x46: {  	_ =	shalt  }
0x47: {  	_ =	shalt  }
0x48: {  	_ =	shalt  }
0x49: {  	_ =	shalt  }
0x4a: {  	_ =	shalt  }
0x4b: {  	_ =	shalt  }
0x4c: {  	_ =	shalt  }
0x4d: {  	_ =	shalt  }
0x4e: {  	_ =	shalt  }
0x4f: {  	_ =	shalt  }
0x50: {  	_ =	shalt  }
0x51: {  	_ =	shalt  }
0x52: {  	_ =	shalt  }
0x53: {  	_ =	shalt  }
0x54: {  	_ =	shalt  }
0x55: {  	_ =	shalt  }
0x56: {  	_ =	shalt  }
0x57: {  	_ =	shalt  }
0x58: {  	_ =	shalt  }
0x59: {  	_ =	shalt  }
0x5a: {  	_ =	shalt  }
0x5b: {  	_ =	shalt  }
0x5c: {  	_ =	shalt  }
0x5d: {  	_ =	shalt  }
0x5e: {  	_ =	shalt  }
0x5f: {  	_ =	shalt  }
0x60: {  	_ =	shalt  }
0x61: {  	_ =	shalt  }
0x62: {  	_ =	shalt  }
0x63: {  	_ =	shalt  }
0x64: {  	_ =	shalt  }
0x65: {  	_ =	shalt  }
0x66: {  	_ =	shalt  }
0x67: {  	_ =	shalt  }
0x68: {  	_ =	shalt  }
0x69: {  	_ =	shalt  }
0x6a: {  	_ =	shalt  }
0x6b: {  	_ =	shalt  }
0x6c: {  	_ =	shalt  }
0x6d: {  	_ =	shalt  }
0x6e: {  	_ =	shalt  }
0x6f: {  	_ =	shalt  }
0x70: {  	_ =	shalt  }
0x71: {  	_ =	shalt  }
0x72: {  	_ =	shalt  }
0x73: {  	_ =	shalt  }
0x74: {  	_ =	shalt  }
0x75: {  	_ =	shalt  }
0x76: {  	_ =	shalt  }
0x77: {  	_ =	shalt  }
0x78: {  	_ =	shalt  }
0x79: {  	_ =	shalt  }
0x7a: {  	_ =	shalt  }
0x7b: {  	_ =	shalt  }
0x7c: {  	_ =	shalt  }
0x7d: {  	_ =	shalt  }
0x7e: {  	_ =	shalt  }
0x7f: {  	_ =	shalt  }
0x80: {  	_ =	shalt  }
0x81: {  	_ =	shalt  }
0x82: {  	_ =	shalt  }
0x83: {  	_ =	shalt  }
0x84: {  	_ =	shalt  }
0x85: {  	_ =	shalt  }
0x86: {  	_ =	shalt  }
0x87: {  	_ =	shalt  }
.Lfunc_end0:
.L_simem_size_0:
called_computation.2_lowered:
.L_overlay_start_0:
0x88: {  	s2 =	sld [smem:$0x3FD9]  }
0x89: {  	s3 =	sld [smem:$0x3FFE];
	_ =	sdelay $0x1  }
0x8a: {  	s1 =	srdreg.scid  }
0x8b: {  	s0 =	sand.u32 $0x1, s1  }
0x8c: {  	s17 =	sshll.u32 s0, $0xA;
	s2 =	sadd.s32 s3, s2  }
0x8d: {  	s2 =	sadd.s32 s2, s17  }
0x8e: {  	[smem:$0x3FB9] =	sst s2  }
0x8f: {  	_ = 	snop  }
0x90: {  	s2 =	sld [smem:$0x3FD0];
	(tm) =	ssettm $0x1  }
0x91: {  	s18 =	sld [smem:$0x3FFB];
	_ =	sdelay $0x3  }
0x92: {  	_ =	strace s18  }
0x93: {  	s3 =	sld [smem:$0x3FFC];
	_ =	sdelay $0x3  }
0x94: {  	_ =	strace s3  }
0x95: {  	s3 =	sld [smem:$0x3FFD];
	_ =	sdelay $0x3  }
0x96: {  	_ =	strace s3  }
0x97: {  	_ =	strace $0x8FFFFFFF  }
0x98: {  	s19 =	sld [smem:$0x3FDB];
	_ =	sdelay $0x1  }
0x99: {  	s4 =	simm.s32 $_scs_section_size  }
0x9a: {  	s5 =	simm.s32 $_size__tile_overlayer_lowered;
	s6 =	simm.s32 $_tile_overlayer_lowered  }
0x9b: {  	s22 =	simm.s32 $0x1BFF;
	s21 =	sshll.u32 s6, $0x1;
	s3 =	sadd.s32 s4, s19  }
0x9c: {  	s7 =	simm.s32 $0x0;
	s20 =	sshll.u32 s5, $0x1;
	s5 =	sadd.s32 s21, s3  }
0x9d: {  	[timem:s7], [sflag:s22] =	dma.local [hbm:s5], s20  }
0x9e: {  	_ =	swait.ge [sflag:s22], s20  }
0x9f: {  	s4 =	ssub.s32 $0x0, s20;
	[sflag:s22] =	ssyncset.done $0x0  }
0xa0: {  	[sflag:s22] =	ssyncadd.s32 s4;
	_ =	sdelay $0x1  }
0xa1: {  	s23 =	simm.s32 $0x1B8B  }
0xa2: {  	_ =	swait.ge [sflag:s23], $0x1  }
0xa3: {  	[sflag:s23] =	ssyncset.done $0x0  }
0xa4: {  	s25 =	simm.s32 $0x1B8E;
	s24 =	sld [smem:$0x3FFE];
	[sflag:s23] =	ssyncadd.s32 $0xFFFFFFFF  }
0xa5: {  	s26 =	simm.s32 $execute0_lowered;
	[smem:$0x3FD2] =	sst s25  }
0xa6: {  	s5 =	sshll.u32 s26, $0x1;
	_ =	strace $0x8000004C;
	[dreg:$0x1] =	wrdreg $0xFFFFFFFF  }
0xa7: {  	s28 =	simm.s32 $_size_execute0_lowered;
	s3 =	sadd.s32 s3, s5;
	[dreg:$0x0] =	wrdreg $0x0  }
0xa8: {  	s5 =	sshll.u32 s28, $0x1;
	[dreg:$0x2] =	wrdreg s3  }
0xa9: {  	[dreg:$0x3] =	wrdreg s5  }
0xaa: {  	[dreg:$0x4] =	wrdreg $0xC0  }
0xab: {  	_ =	task [dreg:s7], $0x5FFFF  }
0xac: {  	[dreg:$0x1] =	wrdreg $0xFFFFFFFF  }
0xad: {  	[dreg:$0x0] =	wrdreg $0x60  }
0xae: {  	[dreg:$0x2] =	wrdreg s2  }
0xaf: {  	[dreg:$0x3] =	wrdreg s24  }
0xb0: {  	[dreg:$0x4] =	wrdreg $0xA0000  }
0xb1: {  	[dreg:$0x5] =	wrdreg $0x9  }
0xb2: {  	_ =	task.clear_ibuf [dreg:s7], $0x6FFFF;
	_ =	strace $0x9000004C  }
0xb3: {  	s29 =	simm.s32 $0x9;
	_ =	strace $0x8000004E  }
0xb4: {  	_ =	swait.ge [sflag:s29], $0x1  }
0xb5: {  	[sflag:s29] =	ssyncadd.s32 $0xFFFFFFFF  }
0xb6: {  	_ =	strace $0x9000004E  }
0xb7: {  	_ =	sfence  }
0xb8: {  	s30 =	sld [smem:$0x0];
	_ =	sdelay $0x2  }
0xb9: {  	s31 =	sshll.u32 s1, $0xD;
	s1 =	sshrl.u32 s1, $0x2  }
0xba: {  	s3 =	sand.u32 $0x4000, s31;
	s1 =	sadd.s32 s1, s30  }
0xbb: {  	s0 =	sor.u32 s3, s0;
	s1 =	sshll.u32 s1, $0x11  }
0xbc: {  	s0 =	sor.u32 s1, s0  }
0xbd: {  	s0 =	sadd.s32 $0x8F2B, s0  }
0xbe: {  	[sflag:s0] =	ssyncadd.remote.s32 $0x1  }
0xbf: {  	_ =	sfence.sel $0xFFFF  }
0xc0: {  	[dreg:$0x0] =	wrdreg $0xFFFFFFFF;
	(pc) =	sbr.abs _section_cstart, $3  }
0xc1: {  	[dreg:$0x1] =	wrdreg $0xFFFFFFFF  }
0xc2: {  	_ =	task.clear_ibuf [dreg:s7], $0x2FFFF;
	_ =	strace $0x9FFFFFFF  }
0xc3: {  	(tm) =	ssettm $0x7FFFFFFF  }
tec
execute0_lowered:
.L_overlay_start_1:
0x0: {  	(tag) =	ssettag $0x1  }
0x1: {  	s0 =	rddreg [dreg:$0x0]  }
0x2: {  	s6 =	rddreg [dreg:$0x1]  }
0x3: {  	s1 =	srdreg.scid;
	s3 =	rddreg [dreg:$0x2]  }
0x4: {  	s2 =	stileid.u32;
	s4 =	simm.s32 $0x0;
	s17 =	simm.s32 $0x2  }
0x5: {  	s18 =	simm.s32 $0x3000;
	s19 =	simm.s32 $0x80;
	s20 =	simm.s32 $0x1  }
0x6: {  	s10 =	sand.u32 $0x1, s1;
	s1 =	rddreg [dreg:$0x3];
	s7 =	smul.u32 $0x14000, s2  }
0x7: {  	[smem:$0x7FF] =	sst s4;
	s8 =	smul.u32 $0x50000, s2;
	s12 =	sadd.s32 $0xE000, s6  }
0x8: {  	s13 =	sadd.s32 $0x3E00, s6;
	s31 =	smul.u32 $0x600, s2;
	s16 =	sshll.u32 s2, $0xA  }
0x9: {  	s5 =	smul.u32 $0x140000, s10;
	_ =	strace $0x8000004D;
	s30 =	ssub.s32 $0x2, s10  }
0xa: {  	p0 =	seq.s32 s10, $0x1;
	s16 =	sadd.s32 $0x6000, s16;
	s8 =	sshrl.u32 s8, $0x2  }
0xb: {  	s11 =	sshrl.u32 s30, $0x1;
	s10 =	sadd.s32 s12, s31;
	s12 =	sadd.s32 s12, s16  }
.Ltmp0:
0xc: {  	s5 =	sadd.s32 s7, s5;
	s15 =	ssub.s32 s30, s11;
	(pc) =	sbr.rel .LBB2_1-.Ltmp0, $4  }
0xd: {  	s11 =	sadd.s32 s13, s31;
	s13 =	sadd.s32 s13, s16;
	s16 =	simm.s32 $0x6000  }
0xe: {  	s9 =	sshrl.u32 s5, $0x3;
	s5 =	sadd.s32 s8, s3;
	s15 =	smax.u32 s15, $0x1  }
0xf: {  	s14 =	sadd.s32 s9, s6;
	s6 =	sadd.s32 $0x4000, s5;
	s7 =	sadd.s32 $0x8000, s5  }
0x10: {  	v0 =	vimm.f32 $0.0e+00;
	s8 =	sadd.s32 $0xC000, s5;
	s9 =	sadd.s32 $0x10000, s5;
	s14 =	sadd.s32 $0x18200, s14  }
.LBB2_6:
0x11: {  	s21 =	sshra.s32 s21, $0x2;
	[sflag:s17] =	ssyncadd.s32 $0xFFFFC000  }
0x12: {  	[tilespmem:s16], [sflag:$0x1] =	stream.indirect.gather [hbm4b:s0+s19], $0x80, s21, s19, $0xb8;
	[tilespmem:$0x1E000] =	vst v63  }
0x13: {  	_ =	swait.ge [sflag:s20], $0x4000  }
0x14: {  	[sflag:s20] =	ssyncset.done $0x0  }
0x15: {  	s21 =	sadd.s32 $0x3000, s21;
	[sflag:s20] =	ssyncadd.s32 $0xFFFFC000  }
0x16: {  	[spmem:s3] =	stream.indirect.scatter.add.f32 [tilespmem:s16], [sflag:$0x2], $0x80, s21, s19, $0xb8;
	[tilespmem:$0x1E000] =	vst v63  }
0x17: {  	_ =	swait.ge [sflag:s17], $0x4000  }
0x18: {  	[sflag:s17] =	ssyncset.done $0x0  }
0x19: {  	[sflag:s17] =	ssyncadd.s32 $0xFFFFC000  }
.LBB2_10:
0x1a: {  	s4 =	sadd.s32 $0x1, s4  }
0x1b: {  	s21 =	sshll.u32 s2, $0x6;
	[bflag:$0x0] =	sbarrier.arrive $0xFFFF;
	p1 =	sne.s32 s4, s15  }
.Ltmp1:
0x1c: {  	s22 =	sshrl.u32 s5, $0x3;
	s21 =	sor.u32 $0x1C02, s21;
	(pc) =	sbr.rel @!p1 .LBB2_11-.Ltmp1, $4  }
0x1d: {  	[hbm:s14], [sflag:s21] =	dma.local [spmem:s22], $0x2800  }
0x1e: {  	_ =	swait.ge [sflag:s17], $0x2800  }
0x1f: {  	[sflag:s17] =	ssyncset.done $0x0  }
0x20: {  	[sflag:s17] =	ssyncadd.s32 $0xFFFFD800  }
.LBB2_1:
0x21: {  	s21 =	simm.s32 $0x0;
	s22 =	simm.s32 $0x200  }
.LBB2_2:
0x22: {  	p1 =	sne.s32 s22, $0xFE00;
	[tilespmem:s21+$0x6070] =	vst v0  }
0x23: {  	[tilespmem:s21+$0x6000] =	vst v0  }
0x24: {  	[tilespmem:s21+$0x6010] =	vst v0  }
.Ltmp2:
0x25: {  	[tilespmem:s21+$0x6020] =	vst v0;
	(pc) =	sbr.rel @p1 .LBB2_2-.Ltmp2, $4  }
0x26: {  	[tilespmem:s21+$0x6030] =	vst v0  }
0x27: {  	[tilespmem:s21+$0x6040] =	vst v0  }
0x28: {  	[tilespmem:s21+$0x6050] =	vst v0  }
0x29: {  	[tilespmem:s21+$0x6060] =	vst v0;
	s21 =	sshra.s32 s22, $0x2;
	s22 =	sadd.s32 $0x200, s22  }
0x2a: {  	[tilespmem:s21+$0x6070] =	vst v0  }
0x2b: {  	[tilespmem:s21+$0x6000] =	vst v0  }
0x2c: {  	[tilespmem:s21+$0x6010] =	vst v0  }
0x2d: {  	[tilespmem:s21+$0x6020] =	vst v0  }
0x2e: {  	[tilespmem:s21+$0x6030] =	vst v0  }
0x2f: {  	[tilespmem:s21+$0x6040] =	vst v0  }
0x30: {  	[tilespmem:s21+$0x6050] =	vst v0  }
0x31: {  	[tilespmem:s21+$0x6060] =	vst v0  }
0x32: {  	[spmem:s5] =	stream.linear.scatter [tilespmem:s16], [sflag:$0x2], $0x4000, $0x38;
	[tilespmem:$0x1E000] =	vst v63  }
0x33: {  	_ =	swait.ge [sflag:s17], $0x4000  }
0x34: {  	[sflag:s17] =	ssyncset.done $0x0  }
0x35: {  	[sflag:s17] =	ssyncadd.s32 $0xFFFFC000  }
0x36: {  	[spmem:s6] =	stream.linear.scatter [tilespmem:s16], [sflag:$0x2], $0x4000, $0x38;
	[tilespmem:$0x1E000] =	vst v63  }
0x37: {  	_ =	swait.ge [sflag:s17], $0x4000  }
0x38: {  	[sflag:s17] =	ssyncset.done $0x0  }
0x39: {  	[sflag:s17] =	ssyncadd.s32 $0xFFFFC000  }
0x3a: {  	[spmem:s7] =	stream.linear.scatter [tilespmem:s16], [sflag:$0x2], $0x4000, $0x38;
	[tilespmem:$0x1E000] =	vst v63  }
0x3b: {  	_ =	swait.ge [sflag:s17], $0x4000  }
0x3c: {  	[sflag:s17] =	ssyncset.done $0x0  }
0x3d: {  	[sflag:s17] =	ssyncadd.s32 $0xFFFFC000  }
0x3e: {  	[spmem:s8] =	stream.linear.scatter [tilespmem:s16], [sflag:$0x2], $0x4000, $0x38;
	[tilespmem:$0x1E000] =	vst v63  }
0x3f: {  	_ =	swait.ge [sflag:s17], $0x4000  }
0x40: {  	[sflag:s17] =	ssyncset.done $0x0  }
0x41: {  	[sflag:s17] =	ssyncadd.s32 $0xFFFFC000  }
0x42: {  	[spmem:s9] =	stream.linear.scatter [tilespmem:s16], [sflag:$0x2], $0x4000, $0x38;
	[tilespmem:$0x1E000] =	vst v63  }
.Ltmp3:
0x43: {  	_ =	swait.ge [sflag:s17], $0x4000;
	(pc) =	sbr.rel @!p0 .LBB2_4-.Ltmp3, $4  }
0x44: {  	[sflag:s17] =	ssyncset.done $0x0  }
0x45: {  	[sflag:s17] =	ssyncadd.s32 $0xFFFFC000  }
0x46: {  	[bflag:$0x0] =	sbarrier.arrive $0xFFFF  }
0x47: {  	s21 =	simm.s32 $0x0  }
0x48: {  	[tilespmem:s21], [sflag:$0x2] =	stream.linear.gather [hbm4b:s12+s21], $0x2000, $0x38;
	[tilespmem:$0x1E000] =	vst v63  }
0x49: {  	_ =	swait.ge [sflag:s17], $0x2000  }
0x4a: {  	[sflag:s17] =	ssyncset.done $0x0  }
0x4b: {  	[sflag:s17] =	ssyncadd.s32 $0xFFFFE000  }
0x4c: {  	[tilespmem:s18], [sflag:$0x2] =	stream.linear.gather [hbm4b:s13+s21], $0x2000, $0x38;
	[tilespmem:$0x1E000] =	vst v63  }
0x4d: {  	_ =	swait.ge [sflag:s17], $0x2000  }
0x4e: {  	[sflag:s17] =	ssyncset.done $0x0  }
0x4f: {  	s30 =	simm.s32 $0x0;
	[sflag:s17] =	ssyncadd.s32 $0xFFFFE000  }
0x50: {  	[tilespmem:s16], [sflag:$0x1] =	stream.indirect.gather [hbm4b:s0+s19], $0x80, s30, s19, $0xb8;
	[tilespmem:$0x1E000] =	vst v63  }
0x51: {  	_ =	swait.ge [sflag:s20], $0x4000  }
0x52: {  	[sflag:s20] =	ssyncset.done $0x0  }
0x53: {  	s31 =	simm.s32 $0x3000;
	[sflag:s20] =	ssyncadd.s32 $0xFFFFC000  }
0x54: {  	[spmem:s3] =	stream.indirect.scatter.add.f32 [tilespmem:s16], [sflag:$0x2], $0x80, s31, s19, $0xb8;
	[tilespmem:$0x1E000] =	vst v63  }
0x55: {  	_ =	swait.ge [sflag:s17], $0x4000  }
0x56: {  	s22 =	simm.s32 $0x400;
	s21 =	simm.s32 $0x200;
	[sflag:s17] =	ssyncset.done $0x0  }
.LBB2_8:
0x57: {  	s23 =	sshra.s32 s21, $0x2  }
0x58: {  	[sflag:s17] =	ssyncadd.s32 $0xFFFFC000;
	s21 =	smov.u32 s22;
	s24 =	sadd.s32 $0x200, s22  }
0x59: {  	[tilespmem:s16], [sflag:$0x1] =	stream.indirect.gather [hbm4b:s0+s19], $0x80, s23, s19, $0xb8;
	[tilespmem:$0x1E000] =	vst v63  }
0x5a: {  	p1 =	sne.s32 s22, $0x7E00;
	_ =	swait.ge [sflag:s20], $0x4000  }
.Ltmp4:
0x5b: {  	[sflag:s20] =	ssyncset.done $0x0;
	(pc) =	sbr.rel @p1 .LBB2_8-.Ltmp4, $4  }
0x5c: {  	s22 =	sadd.s32 $0x3000, s23;
	[sflag:s20] =	ssyncadd.s32 $0xFFFFC000  }
0x5d: {  	[spmem:s3] =	stream.indirect.scatter.add.f32 [tilespmem:s16], [sflag:$0x2], $0x80, s22, s19, $0xb8;
	[tilespmem:$0x1E000] =	vst v63  }
0x5e: {  	_ =	swait.ge [sflag:s17], $0x4000  }
0x5f: {  	s22 =	smov.u32 s24;
	[sflag:s17] =	ssyncset.done $0x0  }
0x60: {  	s21 =	sshra.s32 s21, $0x2;
	[sflag:s17] =	ssyncadd.s32 $0xFFFFC000  }
0x61: {  	[tilespmem:s16], [sflag:$0x1] =	stream.indirect.gather [hbm4b:s0+s19], $0x80, s21, s19, $0xb8;
	[tilespmem:$0x1E000] =	vst v63  }
0x62: {  	_ =	swait.ge [sflag:s20], $0x4000  }
0x63: {  	[sflag:s20] =	ssyncset.done $0x0  }
.Ltmp5:
0x64: {  	s21 =	sadd.s32 $0x3000, s21;
	[sflag:s20] =	ssyncadd.s32 $0xFFFFC000;
	(pc) =	sbr.rel .LBB2_10-.Ltmp5, $4  }
0x65: {  	[spmem:s3] =	stream.indirect.scatter.add.f32 [tilespmem:s16], [sflag:$0x2], $0x80, s21, s19, $0xb8;
	[tilespmem:$0x1E000] =	vst v63  }
0x66: {  	_ =	swait.ge [sflag:s17], $0x4000  }
0x67: {  	[sflag:s17] =	ssyncset.done $0x0  }
0x68: {  	[sflag:s17] =	ssyncadd.s32 $0xFFFFC000  }
.LBB2_4:
0x69: {  	[tilespmem:s21], [sflag:$0x2] =	stream.linear.gather [hbm4b:s10+s21], $0x3000, $0x38;
	[tilespmem:$0x1E000] =	vst v63  }
0x6a: {  	_ =	swait.ge [sflag:s17], $0x3000  }
0x6b: {  	[sflag:s17] =	ssyncset.done $0x0  }
0x6c: {  	[sflag:s17] =	ssyncadd.s32 $0xFFFFD000  }
0x6d: {  	[tilespmem:s18], [sflag:$0x2] =	stream.linear.gather [hbm4b:s11+s21], $0x3000, $0x38;
	[tilespmem:$0x1E000] =	vst v63  }
0x6e: {  	_ =	swait.ge [sflag:s17], $0x3000  }
0x6f: {  	[sflag:s17] =	ssyncset.done $0x0  }
0x70: {  	s30 =	simm.s32 $0x0;
	[sflag:s17] =	ssyncadd.s32 $0xFFFFD000  }
0x71: {  	[tilespmem:s16], [sflag:$0x1] =	stream.indirect.gather [hbm4b:s0+s19], $0x80, s30, s19, $0xb8;
	[tilespmem:$0x1E000] =	vst v63  }
0x72: {  	_ =	swait.ge [sflag:s20], $0x4000  }
0x73: {  	[sflag:s20] =	ssyncset.done $0x0  }
0x74: {  	s31 =	simm.s32 $0x3000;
	[sflag:s20] =	ssyncadd.s32 $0xFFFFC000  }
0x75: {  	[spmem:s3] =	stream.indirect.scatter.add.f32 [tilespmem:s16], [sflag:$0x2], $0x80, s31, s19, $0xb8;
	[tilespmem:$0x1E000] =	vst v63  }
0x76: {  	_ =	swait.ge [sflag:s17], $0x4000  }
0x77: {  	s22 =	simm.s32 $0x400;
	s21 =	simm.s32 $0x200;
	[sflag:s17] =	ssyncset.done $0x0  }
.LBB2_5:
0x78: {  	s23 =	sshra.s32 s21, $0x2  }
0x79: {  	[sflag:s17] =	ssyncadd.s32 $0xFFFFC000;
	s21 =	smov.u32 s22;
	s24 =	sadd.s32 $0x200, s22  }
0x7a: {  	[tilespmem:s16], [sflag:$0x1] =	stream.indirect.gather [hbm4b:s0+s19], $0x80, s23, s19, $0xb8;
	[tilespmem:$0x1E000] =	vst v63  }
0x7b: {  	p1 =	seq.s32 s22, $0xBE00;
	_ =	swait.ge [sflag:s20], $0x4000  }
.Ltmp6:
0x7c: {  	[sflag:s20] =	ssyncset.done $0x0;
	(pc) =	sbr.rel @!p1 .LBB2_5-.Ltmp6, $4  }
0x7d: {  	s22 =	sadd.s32 $0x3000, s23;
	[sflag:s20] =	ssyncadd.s32 $0xFFFFC000  }
0x7e: {  	[spmem:s3] =	stream.indirect.scatter.add.f32 [tilespmem:s16], [sflag:$0x2], $0x80, s22, s19, $0xb8;
	[tilespmem:$0x1E000] =	vst v63  }
0x7f: {  	_ =	swait.ge [sflag:s17], $0x4000  }
0x80: {  	s22 =	smov.u32 s24;
	[sflag:s17] =	ssyncset.done $0x0  }
.Ltmp7:
0x81: {  	_ = 	snop;
	(pc) =	sbr.rel .LBB2_6-.Ltmp7, $1  }
0x82: {  	_ =	sdelay $0x3  }
.LBB2_11:
0x83: {  	_ =	sfence.sel $0x180000  }
0x84: {  	[bflag:$0x0] =	sbarrier.arrive $0xFFFF  }
0x85: {  	p0 =	sne.s32 s2, $0x0;
	_ =	strace $0x9000004D  }
0x86: {  	s0 =	sadd.s32 @!p0 $0x100000, s1;
	[bflag:$0x2] =	sbarrier.arrive $0xFFFF  }
0x87: {  	[sflag:s0] =	ssyncadd.tile.s32 @!p0 $0x1;
	_ =	shalt  }
.Lfunc_end2:
_tile_overlayer_lowered:
.L_overlay_start_2:
0x88: {  	(tag) =	ssettag $0x2  }
0x89: {  	s0 =	rddreg [dreg:$0x0];
	s2 =	stileid.u32  }
0x8a: {  	s1 =	rddreg [dreg:$0x1];
	p0 =	sne.s32 s2, $0x0  }
0x8b: {  	s3 =	rddreg [dreg:$0x2];
	[bflag:$0x3] =	sbarrier.arrive $0xFFFF;
	s2 =	simm.s32 @!p0 $0x1C02  }
0x8c: {  	[timem:s3], [sflag:s2] =	dma.local @!p0 [hbm:s0], s1  }
0x8d: {  	s0 =	simm.s32 @!p0 $0x2  }
0x8e: {  	_ =	swait.ge @!p0 [sflag:s0], s1  }
0x8f: {  	s1 =	ssub.s32 @!p0 $0x0, s1;
	[sflag:s0] =	ssyncset.done @!p0 $0x0  }
0x90: {  	[sflag:s0] =	ssyncadd.s32 @!p0 s1  }
0x91: {  	[bflag:$0x3] =	sbarrier.arrive $0xFFFF  }
0x92: {  	_ =	shalt  }

// kernel: kernel.20.cloned.1.call-start
scs
__scs_entry_jumppad:
0x0: {  	(pc) =	sbr.rel $0x88, $3  }
0x1: {  	(tag) =	ssettag $0x0;
	lr =	simm.s32 $0x1  }
0x2: {  	[smem:$0x3F92] =	sst lr;
	_ =	strace $0xD0000000  }
0x3: {  	_ = 	snop  }
0x4: {  	_ = 	snop  }
0x5: {  	_ = 	snop  }
0x6: {  	_ = 	snop  }
0x7: {  	_ = 	snop  }
__scs_overlays_trampoline_lowered:
0x8: {  	[smem:$0x3FA1] =	sst s0  }
0x9: {  	[smem:$0x3FA2] =	sst s1  }
0xa: {  	[smem:$0x3FA3] =	sst s2  }
0xb: {  	[smem:$0x3FA4] =	sst s3  }
0xc: {  	[smem:$0x3FA5] =	sst s4  }
0xd: {  	[smem:$0x3FA6] =	sst s5  }
0xe: {  	[smem:$0x3FA7] =	sst s6  }
0xf: {  	[smem:$0x3FA8] =	sst s7  }
0x10: {  	[smem:$0x3FA9] =	sst s8  }
0x11: {  	[smem:$0x3FAA] =	sst s9;
	s0 =	simm.s32 @!p0 $0x0  }
0x12: {  	s1 =	sld [smem:$0x3F90];
	s0 =	simm.s32 @p0 $0x1  }
0x13: {  	[smem:$0x3FAB] =	sst s0;
	s0 =	simm.s32 @!p1 $0x0  }
0x14: {  	s2 =	sld [smem:$0x3F8F];
	s0 =	simm.s32 @p1 $0x1  }
0x15: {  	[smem:$0x3FAC] =	sst s0;
	s0 =	simm.s32 @!p2 $0x0  }
0x16: {  	s3 =	sld [smem:$0x3FDB];
	s0 =	simm.s32 @p2 $0x1  }
0x17: {  	s4 =	simm.s32 $0x1BF5;
	[smem:$0x3FAE] =	sst s0  }
0x18: {  	s0 =	sld [smem:$0x3F91];
	_ =	swait.ge [sflag:s4], $0x0  }
0x19: {  	s7 =	sld [smem:$0x3F92]  }
0x1a: {  	s8 =	sadd.s32 $0xFFFFE003, lr  }
0x1b: {  	s9 =	sadd.s32 $0xFFFFFEF7, lr;
	s5 =	simm.s32 $0xFFFFFFFF;
	p2 =	slt.u32 s8, $0xFFFFF086  }
0x1c: {  	p1 =	slt.u32 s9, $0xF7A;
	s5 =	simm.s32 @!p2 $0x0  }
0x1d: {  	s5 =	simm.s32 @p1 $0x1;
	p0 =	seq.s32 s7, s2  }
0x1e: {  	s7 =	smul.u32 @!p0 $0xF7A, s2;
	p2 =	seq.s32 @!p0 s5, $0x0  }
0x1f: {  	s9 =	smul.u32 $0xF7A, s1;
	s8 =	simm.s32 @!p0 $0x1BF5;
	p2 =	por !p2, p0  }
0x20: {  	[sflag:s8] =	ssyncset.s32 @!p0 $0xFFFFF086;
	s6 =	sadd.s32 @!p0 s3, s7;
	s7 =	simm.s32 @!p0 $0x108  }
0x21: {  	s3 =	sadd.s32 s3, s9;
	s6 =	sadd.s32 @!p0 $0x88, s6;
	s7 =	simm.s32 @p2 $0x1082  }
0x22: {  	[simem:s7], [sflag:s8] =	dma.local @!p0 [hbm:s6], $0xF7A  }
0x23: {  	s9 =	sor.u32 $0xD0000000, s2;
	s6 =	simm.s32 $0x108;
	_ =	swait.ge @!p0 [sflag:s8], $0x0  }
0x24: {  	s3 =	sadd.s32 $0x88, s3;
	s6 =	simm.s32 @!p1 $0x1082;
	[sflag:s4] =	ssyncset.s32 $0xFFFFF086  }
0x25: {  	[simem:s6], [sflag:s4] =	dma.local [hbm:s3], $0xF7A  }
0x26: {  	[smem:$0x3F92] =	sst s1;
	(tag) =	ssettag s2;
	_ =	strace s9  }
0x27: {  	s1 =	sld [smem:$0x3FA2]  }
0x28: {  	s2 =	sld [smem:$0x3FA3]  }
0x29: {  	s4 =	sld [smem:$0x3FA5]  }
0x2a: {  	p0 =	seq.s32 s5, $0x0;
	s5 =	sld [smem:$0x3FA6]  }
0x2b: {  	s6 =	sld [smem:$0x3FA7]  }
0x2c: {  	s7 =	sld [smem:$0x3FA8]  }
0x2d: {  	s3 =	simm.s32 $0x108;
	s8 =	sld [smem:$0x3FA9]  }
0x2e: {  	s3 =	simm.s32 @!p0 $0x1082;
	s9 =	sld [smem:$0x3FAA]  }
0x2f: {  	lr =	sadd.s32 s0, s3;
	s0 =	sld [smem:$0x3FA1]  }
0x30: {  	s3 =	sld [smem:$0x3FA4]  }
0x31: {  	[smem:$0x3FAD] =	sst s10  }
0x32: {  	s10 =	sld [smem:$0x3FAB];
	_ =	sdelay $0x3  }
0x33: {  	p0 =	seq.s32 s10, $0x1;
	s10 =	sld [smem:$0x3FAD];
	_ =	sdelay $0x3  }
0x34: {  	[smem:$0x3FAD] =	sst s10  }
0x35: {  	s10 =	sld [smem:$0x3FAC];
	_ =	sdelay $0x3  }
0x36: {  	p1 =	seq.s32 s10, $0x1;
	s10 =	sld [smem:$0x3FAD];
	_ =	sdelay $0x3  }
0x37: {  	[smem:$0x3FAD] =	sst s10  }
0x38: {  	s10 =	sld [smem:$0x3FAE]  }
0x39: {  	_ = 	snop;
	(pc) =	sbr.ind lr, $3  }
0x3a: {  	_ = 	snop  }
0x3b: {  	_ = 	snop  }
0x3c: {  	p2 =	seq.s32 s10, $0x1;
	s10 =	sld [smem:$0x3FAD]  }
0x3d: {  	_ =	shalt  }
0x3e: {  	_ =	shalt  }
0x3f: {  	_ =	shalt  }
0x40: {  	_ =	shalt  }
0x41: {  	_ =	shalt  }
0x42: {  	_ =	shalt  }
0x43: {  	_ =	shalt  }
0x44: {  	_ =	shalt  }
0x45: {  	_ =	shalt  }
0x46: {  	_ =	shalt  }
0x47: {  	_ =	shalt  }
0x48: {  	_ =	shalt  }
0x49: {  	_ =	shalt  }
0x4a: {  	_ =	shalt  }
0x4b: {  	_ =	shalt  }
0x4c: {  	_ =	shalt  }
0x4d: {  	_ =	shalt  }
0x4e: {  	_ =	shalt  }
0x4f: {  	_ =	shalt  }
0x50: {  	_ =	shalt  }
0x51: {  	_ =	shalt  }
0x52: {  	_ =	shalt  }
0x53: {  	_ =	shalt  }
0x54: {  	_ =	shalt  }
0x55: {  	_ =	shalt  }
0x56: {  	_ =	shalt  }
0x57: {  	_ =	shalt  }
0x58: {  	_ =	shalt  }
0x59: {  	_ =	shalt  }
0x5a: {  	_ =	shalt  }
0x5b: {  	_ =	shalt  }
0x5c: {  	_ =	shalt  }
0x5d: {  	_ =	shalt  }
0x5e: {  	_ =	shalt  }
0x5f: {  	_ =	shalt  }
0x60: {  	_ =	shalt  }
0x61: {  	_ =	shalt  }
0x62: {  	_ =	shalt  }
0x63: {  	_ =	shalt  }
0x64: {  	_ =	shalt  }
0x65: {  	_ =	shalt  }
0x66: {  	_ =	shalt  }
0x67: {  	_ =	shalt  }
0x68: {  	_ =	shalt  }
0x69: {  	_ =	shalt  }
0x6a: {  	_ =	shalt  }
0x6b: {  	_ =	shalt  }
0x6c: {  	_ =	shalt  }
0x6d: {  	_ =	shalt  }
0x6e: {  	_ =	shalt  }
0x6f: {  	_ =	shalt  }
0x70: {  	_ =	shalt  }
0x71: {  	_ =	shalt  }
0x72: {  	_ =	shalt  }
0x73: {  	_ =	shalt  }
0x74: {  	_ =	shalt  }
0x75: {  	_ =	shalt  }
0x76: {  	_ =	shalt  }
0x77: {  	_ =	shalt  }
0x78: {  	_ =	shalt  }
0x79: {  	_ =	shalt  }
0x7a: {  	_ =	shalt  }
0x7b: {  	_ =	shalt  }
0x7c: {  	_ =	shalt  }
0x7d: {  	_ =	shalt  }
0x7e: {  	_ =	shalt  }
0x7f: {  	_ =	shalt  }
0x80: {  	_ =	shalt  }
0x81: {  	_ =	shalt  }
0x82: {  	_ =	shalt  }
0x83: {  	_ =	shalt  }
0x84: {  	_ =	shalt  }
0x85: {  	_ =	shalt  }
0x86: {  	_ =	shalt  }
0x87: {  	_ =	shalt  }
.Lfunc_end0:
.L_simem_size_0:
called_computation.3_lowered:
.L_overlay_start_0:
0x88: {  	s2 =	sld [smem:$0x3FD9]  }
0x89: {  	s3 =	sld [smem:$0x3FFE];
	_ =	sdelay $0x1  }
0x8a: {  	s1 =	srdreg.scid  }
0x8b: {  	s0 =	sand.u32 $0x1, s1  }
0x8c: {  	s17 =	sshll.u32 s0, $0xA;
	s2 =	sadd.s32 s3, s2  }
0x8d: {  	s2 =	sadd.s32 s2, s17  }
0x8e: {  	[smem:$0x3FB9] =	sst s2  }
0x8f: {  	_ = 	snop  }
0x90: {  	s2 =	sld [smem:$0x3FD0];
	(tm) =	ssettm $0x1  }
0x91: {  	s18 =	sld [smem:$0x3FFB];
	_ =	sdelay $0x3  }
0x92: {  	_ =	strace s18  }
0x93: {  	s3 =	sld [smem:$0x3FFC];
	_ =	sdelay $0x3  }
0x94: {  	_ =	strace s3  }
0x95: {  	s3 =	sld [smem:$0x3FFD];
	_ =	sdelay $0x3  }
0x96: {  	_ =	strace s3  }
0x97: {  	_ =	strace $0x8FFFFFFF  }
0x98: {  	s19 =	sld [smem:$0x3FDB];
	_ =	sdelay $0x1  }
0x99: {  	s4 =	simm.s32 $_scs_section_size  }
0x9a: {  	s5 =	simm.s32 $_size__tile_overlayer_lowered;
	s6 =	simm.s32 $_tile_overlayer_lowered  }
0x9b: {  	s22 =	simm.s32 $0x1BFF;
	s21 =	sshll.u32 s6, $0x1;
	s3 =	sadd.s32 s4, s19  }
0x9c: {  	s7 =	simm.s32 $0x0;
	s20 =	sshll.u32 s5, $0x1;
	s5 =	sadd.s32 s21, s3  }
0x9d: {  	[timem:s7], [sflag:s22] =	dma.local [hbm:s5], s20  }
0x9e: {  	_ =	swait.ge [sflag:s22], s20  }
0x9f: {  	s4 =	ssub.s32 $0x0, s20;
	[sflag:s22] =	ssyncset.done $0x0  }
0xa0: {  	[sflag:s22] =	ssyncadd.s32 s4;
	_ =	sdelay $0x1  }
0xa1: {  	s23 =	simm.s32 $0x1B8B  }
0xa2: {  	_ =	swait.ge [sflag:s23], $0x1  }
0xa3: {  	[sflag:s23] =	ssyncset.done $0x0  }
0xa4: {  	s25 =	simm.s32 $0x1B8E;
	s24 =	sld [smem:$0x3FFE];
	[sflag:s23] =	ssyncadd.s32 $0xFFFFFFFF  }
0xa5: {  	s26 =	simm.s32 $execute0_lowered;
	[smem:$0x3FD2] =	sst s25  }
0xa6: {  	s5 =	sshll.u32 s26, $0x1;
	_ =	strace $0x8000004F;
	[dreg:$0x1] =	wrdreg $0xFFFFFFFF  }
0xa7: {  	s28 =	simm.s32 $_size_execute0_lowered;
	s3 =	sadd.s32 s3, s5;
	[dreg:$0x0] =	wrdreg $0x0  }
0xa8: {  	s5 =	sshll.u32 s28, $0x1;
	[dreg:$0x2] =	wrdreg s3  }
0xa9: {  	[dreg:$0x3] =	wrdreg s5  }
0xaa: {  	[dreg:$0x4] =	wrdreg $0xC0  }
0xab: {  	_ =	task [dreg:s7], $0x5FFFF  }
0xac: {  	[dreg:$0x1] =	wrdreg $0xFFFFFFFF  }
0xad: {  	[dreg:$0x0] =	wrdreg $0x60  }
0xae: {  	[dreg:$0x2] =	wrdreg s2  }
0xaf: {  	[dreg:$0x3] =	wrdreg s24  }
0xb0: {  	[dreg:$0x4] =	wrdreg $0xA0000  }
0xb1: {  	[dreg:$0x5] =	wrdreg $0x9  }
0xb2: {  	_ =	task.clear_ibuf [dreg:s7], $0x6FFFF;
	_ =	strace $0x9000004F  }
0xb3: {  	s29 =	simm.s32 $0x9;
	_ =	strace $0x80000051  }
0xb4: {  	_ =	swait.ge [sflag:s29], $0x1  }
0xb5: {  	[sflag:s29] =	ssyncadd.s32 $0xFFFFFFFF  }
0xb6: {  	_ =	strace $0x90000051  }
0xb7: {  	_ =	sfence  }
0xb8: {  	s30 =	sld [smem:$0x0];
	_ =	sdelay $0x2  }
0xb9: {  	s31 =	sshll.u32 s1, $0xD;
	s1 =	sshrl.u32 s1, $0x2  }
0xba: {  	s3 =	sand.u32 $0x4000, s31;
	s1 =	sadd.s32 s1, s30  }
0xbb: {  	s0 =	sor.u32 s3, s0;
	s1 =	sshll.u32 s1, $0x11  }
0xbc: {  	s0 =	sor.u32 s1, s0  }
0xbd: {  	s0 =	sadd.s32 $0x8F2B, s0  }
0xbe: {  	[sflag:s0] =	ssyncadd.remote.s32 $0x1  }
0xbf: {  	_ =	sfence.sel $0xFFFF  }
0xc0: {  	[dreg:$0x0] =	wrdreg $0xFFFFFFFF;
	(pc) =	sbr.abs _section_cstart, $3  }
0xc1: {  	[dreg:$0x1] =	wrdreg $0xFFFFFFFF  }
0xc2: {  	_ =	task.clear_ibuf [dreg:s7], $0x2FFFF;
	_ =	strace $0x9FFFFFFF  }
0xc3: {  	(tm) =	ssettm $0x7FFFFFFF  }
tec
execute0_lowered:
.L_overlay_start_1:
0x0: {  	(tag) =	ssettag $0x1  }
0x1: {  	s0 =	rddreg [dreg:$0x0]  }
0x2: {  	s6 =	rddreg [dreg:$0x1]  }
0x3: {  	s1 =	srdreg.scid;
	s3 =	rddreg [dreg:$0x2]  }
0x4: {  	s2 =	stileid.u32;
	s4 =	simm.s32 $0x0;
	s17 =	simm.s32 $0x2  }
0x5: {  	s18 =	simm.s32 $0x3000;
	s19 =	simm.s32 $0x80;
	s20 =	simm.s32 $0x1  }
0x6: {  	s10 =	sand.u32 $0x1, s1;
	s1 =	rddreg [dreg:$0x3];
	s7 =	smul.u32 $0x14000, s2  }
0x7: {  	[smem:$0x7FF] =	sst s4;
	s8 =	smul.u32 $0x50000, s2;
	s12 =	sadd.s32 $0xE000, s6  }
0x8: {  	s13 =	sadd.s32 $0x3E00, s6;
	s31 =	smul.u32 $0x600, s2;
	s16 =	sshll.u32 s2, $0xA  }
0x9: {  	s5 =	smul.u32 $0x140000, s10;
	_ =	strace $0x80000050;
	s30 =	ssub.s32 $0x2, s10  }
0xa: {  	p0 =	seq.s32 s10, $0x1;
	s16 =	sadd.s32 $0x6000, s16;
	s8 =	sshrl.u32 s8, $0x2  }
0xb: {  	s11 =	sshrl.u32 s30, $0x1;
	s10 =	sadd.s32 s12, s31;
	s12 =	sadd.s32 s12, s16  }
.Ltmp0:
0xc: {  	s5 =	sadd.s32 s7, s5;
	s15 =	ssub.s32 s30, s11;
	(pc) =	sbr.rel .LBB2_1-.Ltmp0, $4  }
0xd: {  	s11 =	sadd.s32 s13, s31;
	s13 =	sadd.s32 s13, s16;
	s16 =	simm.s32 $0x6000  }
0xe: {  	s9 =	sshrl.u32 s5, $0x3;
	s5 =	sadd.s32 s8, s3;
	s15 =	smax.u32 s15, $0x1  }
0xf: {  	s14 =	sadd.s32 s9, s6;
	s6 =	sadd.s32 $0x4000, s5;
	s7 =	sadd.s32 $0x8000, s5  }
0x10: {  	v0 =	vimm.f32 $0.0e+00;
	s8 =	sadd.s32 $0xC000, s5;
	s9 =	sadd.s32 $0x10000, s5;
	s14 =	sadd.s32 $0x18200, s14  }
.LBB2_6:
0x11: {  	s21 =	sshra.s32 s21, $0x2;
	[sflag:s17] =	ssyncadd.s32 $0xFFFFC000  }
0x12: {  	[tilespmem:s16], [sflag:$0x1] =	stream.indirect.gather [hbm4b:s0+s19], $0x80, s21, s19, $0xb8;
	[tilespmem:$0x1E000] =	vst v63  }
0x13: {  	_ =	swait.ge [sflag:s20], $0x4000  }
0x14: {  	[sflag:s20] =	ssyncset.done $0x0  }
0x15: {  	s21 =	sadd.s32 $0x3000, s21;
	[sflag:s20] =	ssyncadd.s32 $0xFFFFC000  }
0x16: {  	[spmem:s3] =	stream.indirect.scatter.add.f32 [tilespmem:s16], [sflag:$0x2], $0x80, s21, s19, $0xb8;
	[tilespmem:$0x1E000] =	vst v63  }
0x17: {  	_ =	swait.ge [sflag:s17], $0x4000  }
0x18: {  	[sflag:s17] =	ssyncset.done $0x0  }
0x19: {  	[sflag:s17] =	ssyncadd.s32 $0xFFFFC000  }
.LBB2_10:
0x1a: {  	s4 =	sadd.s32 $0x1, s4  }
0x1b: {  	s21 =	sshll.u32 s2, $0x6;
	[bflag:$0x0] =	sbarrier.arrive $0xFFFF;
	p1 =	sne.s32 s4, s15  }
.Ltmp1:
0x1c: {  	s22 =	sshrl.u32 s5, $0x3;
	s21 =	sor.u32 $0x1C02, s21;
	(pc) =	sbr.rel @!p1 .LBB2_11-.Ltmp1, $4  }
0x1d: {  	[hbm:s14], [sflag:s21] =	dma.local [spmem:s22], $0x2800  }
0x1e: {  	_ =	swait.ge [sflag:s17], $0x2800  }
0x1f: {  	[sflag:s17] =	ssyncset.done $0x0  }
0x20: {  	[sflag:s17] =	ssyncadd.s32 $0xFFFFD800  }
.LBB2_1:
0x21: {  	s21 =	simm.s32 $0x0;
	s22 =	simm.s32 $0x200  }
.LBB2_2:
0x22: {  	p1 =	sne.s32 s22, $0xFE00;
	[tilespmem:s21+$0x6070] =	vst v0  }
0x23: {  	[tilespmem:s21+$0x6000] =	vst v0  }
0x24: {  	[tilespmem:s21+$0x6010] =	vst v0  }
.Ltmp2:
0x25: {  	[tilespmem:s21+$0x6020] =	vst v0;
	(pc) =	sbr.rel @p1 .LBB2_2-.Ltmp2, $4  }
0x26: {  	[tilespmem:s21+$0x6030] =	vst v0  }
0x27: {  	[tilespmem:s21+$0x6040] =	vst v0  }
0x28: {  	[tilespmem:s21+$0x6050] =	vst v0  }
0x29: {  	[tilespmem:s21+$0x6060] =	vst v0;
	s21 =	sshra.s32 s22, $0x2;
	s22 =	sadd.s32 $0x200, s22  }
0x2a: {  	[tilespmem:s21+$0x6070] =	vst v0  }
0x2b: {  	[tilespmem:s21+$0x6000] =	vst v0  }
0x2c: {  	[tilespmem:s21+$0x6010] =	vst v0  }
0x2d: {  	[tilespmem:s21+$0x6020] =	vst v0  }
0x2e: {  	[tilespmem:s21+$0x6030] =	vst v0  }
0x2f: {  	[tilespmem:s21+$0x6040] =	vst v0  }
0x30: {  	[tilespmem:s21+$0x6050] =	vst v0  }
0x31: {  	[tilespmem:s21+$0x6060] =	vst v0  }
0x32: {  	[spmem:s5] =	stream.linear.scatter [tilespmem:s16], [sflag:$0x2], $0x4000, $0x38;
	[tilespmem:$0x1E000] =	vst v63  }
0x33: {  	_ =	swait.ge [sflag:s17], $0x4000  }
0x34: {  	[sflag:s17] =	ssyncset.done $0x0  }
0x35: {  	[sflag:s17] =	ssyncadd.s32 $0xFFFFC000  }
0x36: {  	[spmem:s6] =	stream.linear.scatter [tilespmem:s16], [sflag:$0x2], $0x4000, $0x38;
	[tilespmem:$0x1E000] =	vst v63  }
0x37: {  	_ =	swait.ge [sflag:s17], $0x4000  }
0x38: {  	[sflag:s17] =	ssyncset.done $0x0  }
0x39: {  	[sflag:s17] =	ssyncadd.s32 $0xFFFFC000  }
0x3a: {  	[spmem:s7] =	stream.linear.scatter [tilespmem:s16], [sflag:$0x2], $0x4000, $0x38;
	[tilespmem:$0x1E000] =	vst v63  }
0x3b: {  	_ =	swait.ge [sflag:s17], $0x4000  }
0x3c: {  	[sflag:s17] =	ssyncset.done $0x0  }
0x3d: {  	[sflag:s17] =	ssyncadd.s32 $0xFFFFC000  }
0x3e: {  	[spmem:s8] =	stream.linear.scatter [tilespmem:s16], [sflag:$0x2], $0x4000, $0x38;
	[tilespmem:$0x1E000] =	vst v63  }
0x3f: {  	_ =	swait.ge [sflag:s17], $0x4000  }
0x40: {  	[sflag:s17] =	ssyncset.done $0x0  }
0x41: {  	[sflag:s17] =	ssyncadd.s32 $0xFFFFC000  }
0x42: {  	[spmem:s9] =	stream.linear.scatter [tilespmem:s16], [sflag:$0x2], $0x4000, $0x38;
	[tilespmem:$0x1E000] =	vst v63  }
.Ltmp3:
0x43: {  	_ =	swait.ge [sflag:s17], $0x4000;
	(pc) =	sbr.rel @!p0 .LBB2_4-.Ltmp3, $4  }
0x44: {  	[sflag:s17] =	ssyncset.done $0x0  }
0x45: {  	[sflag:s17] =	ssyncadd.s32 $0xFFFFC000  }
0x46: {  	[bflag:$0x0] =	sbarrier.arrive $0xFFFF  }
0x47: {  	s21 =	simm.s32 $0x0  }
0x48: {  	[tilespmem:s21], [sflag:$0x2] =	stream.linear.gather [hbm4b:s12+s21], $0x2000, $0x38;
	[tilespmem:$0x1E000] =	vst v63  }
0x49: {  	_ =	swait.ge [sflag:s17], $0x2000  }
0x4a: {  	[sflag:s17] =	ssyncset.done $0x0  }
0x4b: {  	[sflag:s17] =	ssyncadd.s32 $0xFFFFE000  }
0x4c: {  	[tilespmem:s18], [sflag:$0x2] =	stream.linear.gather [hbm4b:s13+s21], $0x2000, $0x38;
	[tilespmem:$0x1E000] =	vst v63  }
0x4d: {  	_ =	swait.ge [sflag:s17], $0x2000  }
0x4e: {  	[sflag:s17] =	ssyncset.done $0x0  }
0x4f: {  	s30 =	simm.s32 $0x0;
	[sflag:s17] =	ssyncadd.s32 $0xFFFFE000  }
0x50: {  	[tilespmem:s16], [sflag:$0x1] =	stream.indirect.gather [hbm4b:s0+s19], $0x80, s30, s19, $0xb8;
	[tilespmem:$0x1E000] =	vst v63  }
0x51: {  	_ =	swait.ge [sflag:s20], $0x4000  }
0x52: {  	[sflag:s20] =	ssyncset.done $0x0  }
0x53: {  	s31 =	simm.s32 $0x3000;
	[sflag:s20] =	ssyncadd.s32 $0xFFFFC000  }
0x54: {  	[spmem:s3] =	stream.indirect.scatter.add.f32 [tilespmem:s16], [sflag:$0x2], $0x80, s31, s19, $0xb8;
	[tilespmem:$0x1E000] =	vst v63  }
0x55: {  	_ =	swait.ge [sflag:s17], $0x4000  }
0x56: {  	s22 =	simm.s32 $0x400;
	s21 =	simm.s32 $0x200;
	[sflag:s17] =	ssyncset.done $0x0  }
.LBB2_8:
0x57: {  	s23 =	sshra.s32 s21, $0x2  }
0x58: {  	[sflag:s17] =	ssyncadd.s32 $0xFFFFC000;
	s21 =	smov.u32 s22;
	s24 =	sadd.s32 $0x200, s22  }
0x59: {  	[tilespmem:s16], [sflag:$0x1] =	stream.indirect.gather [hbm4b:s0+s19], $0x80, s23, s19, $0xb8;
	[tilespmem:$0x1E000] =	vst v63  }
0x5a: {  	p1 =	sne.s32 s22, $0x7E00;
	_ =	swait.ge [sflag:s20], $0x4000  }
.Ltmp4:
0x5b: {  	[sflag:s20] =	ssyncset.done $0x0;
	(pc) =	sbr.rel @p1 .LBB2_8-.Ltmp4, $4  }
0x5c: {  	s22 =	sadd.s32 $0x3000, s23;
	[sflag:s20] =	ssyncadd.s32 $0xFFFFC000  }
0x5d: {  	[spmem:s3] =	stream.indirect.scatter.add.f32 [tilespmem:s16], [sflag:$0x2], $0x80, s22, s19, $0xb8;
	[tilespmem:$0x1E000] =	vst v63  }
0x5e: {  	_ =	swait.ge [sflag:s17], $0x4000  }
0x5f: {  	s22 =	smov.u32 s24;
	[sflag:s17] =	ssyncset.done $0x0  }
0x60: {  	s21 =	sshra.s32 s21, $0x2;
	[sflag:s17] =	ssyncadd.s32 $0xFFFFC000  }
0x61: {  	[tilespmem:s16], [sflag:$0x1] =	stream.indirect.gather [hbm4b:s0+s19], $0x80, s21, s19, $0xb8;
	[tilespmem:$0x1E000] =	vst v63  }
0x62: {  	_ =	swait.ge [sflag:s20], $0x4000  }
0x63: {  	[sflag:s20] =	ssyncset.done $0x0  }
.Ltmp5:
0x64: {  	s21 =	sadd.s32 $0x3000, s21;
	[sflag:s20] =	ssyncadd.s32 $0xFFFFC000;
	(pc) =	sbr.rel .LBB2_10-.Ltmp5, $4  }
0x65: {  	[spmem:s3] =	stream.indirect.scatter.add.f32 [tilespmem:s16], [sflag:$0x2], $0x80, s21, s19, $0xb8;
	[tilespmem:$0x1E000] =	vst v63  }
0x66: {  	_ =	swait.ge [sflag:s17], $0x4000  }
0x67: {  	[sflag:s17] =	ssyncset.done $0x0  }
0x68: {  	[sflag:s17] =	ssyncadd.s32 $0xFFFFC000  }
.LBB2_4:
0x69: {  	[tilespmem:s21], [sflag:$0x2] =	stream.linear.gather [hbm4b:s10+s21], $0x3000, $0x38;
	[tilespmem:$0x1E000] =	vst v63  }
0x6a: {  	_ =	swait.ge [sflag:s17], $0x3000  }
0x6b: {  	[sflag:s17] =	ssyncset.done $0x0  }
0x6c: {  	[sflag:s17] =	ssyncadd.s32 $0xFFFFD000  }
0x6d: {  	[tilespmem:s18], [sflag:$0x2] =	stream.linear.gather [hbm4b:s11+s21], $0x3000, $0x38;
	[tilespmem:$0x1E000] =	vst v63  }
0x6e: {  	_ =	swait.ge [sflag:s17], $0x3000  }
0x6f: {  	[sflag:s17] =	ssyncset.done $0x0  }
0x70: {  	s30 =	simm.s32 $0x0;
	[sflag:s17] =	ssyncadd.s32 $0xFFFFD000  }
0x71: {  	[tilespmem:s16], [sflag:$0x1] =	stream.indirect.gather [hbm4b:s0+s19], $0x80, s30, s19, $0xb8;
	[tilespmem:$0x1E000] =	vst v63  }
0x72: {  	_ =	swait.ge [sflag:s20], $0x4000  }
0x73: {  	[sflag:s20] =	ssyncset.done $0x0  }
0x74: {  	s31 =	simm.s32 $0x3000;
	[sflag:s20] =	ssyncadd.s32 $0xFFFFC000  }
0x75: {  	[spmem:s3] =	stream.indirect.scatter.add.f32 [tilespmem:s16], [sflag:$0x2], $0x80, s31, s19, $0xb8;
	[tilespmem:$0x1E000] =	vst v63  }
0x76: {  	_ =	swait.ge [sflag:s17], $0x4000  }
0x77: {  	s22 =	simm.s32 $0x400;
	s21 =	simm.s32 $0x200;
	[sflag:s17] =	ssyncset.done $0x0  }
.LBB2_5:
0x78: {  	s23 =	sshra.s32 s21, $0x2  }
0x79: {  	[sflag:s17] =	ssyncadd.s32 $0xFFFFC000;
	s21 =	smov.u32 s22;
	s24 =	sadd.s32 $0x200, s22  }
0x7a: {  	[tilespmem:s16], [sflag:$0x1] =	stream.indirect.gather [hbm4b:s0+s19], $0x80, s23, s19, $0xb8;
	[tilespmem:$0x1E000] =	vst v63  }
0x7b: {  	p1 =	seq.s32 s22, $0xBE00;
	_ =	swait.ge [sflag:s20], $0x4000  }
.Ltmp6:
0x7c: {  	[sflag:s20] =	ssyncset.done $0x0;
	(pc) =	sbr.rel @!p1 .LBB2_5-.Ltmp6, $4  }
0x7d: {  	s22 =	sadd.s32 $0x3000, s23;
	[sflag:s20] =	ssyncadd.s32 $0xFFFFC000  }
0x7e: {  	[spmem:s3] =	stream.indirect.scatter.add.f32 [tilespmem:s16], [sflag:$0x2], $0x80, s22, s19, $0xb8;
	[tilespmem:$0x1E000] =	vst v63  }
0x7f: {  	_ =	swait.ge [sflag:s17], $0x4000  }
0x80: {  	s22 =	smov.u32 s24;
	[sflag:s17] =	ssyncset.done $0x0  }
.Ltmp7:
0x81: {  	_ = 	snop;
	(pc) =	sbr.rel .LBB2_6-.Ltmp7, $1  }
0x82: {  	_ =	sdelay $0x3  }
.LBB2_11:
0x83: {  	_ =	sfence.sel $0x180000  }
0x84: {  	[bflag:$0x0] =	sbarrier.arrive $0xFFFF  }
0x85: {  	p0 =	sne.s32 s2, $0x0;
	_ =	strace $0x90000050  }
0x86: {  	s0 =	sadd.s32 @!p0 $0x100000, s1;
	[bflag:$0x2] =	sbarrier.arrive $0xFFFF  }
0x87: {  	[sflag:s0] =	ssyncadd.tile.s32 @!p0 $0x1;
	_ =	shalt  }
.Lfunc_end2:
_tile_overlayer_lowered:
.L_overlay_start_2:
0x88: {  	(tag) =	ssettag $0x2  }
0x89: {  	s0 =	rddreg [dreg:$0x0];
	s2 =	stileid.u32  }
0x8a: {  	s1 =	rddreg [dreg:$0x1];
	p0 =	sne.s32 s2, $0x0  }
0x8b: {  	s3 =	rddreg [dreg:$0x2];
	[bflag:$0x3] =	sbarrier.arrive $0xFFFF;
	s2 =	simm.s32 @!p0 $0x1C02  }
0x8c: {  	[timem:s3], [sflag:s2] =	dma.local @!p0 [hbm:s0], s1  }
0x8d: {  	s0 =	simm.s32 @!p0 $0x2  }
0x8e: {  	_ =	swait.ge @!p0 [sflag:s0], s1  }
0x8f: {  	s1 =	ssub.s32 @!p0 $0x0, s1;
	[sflag:s0] =	ssyncset.done @!p0 $0x0  }
0x90: {  	[sflag:s0] =	ssyncadd.s32 @!p0 s1  }
0x91: {  	[bflag:$0x3] =	sbarrier.arrive $0xFFFF  }
0x92: {  	_ =	shalt  }

</sc_bundles>
